<compile_context>
chip_gen: v7x
topology: tpu7x:2x2x1
jax: 0.10.2.dev20260603
libtpu: 0.0.44.dev20260713+nightly
codegen_flags: <defaults>
</compile_context>

<pallas_src>
import functools

import jax
import jax.numpy as jnp
from jax import lax
from jax.experimental import pallas as pl
from jax.experimental.pallas import tpu as pltpu
from jax.experimental.pallas import tpu_sc as plsc

N = 10000
NP = 10240
E = 320000
D = 128
NC = 2
NS = 16
NW = NC * NS
CH = 128
ROWS = E // CH
RMAX = 80
LAST = ROWS - RMAX * (NW - 1)
GRP = 32
ROWS_PAD = NW * RMAX
SLC = NP // NS
WIN = 8
HIGH = jax.lax.Precision.HIGHEST

_MESH = dict(core_axis_name="c", subcore_axis_name="s",
             num_cores=NC, num_subcores=NS)


def _sc_degrees(es, ed):

    @functools.partial(
        pl.kernel,
        out_type=jax.ShapeDtypeStruct((NC, 2, NP), jnp.float32),
        mesh=plsc.VectorSubcoreMesh(**_MESH),
        scratch_types=[
            pltpu.VMEM((RMAX, CH), jnp.int32),
            pltpu.VMEM((RMAX, CH), jnp.int32),
            pltpu.VMEM((CH,), jnp.float32),
            pltpu.VMEM((SLC,), jnp.float32),
            pltpu.VMEM_SHARED((NP,), jnp.float32),
            pltpu.VMEM_SHARED((NP,), jnp.float32),
            pltpu.SemaphoreType.DMA,
            pltpu.SemaphoreType.DMA,
        ],
    )
    def k(es_hbm, ed_hbm, out_hbm, idx_sb, idx_db, ones_v, z_v,
          hist_s, hist_d, sem_s, sem_d):
        cid = lax.axis_index("c")
        sid = lax.axis_index("s")
        w = cid * NS + sid
        start = RMAX * w
        cnt = jnp.where(w < NW - 1, RMAX, LAST)

        def fill_ones(t, carry):
            ones_v[pl.ds(t * 16, 16)] = jnp.ones((16,), jnp.float32)
            return carry

        lax.fori_loop(0, CH // 16, fill_ones, 0)

        def fill_zeros(t, carry):
            z_v[pl.ds(t * 16, 16)] = jnp.zeros((16,), jnp.float32)
            return carry

        lax.fori_loop(0, SLC // 16, fill_zeros, 0)

        pltpu.sync_copy(z_v, hist_s.at[pl.ds(sid * SLC, SLC)])
        pltpu.sync_copy(z_v, hist_d.at[pl.ds(sid * SLC, SLC)])
        pltpu.sync_copy(es_hbm.at[pl.ds(start, RMAX), :], idx_sb)
        pltpu.sync_copy(ed_hbm.at[pl.ds(start, RMAX), :], idx_db)
        plsc.subcore_barrier()

        def chunk(j, carry):
            pltpu.async_copy(ones_v, hist_s.at[idx_sb.at[j]], sem_s, add=True)
            pltpu.async_copy(ones_v, hist_d.at[idx_db.at[j]], sem_d, add=True)

            @pl.when(j >= WIN)
            def _():
                pltpu.make_async_copy(
                    ones_v, hist_s.at[idx_sb.at[j - WIN]], sem_s).wait()
                pltpu.make_async_copy(
                    ones_v, hist_d.at[idx_db.at[j - WIN]], sem_d).wait()

            return carry

        lax.fori_loop(0, cnt, chunk, 0)

        def drain(j, carry):
            pltpu.make_async_copy(ones_v, hist_s.at[idx_sb.at[j]], sem_s).wait()
            pltpu.make_async_copy(ones_v, hist_d.at[idx_db.at[j]], sem_d).wait()
            return carry

        lax.fori_loop(cnt - WIN, cnt, drain, 0)

        plsc.subcore_barrier()
        sl = pl.ds(sid * SLC, SLC)
        pltpu.sync_copy(hist_s.at[sl], out_hbm.at[cid, 0, sl])
        pltpu.sync_copy(hist_d.at[sl], out_hbm.at[cid, 1, sl])

    return k(es, ed)


def _tc_matmul(x_pad, W1):
    B = 1024
    G = NP // B

    def body(x_ref, w_ref, h_ref):
        h_ref[...] = jnp.dot(x_ref[...], w_ref[...],
                             preferred_element_type=jnp.float32,
                             precision=HIGH)

    return pl.pallas_call(
        body,
        grid=(G,),
        in_specs=[
            pl.BlockSpec((B, D), lambda i: (i, 0)),
            pl.BlockSpec((D, D), lambda i: (0, 0)),
        ],
        out_specs=pl.BlockSpec((B, D), lambda i: (i, 0)),
        out_shape=jax.ShapeDtypeStruct((NP, D), jnp.float32),
    )(x_pad, W1)


def _tc_scale(h, deg_t):
    B = 1024
    G = NP // B

    def body(h_ref, deg_ref, g_ref, rdeg_ref):
        dv = deg_ref[...]
        deg_o = dv[:, 0:1] + dv[:, 2:3] + 1.0
        deg_i = dv[:, 1:2] + dv[:, 3:4] + 1.0
        ro = jax.lax.rsqrt(deg_o)
        ri = jax.lax.rsqrt(deg_i)
        g_ref[...] = h_ref[...] * ro
        rdeg_ref[:, 0:1] = ro
        rdeg_ref[:, 1:2] = ri

    return pl.pallas_call(
        body,
        grid=(G,),
        in_specs=[
            pl.BlockSpec((B, D), lambda i: (i, 0)),
            pl.BlockSpec((B, 4), lambda i: (i, 0)),
        ],
        out_specs=[
            pl.BlockSpec((B, D), lambda i: (i, 0)),
            pl.BlockSpec((B, 2), lambda i: (i, 0)),
        ],
        out_shape=[
            jax.ShapeDtypeStruct((NP, D), jnp.float32),
            jax.ShapeDtypeStruct((NP, 2), jnp.float32),
        ],
    )(h, deg_t)


def _sc_scatter(g, es, ed, ri_arr):

    @functools.partial(
        pl.kernel,
        out_type=(
            jax.ShapeDtypeStruct((NC, NP, D), jnp.float32),
            jax.ShapeDtypeStruct((NC, NP), jnp.float32),
        ),
        mesh=plsc.VectorSubcoreMesh(**_MESH),
        scratch_types=[
            pltpu.VMEM((GRP, CH), jnp.int32),
            pltpu.VMEM((GRP, CH), jnp.int32),
            pltpu.VMEM((2, CH, D), jnp.float32),
            pltpu.VMEM((GRP, CH), jnp.float32),
            pltpu.VMEM_SHARED((NP, D), jnp.float32),
            pltpu.VMEM_SHARED((NP,), jnp.float32),
            pltpu.SemaphoreType.DMA,
            pltpu.SemaphoreType.DMA,
            pltpu.SemaphoreType.DMA,
            pltpu.SemaphoreType.DMA,
        ],
    )
    def k(g_hbm, es_hbm, ed_hbm, ri_hbm, acc_hbm, c_hbm,
          idx_sb, idx_db, rows2, vals_a, acc_sh, c_sh,
          sem_gr, sem_gv, sem_sr, sem_sv):
        cid = lax.axis_index("c")
        sid = lax.axis_index("s")
        w = cid * NS + sid
        start = RMAX * w
        cnt = jnp.where(w < NW - 1, RMAX, LAST)

        def zrows(t, carry):
            r = t // (D // 16)
            j = t % (D // 16)
            rows2[0, r, pl.ds(j * 16, 16)] = jnp.zeros((16,), jnp.float32)
            return carry

        lax.fori_loop(0, CH * (D // 16), zrows, 0)

        def zvals(t, carry):
            vals_a[0, pl.ds(t * 16, 16)] = jnp.zeros((16,), jnp.float32)
            return carry

        lax.fori_loop(0, CH // 16, zvals, 0)

        for b in range(SLC // CH):
            row0 = sid * SLC + b * CH
            pltpu.sync_copy(rows2.at[0], acc_sh.at[pl.ds(row0, CH), :])
            pltpu.sync_copy(vals_a.at[0], c_sh.at[pl.ds(row0, CH)])

        plsc.subcore_barrier()

        def g_rows(j, b):
            return pltpu.make_async_copy(
                g_hbm.at[idx_sb.at[j]], rows2.at[b], sem_gr)

        def g_vals(j):
            return pltpu.make_async_copy(
                ri_hbm.at[idx_db.at[j]], vals_a.at[j], sem_gv)

        def s_rows(j, b):
            return pltpu.make_async_copy(
                rows2.at[b], acc_sh.at[idx_db.at[j]], sem_sr)

        def s_vals(j):
            return pltpu.make_async_copy(
                vals_a.at[j], c_sh.at[idx_sb.at[j]], sem_sv)

        for grp in range(RMAX // GRP + 1):
            gcnt = jnp.clip(cnt - grp * GRP, 0, GRP)

            @pl.when(gcnt > 0)
            def _():
                pltpu.sync_copy(
                    es_hbm.at[pl.ds(start + grp * GRP, GRP), :], idx_sb)
                pltpu.sync_copy(
                    ed_hbm.at[pl.ds(start + grp * GRP, GRP), :], idx_db)
                g_rows(0, 0).start()

                def chunk(j, carry):
                    b = lax.rem(j, 2)
                    nb = 1 - b
                    g_vals(j).start()

                    @pl.when(j + 1 < gcnt)
                    def _():
                        @pl.when(j >= 1)
                        def _():
                            s_rows(j - 1, nb).wait()

                        g_rows(j + 1, nb).start()

                    g_rows(j, b).wait()
                    pltpu.async_copy(rows2.at[b], acc_sh.at[idx_db.at[j]],
                                     sem_sr, add=True)
                    return carry

                lax.fori_loop(0, gcnt, chunk, 0)

                def cphase(j, carry):
                    g_vals(j).wait()
                    pltpu.async_copy(vals_a.at[j], c_sh.at[idx_sb.at[j]],
                                     sem_sv, add=True)

                    @pl.when(j >= WIN)
                    def _():
                        s_vals(j - WIN).wait()

                    return carry

                lax.fori_loop(0, gcnt, cphase, 0)

                def cdrain(j, carry):
                    s_vals(j).wait()
                    return carry

                lax.fori_loop(jnp.maximum(gcnt - WIN, 0), gcnt, cdrain, 0)

                @pl.when(gcnt >= 2)
                def _():
                    s_rows(gcnt - 2, lax.rem(gcnt - 2, 2)).wait()

                s_rows(gcnt - 1, lax.rem(gcnt - 1, 2)).wait()

        plsc.subcore_barrier()
        sl = pl.ds(sid * SLC, SLC)
        pltpu.sync_copy(acc_sh.at[sl, :], acc_hbm.at[cid, sl, :])
        pltpu.sync_copy(c_sh.at[sl], c_hbm.at[cid, sl])

    return k(g, es, ed, ri_arr)


def _tc_final(acc, g, c_part, rdeg_t, W2, w_fc):
    B = 1024
    G = NP // B

    def body(a0_ref, a1_ref, g_ref, cp_ref, rd_ref, w2_ref, wfc_ref,
             out_ref, vacc):
        i = pl.program_id(0)
        m = jnp.maximum(a0_ref[0] + a1_ref[0] + g_ref[...], 0.0)
        ro = rd_ref[0:1, :]
        ri = rd_ref[1:2, :]
        cri = ro * (cp_ref[0:1, :] + cp_ref[1:2, :] + ri) * ri
        part = jnp.dot(cri, m, preferred_element_type=jnp.float32,
                       precision=HIGH)

        @pl.when(i == 0)
        def _():
            vacc[...] = part

        @pl.when(i > 0)
        def _():
            vacc[...] = vacc[...] + part

        @pl.when(i == G - 1)
        def _():
            u = jnp.dot(w2_ref[...], wfc_ref[...],
                        preferred_element_type=jnp.float32, precision=HIGH)
            s = jnp.dot(vacc[...], u, preferred_element_type=jnp.float32,
                        precision=HIGH) * (1.0 / N)
            out_ref[...] = jax.nn.sigmoid(s)

    return pl.pallas_call(
        body,
        grid=(G,),
        in_specs=[
            pl.BlockSpec((1, B, D), lambda i: (0, i, 0)),
            pl.BlockSpec((1, B, D), lambda i: (1, i, 0)),
            pl.BlockSpec((B, D), lambda i: (i, 0)),
            pl.BlockSpec((NC, B), lambda i: (0, i)),
            pl.BlockSpec((2, B), lambda i: (0, i)),
            pl.BlockSpec((D, D), lambda i: (0, 0)),
            pl.BlockSpec((D, 1), lambda i: (0, 0)),
        ],
        out_specs=pl.BlockSpec((1, 1), lambda i: (0, 0)),
        out_shape=jax.ShapeDtypeStruct((1, 1), jnp.float32),
        scratch_shapes=[pltpu.VMEM((1, D), jnp.float32)],
    )(acc, acc, g, c_part, rdeg_t, W2, w_fc)


def kernel(x, edge_index, i, p, W1, W2, w_fc):
    del i, p
    x_pad = jnp.pad(x, ((0, NP - N), (0, 0)))

    pad = ROWS_PAD * CH - E
    es = jnp.pad(edge_index[0], (0, pad)).reshape(ROWS_PAD, CH)
    ed = jnp.pad(edge_index[1], (0, pad)).reshape(ROWS_PAD, CH)
    h = _tc_matmul(x_pad, W1)
    deg = _sc_degrees(es, ed)
    deg_t = jnp.transpose(deg, (2, 0, 1)).reshape(NP, NC * 2)
    g, rdeg = _tc_scale(h, deg_t)
    rdeg_t = rdeg.T
    acc, c_part = _sc_scatter(g, es, ed, rdeg_t[1])
    return _tc_final(acc, g, c_part, rdeg_t, W2, w_fc)

# --- scband reference (transcript-rebuilt; emitter-appended) ---
"""Pipeline reference for scband-net-gcn-38671885533367 (READ-ONLY COPY).

The authoritative reference and input builder live on the scoring server;
editing this copy changes nothing except your own understanding.
"""

import jax, jax.numpy as jnp
import numpy as np

N = 10000
E = 320000
D_IN = 128
DIM = 128


def setup_inputs(seed: int = 0) -> dict:
    key = jax.random.key(seed)
    k1, k2, k3, k4, k5, k6 = jax.random.split(key, 6)
    x = jax.random.normal(k1, (N, D_IN), dtype=jnp.float32)
    edge_index = jax.random.randint(k2, (2, E), 0, N, dtype=jnp.int32)
    i = jnp.sort(jax.random.randint(k3, (N,), 0, 1, dtype=jnp.int32))
    p = jax.random.randint(k3, (N,), 0, 1, dtype=jnp.int32)
    # learned parameters (use_bias=False everywhere)
    W1 = jax.random.normal(k4, (D_IN, DIM), dtype=jnp.float32) * (1.0 / np.sqrt(D_IN))
    W2 = jax.random.normal(k5, (DIM, DIM), dtype=jnp.float32) * (1.0 / np.sqrt(DIM))
    w_fc = jax.random.normal(k6, (DIM, 1), dtype=jnp.float32) * (1.0 / np.sqrt(DIM))
    return {"x": x, "edge_index": edge_index, "i": i, "p": p, "W1": W1, "W2": W2, "w_fc": w_fc}


def _gcn_norm(edge_index, n):
    # add self-loops and compute symmetric GCN normalization coefficients
    loops = jnp.arange(n, dtype=edge_index.dtype)
    s = jnp.concatenate([edge_index[0], loops])
    d = jnp.concatenate([edge_index[1], loops])
    deg_out = jnp.zeros((n,), jnp.float32).at[s].add(1.0)
    deg_in = jnp.zeros((n,), jnp.float32).at[d].add(1.0)
    w = jax.lax.rsqrt(deg_out)[s] * jax.lax.rsqrt(deg_in)[d]
    return s, d, w


def _gcn_conv(x, W, s, d, w, n, relu):
    h = x @ W                      # x kernel first (spektral GCNConv)
    msg = h[s] * w[:, None]        # gather + per-edge normalization
    agg = jnp.zeros((n, h.shape[1]), h.dtype).at[d].add(msg)  # scatter-add
    if relu:
        agg = jax.nn.relu(agg)
    return agg


def reference(x, edge_index, i, p, W1, W2, w_fc):
    n = x.shape[0]
    s, d, w = _gcn_norm(edge_index, n)
    h = _gcn_conv(x, W1, s, d, w, n, relu=True)   # conv1: activation='relu'
    h = _gcn_conv(h, W2, s, d, w, n, relu=False)  # conv2: linear
    pooled = jnp.mean(h, axis=0, keepdims=True)   # global avg pool over nodes -> [1, DIM]
    out = jax.nn.sigmoid(pooled @ w_fc)           # Dense(1, sigmoid, use_bias=False) -> [1, 1]
    return out

if __name__ == "__main__":
    import jax
    _d = setup_inputs()
    print(jax.jit(kernel)(*tuple(_d.values())))

</pallas_src>

<mosaic_0001>
#map = affine_map<(d0, d1) -> (0, 0)>
#map1 = affine_map<(d0, d1) -> (0, 0, 0)>
module attributes {stable_mosaic.version = 14 : i64} {
  func.func @k(%arg0: i32, %arg1: i32, %arg2: memref<2560x128xi32, #tpu.memory_space<hbm>>, %arg3: memref<2560x128xi32, #tpu.memory_space<hbm>>, %arg4: memref<2x2x10240xf32, #tpu.memory_space<hbm>>, %arg5: memref<80x128xi32, #tpu.memory_space<vmem>>, %arg6: memref<80x128xi32, #tpu.memory_space<vmem>>, %arg7: memref<128xf32, #tpu.memory_space<vmem>>, %arg8: memref<640xf32, #tpu.memory_space<vmem>>, %arg9: memref<10240xf32, #tpu.memory_space<vmem_shared>>, %arg10: memref<10240xf32, #tpu.memory_space<vmem_shared>>, %arg11: memref<!tpu.dma_semaphore, #tpu.memory_space<semaphore_mem>>, %arg12: memref<!tpu.dma_semaphore, #tpu.memory_space<semaphore_mem>>) attributes {dimension_semantics = [#tpu.dimension_semantics<core_parallel>, #tpu.dimension_semantics<subcore_parallel>], iteration_bounds = array<i64: 2, 16>, scalar_prefetch = 0 : i64, scratch_operands = 8 : i64, tpu.core_type = #tpu.core_type<sc_vector_subcore>, window_params = [{transform_indices = #map}, {transform_indices = #map}, {transform_indices = #map1}]} {
    %mul3A = arith.constant 16 : i32
    %mul3A_0 = arith.muli %arg0, %mul3A : i32
    %add3A = arith.addi %mul3A_0, %arg1 : i32
    %mul3A_1 = arith.constant 80 : i32
    %mul3A_2 = arith.muli %mul3A_1, %add3A : i32
    %lt3A = arith.constant 31 : i32
    %lt3A_3 = arith.cmpi slt, %add3A, %lt3A : i32
    %jit3A = arith.constant 80 : i32
    %jit3A_4 = arith.constant 20 : i32
    %select_n3A = arith.select %lt3A_3, %jit3A, %jit3A_4 : i32
    %scan3A = arith.constant 0 : i32
    %scan3A_5 = arith.constant 0 : i32
    %scan3A_6 = arith.constant 8 : i32
    %scan3A_7 = arith.addi %scan3A_5, %scan3A_6 : i32
    %scan3A_8 = arith.constant 1 : i32
    scf.for %scan3A_43 = %scan3A_5 to %scan3A_7 step %scan3A_8  : i32 {
      %broadcast_in_dim3A = arith.constant 1.000000e+00 : f32
      %broadcast_in_dim3A_44 = vector.broadcast %broadcast_in_dim3A : f32 to vector<16xf32>
      %mul3A_45 = arith.constant 16 : i32
      %mul3A_46 = arith.muli %scan3A_43, %mul3A_45 : i32
      %swap3A = arith.index_cast %mul3A_46 : i32 to index
      %swap3A_47 = tpu.vector_load %arg7[%swap3A] {strides = array<i32>} : memref<128xf32, #tpu.memory_space<vmem>>, vector<16xf32>,
      %swap3A_48 = vector.shape_cast %swap3A_47 : vector<16xf32> to vector<16xf32>
      %swap3A_49 = vector.shape_cast %broadcast_in_dim3A_44 : vector<16xf32> to vector<16xf32>
      tpu.vector_store %arg7[%swap3A], %swap3A_49 {strides = array<i32>} : memref<128xf32, #tpu.memory_space<vmem>>, vector<16xf32>,
    }
    %scan3A_9 = arith.constant 8 : i32
    %scan3A_10 = arith.constant 0 : i32
    %scan3A_11 = arith.constant 0 : i32
    %scan3A_12 = arith.constant 40 : i32
    %scan3A_13 = arith.addi %scan3A_11, %scan3A_12 : i32
    %scan3A_14 = arith.constant 1 : i32
    scf.for %scan3A_43 = %scan3A_11 to %scan3A_13 step %scan3A_14  : i32 {
      %broadcast_in_dim3A = arith.constant 0.000000e+00 : f32
      %broadcast_in_dim3A_44 = vector.broadcast %broadcast_in_dim3A : f32 to vector<16xf32>
      %mul3A_45 = arith.constant 16 : i32
      %mul3A_46 = arith.muli %scan3A_43, %mul3A_45 : i32
      %swap3A = arith.index_cast %mul3A_46 : i32 to index
      %swap3A_47 = tpu.vector_load %arg8[%swap3A] {strides = array<i32>} : memref<640xf32, #tpu.memory_space<vmem>>, vector<16xf32>,
      %swap3A_48 = vector.shape_cast %swap3A_47 : vector<16xf32> to vector<16xf32>
      %swap3A_49 = vector.shape_cast %broadcast_in_dim3A_44 : vector<16xf32> to vector<16xf32>
      tpu.vector_store %arg8[%swap3A], %swap3A_49 {strides = array<i32>} : memref<640xf32, #tpu.memory_space<vmem>>, vector<16xf32>,
    }
    %scan3A_15 = arith.constant 40 : i32
    %mul3A_16 = arith.constant 640 : i32
    %mul3A_17 = arith.muli %arg1, %mul3A_16 : i32
    "tpu.region"() ({
      %run_scoped3A_43 = tpu.sem_alloc : memref<!tpu.dma_semaphore, #tpu.memory_space<semaphore_mem>>
      %dma_start3A = tpu.memref_slice %arg9[%mul3A_17] : memref<10240xf32, #tpu.memory_space<vmem_shared>> -> memref<640xf32, #tpu.memory_space<vmem_shared>>
      %dma_start3A_44 = tpu.memref_slice %arg9[%mul3A_17] : memref<10240xf32, #tpu.memory_space<vmem_shared>> -> memref<640xf32, #tpu.memory_space<vmem_shared>>
      tpu.enqueue_dma source(%arg8 : memref<640xf32, #tpu.memory_space<vmem>>) target(%dma_start3A_44 : memref<640xf32, #tpu.memory_space<vmem_shared>>) target_semaphore(%run_scoped3A_43 : memref<!tpu.dma_semaphore, #tpu.memory_space<semaphore_mem>>)
      %dma_wait3A = tpu.memref_slice %arg9[%mul3A_17] : memref<10240xf32, #tpu.memory_space<vmem_shared>> -> memref<640xf32, #tpu.memory_space<vmem_shared>>
      %dma_wait3A_45 = tpu.memref_slice %arg9[%mul3A_17] : memref<10240xf32, #tpu.memory_space<vmem_shared>> -> memref<640xf32, #tpu.memory_space<vmem_shared>>
      tpu.wait_dma2 semaphore(%run_scoped3A_43 : memref<!tpu.dma_semaphore, #tpu.memory_space<semaphore_mem>>) src(%arg8 : memref<640xf32, #tpu.memory_space<vmem>>) dst(%dma_wait3A_45 : memref<640xf32, #tpu.memory_space<vmem_shared>>)
      tpu.yield
    }) : () -> ()
    %mul3A_18 = arith.constant 640 : i32
    %mul3A_19 = arith.muli %arg1, %mul3A_18 : i32
    "tpu.region"() ({
      %run_scoped3A_43 = tpu.sem_alloc : memref<!tpu.dma_semaphore, #tpu.memory_space<semaphore_mem>>
      %dma_start3A = tpu.memref_slice %arg10[%mul3A_19] : memref<10240xf32, #tpu.memory_space<vmem_shared>> -> memref<640xf32, #tpu.memory_space<vmem_shared>>
      %dma_start3A_44 = tpu.memref_slice %arg10[%mul3A_19] : memref<10240xf32, #tpu.memory_space<vmem_shared>> -> memref<640xf32, #tpu.memory_space<vmem_shared>>
      tpu.enqueue_dma source(%arg8 : memref<640xf32, #tpu.memory_space<vmem>>) target(%dma_start3A_44 : memref<640xf32, #tpu.memory_space<vmem_shared>>) target_semaphore(%run_scoped3A_43 : memref<!tpu.dma_semaphore, #tpu.memory_space<semaphore_mem>>)
      %dma_wait3A = tpu.memref_slice %arg10[%mul3A_19] : memref<10240xf32, #tpu.memory_space<vmem_shared>> -> memref<640xf32, #tpu.memory_space<vmem_shared>>
      %dma_wait3A_45 = tpu.memref_slice %arg10[%mul3A_19] : memref<10240xf32, #tpu.memory_space<vmem_shared>> -> memref<640xf32, #tpu.memory_space<vmem_shared>>
      tpu.wait_dma2 semaphore(%run_scoped3A_43 : memref<!tpu.dma_semaphore, #tpu.memory_space<semaphore_mem>>) src(%arg8 : memref<640xf32, #tpu.memory_space<vmem>>) dst(%dma_wait3A_45 : memref<640xf32, #tpu.memory_space<vmem_shared>>)
      tpu.yield
    }) : () -> ()
    "tpu.region"() ({
      %run_scoped3A_43 = tpu.sem_alloc : memref<!tpu.dma_semaphore, #tpu.memory_space<semaphore_mem>>
      %dma_start3A = arith.constant 0 : i32
      %dma_start3A_44 = tpu.memref_slice %arg2[%mul3A_2, %dma_start3A] : memref<2560x128xi32, #tpu.memory_space<hbm>> -> memref<80x128xi32, #tpu.memory_space<hbm>>
      %dma_start3A_45 = arith.constant 0 : i32
      %dma_start3A_46 = tpu.memref_slice %arg2[%mul3A_2, %dma_start3A_45] : memref<2560x128xi32, #tpu.memory_space<hbm>> -> memref<80x128xi32, #tpu.memory_space<hbm>>
      tpu.enqueue_dma source(%dma_start3A_46 : memref<80x128xi32, #tpu.memory_space<hbm>>) target(%arg5 : memref<80x128xi32, #tpu.memory_space<vmem>>) target_semaphore(%run_scoped3A_43 : memref<!tpu.dma_semaphore, #tpu.memory_space<semaphore_mem>>)
      %dma_wait3A = arith.constant 0 : i32
      %dma_wait3A_47 = tpu.memref_slice %arg2[%mul3A_2, %dma_wait3A] : memref<2560x128xi32, #tpu.memory_space<hbm>> -> memref<80x128xi32, #tpu.memory_space<hbm>>
      %dma_wait3A_48 = arith.constant 0 : i32
      %dma_wait3A_49 = tpu.memref_slice %arg2[%mul3A_2, %dma_wait3A_48] : memref<2560x128xi32, #tpu.memory_space<hbm>> -> memref<80x128xi32, #tpu.memory_space<hbm>>
      tpu.wait_dma2 semaphore(%run_scoped3A_43 : memref<!tpu.dma_semaphore, #tpu.memory_space<semaphore_mem>>) src(%dma_wait3A_49 : memref<80x128xi32, #tpu.memory_space<hbm>>) dst(%arg5 : memref<80x128xi32, #tpu.memory_space<vmem>>)
      tpu.yield
    }) : () -> ()
    "tpu.region"() ({
      %run_scoped3A_43 = tpu.sem_alloc : memref<!tpu.dma_semaphore, #tpu.memory_space<semaphore_mem>>
      %dma_start3A = arith.constant 0 : i32
      %dma_start3A_44 = tpu.memref_slice %arg3[%mul3A_2, %dma_start3A] : memref<2560x128xi32, #tpu.memory_space<hbm>> -> memref<80x128xi32, #tpu.memory_space<hbm>>
      %dma_start3A_45 = arith.constant 0 : i32
      %dma_start3A_46 = tpu.memref_slice %arg3[%mul3A_2, %dma_start3A_45] : memref<2560x128xi32, #tpu.memory_space<hbm>> -> memref<80x128xi32, #tpu.memory_space<hbm>>
      tpu.enqueue_dma source(%dma_start3A_46 : memref<80x128xi32, #tpu.memory_space<hbm>>) target(%arg6 : memref<80x128xi32, #tpu.memory_space<vmem>>) target_semaphore(%run_scoped3A_43 : memref<!tpu.dma_semaphore, #tpu.memory_space<semaphore_mem>>)
      %dma_wait3A = arith.constant 0 : i32
      %dma_wait3A_47 = tpu.memref_slice %arg3[%mul3A_2, %dma_wait3A] : memref<2560x128xi32, #tpu.memory_space<hbm>> -> memref<80x128xi32, #tpu.memory_space<hbm>>
      %dma_wait3A_48 = arith.constant 0 : i32
      %dma_wait3A_49 = tpu.memref_slice %arg3[%mul3A_2, %dma_wait3A_48] : memref<2560x128xi32, #tpu.memory_space<hbm>> -> memref<80x128xi32, #tpu.memory_space<hbm>>
      tpu.wait_dma2 semaphore(%run_scoped3A_43 : memref<!tpu.dma_semaphore, #tpu.memory_space<semaphore_mem>>) src(%dma_wait3A_49 : memref<80x128xi32, #tpu.memory_space<hbm>>) dst(%arg6 : memref<80x128xi32, #tpu.memory_space<vmem>>)
      tpu.yield
    }) : () -> ()
    %barrier3A = arith.constant 0 : index
    tpu.barrier barrier_id(%barrier3A)
    %while3A = arith.constant 0 : i32
    %while3A_20 = arith.constant 0 : i32
    %while3A_21 = arith.subi %select_n3A, %while3A_20 : i32
    %while3A_22 = arith.addi %while3A_20, %while3A_21 : i32
    %while3A_23 = arith.constant 1 : i32
    %while3A_24 = arith.divsi %while3A_21, %while3A_23 : i32
    %while3A_25 = arith.muli %while3A_24, %while3A_23 : i32
    %while3A_26 = arith.addi %while3A_20, %while3A_25 : i32
    %while3A_27 = arith.constant 1 : i32
    scf.for %while3A_43 = %while3A_20 to %while3A_26 step %while3A_27  : i32 {
      %dma_start3A = arith.constant 0 : i32
      %dma_start3A_44 = tpu.memref_slice %arg5[%while3A_43, %dma_start3A] : memref<80x128xi32, #tpu.memory_space<vmem>> -> memref<1x128xi32, #tpu.memory_space<vmem>>
      %dma_start3A_45 = tpu.memref_squeeze %dma_start3A_44 : memref<1x128xi32, #tpu.memory_space<vmem>> -> memref<128xi32, #tpu.memory_space<vmem>>
      %dma_start3A_46 = arith.constant 0 : i32
      %dma_start3A_47 = tpu.memref_slice %arg9[%dma_start3A_46] : memref<10240xf32, #tpu.memory_space<vmem_shared>> -> memref<10240xf32, #tpu.memory_space<vmem_shared>>
      tpu.enqueue_indirect_dma source(%arg7 : memref<128xf32, #tpu.memory_space<vmem>>) target(%dma_start3A_47 : memref<10240xf32, #tpu.memory_space<vmem_shared>>) offsets(%dma_start3A_45 : memref<128xi32, #tpu.memory_space<vmem>>) semaphore(%arg11 : memref<!tpu.dma_semaphore, #tpu.memory_space<semaphore_mem>>) {add = true}
      %dma_start3A_48 = arith.constant 0 : i32
      %dma_start3A_49 = tpu.memref_slice %arg6[%while3A_43, %dma_start3A_48] : memref<80x128xi32, #tpu.memory_space<vmem>> -> memref<1x128xi32, #tpu.memory_space<vmem>>
      %dma_start3A_50 = tpu.memref_squeeze %dma_start3A_49 : memref<1x128xi32, #tpu.memory_space<vmem>> -> memref<128xi32, #tpu.memory_space<vmem>>
      %dma_start3A_51 = arith.constant 0 : i32
      %dma_start3A_52 = tpu.memref_slice %arg10[%dma_start3A_51] : memref<10240xf32, #tpu.memory_space<vmem_shared>> -> memref<10240xf32, #tpu.memory_space<vmem_shared>>
      tpu.enqueue_indirect_dma source(%arg7 : memref<128xf32, #tpu.memory_space<vmem>>) target(%dma_start3A_52 : memref<10240xf32, #tpu.memory_space<vmem_shared>>) offsets(%dma_start3A_50 : memref<128xi32, #tpu.memory_space<vmem>>) semaphore(%arg12 : memref<!tpu.dma_semaphore, #tpu.memory_space<semaphore_mem>>) {add = true}
      %ge3A = arith.constant 8 : i32
      %ge3A_53 = arith.cmpi sge, %while3A_43, %ge3A : i32
      %convert_element_type3A = arith.extui %ge3A_53 : i1 to i32
      %cond3A = arith.constant 0 : i32
      %cond3A_54 = arith.cmpi ne, %convert_element_type3A, %cond3A : i32
      scf.if %cond3A_54 {
        %sub3A_55 = arith.constant 8 : i32
        %sub3A_56 = arith.subi %while3A_43, %sub3A_55 : i32
        %dma_wait3A = arith.constant 0 : i32
        %dma_wait3A_57 = tpu.memref_slice %arg5[%sub3A_56, %dma_wait3A] : memref<80x128xi32, #tpu.memory_space<vmem>> -> memref<1x128xi32, #tpu.memory_space<vmem>>
        %dma_wait3A_58 = tpu.memref_squeeze %dma_wait3A_57 : memref<1x128xi32, #tpu.memory_space<vmem>> -> memref<128xi32, #tpu.memory_space<vmem>>
        %dma_wait3A_59 = arith.constant 0 : i32
        %dma_wait3A_60 = tpu.memref_slice %arg9[%dma_wait3A_59] : memref<10240xf32, #tpu.memory_space<vmem_shared>> -> memref<10240xf32, #tpu.memory_space<vmem_shared>>
        tpu.wait_indirect_dma semaphore(%arg11 : memref<!tpu.dma_semaphore, #tpu.memory_space<semaphore_mem>>) src(%arg7 : memref<128xf32, #tpu.memory_space<vmem>>) dst(%dma_wait3A_60 : memref<10240xf32, #tpu.memory_space<vmem_shared>>)
        %sub3A_61 = arith.constant 8 : i32
        %sub3A_62 = arith.subi %while3A_43, %sub3A_61 : i32
        %dma_wait3A_63 = arith.constant 0 : i32
        %dma_wait3A_64 = tpu.memref_slice %arg6[%sub3A_62, %dma_wait3A_63] : memref<80x128xi32, #tpu.memory_space<vmem>> -> memref<1x128xi32, #tpu.memory_space<vmem>>
        %dma_wait3A_65 = tpu.memref_squeeze %dma_wait3A_64 : memref<1x128xi32, #tpu.memory_space<vmem>> -> memref<128xi32, #tpu.memory_space<vmem>>
        %dma_wait3A_66 = arith.constant 0 : i32
        %dma_wait3A_67 = tpu.memref_slice %arg10[%dma_wait3A_66] : memref<10240xf32, #tpu.memory_space<vmem_shared>> -> memref<10240xf32, #tpu.memory_space<vmem_shared>>
        tpu.wait_indirect_dma semaphore(%arg12 : memref<!tpu.dma_semaphore, #tpu.memory_space<semaphore_mem>>) src(%arg7 : memref<128xf32, #tpu.memory_space<vmem>>) dst(%dma_wait3A_67 : memref<10240xf32, #tpu.memory_space<vmem_shared>>)
      } else {
      }
    }
    %while3A_28 = arith.constant 1 : i32
    scf.for %while3A_43 = %while3A_26 to %while3A_22 step %while3A_28  : i32 {
      %dma_start3A = arith.constant 0 : i32
      %dma_start3A_44 = tpu.memref_slice %arg5[%while3A_43, %dma_start3A] : memref<80x128xi32, #tpu.memory_space<vmem>> -> memref<1x128xi32, #tpu.memory_space<vmem>>
      %dma_start3A_45 = tpu.memref_squeeze %dma_start3A_44 : memref<1x128xi32, #tpu.memory_space<vmem>> -> memref<128xi32, #tpu.memory_space<vmem>>
      %dma_start3A_46 = arith.constant 0 : i32
      %dma_start3A_47 = tpu.memref_slice %arg9[%dma_start3A_46] : memref<10240xf32, #tpu.memory_space<vmem_shared>> -> memref<10240xf32, #tpu.memory_space<vmem_shared>>
      tpu.enqueue_indirect_dma source(%arg7 : memref<128xf32, #tpu.memory_space<vmem>>) target(%dma_start3A_47 : memref<10240xf32, #tpu.memory_space<vmem_shared>>) offsets(%dma_start3A_45 : memref<128xi32, #tpu.memory_space<vmem>>) semaphore(%arg11 : memref<!tpu.dma_semaphore, #tpu.memory_space<semaphore_mem>>) {add = true}
      %dma_start3A_48 = arith.constant 0 : i32
      %dma_start3A_49 = tpu.memref_slice %arg6[%while3A_43, %dma_start3A_48] : memref<80x128xi32, #tpu.memory_space<vmem>> -> memref<1x128xi32, #tpu.memory_space<vmem>>
      %dma_start3A_50 = tpu.memref_squeeze %dma_start3A_49 : memref<1x128xi32, #tpu.memory_space<vmem>> -> memref<128xi32, #tpu.memory_space<vmem>>
      %dma_start3A_51 = arith.constant 0 : i32
      %dma_start3A_52 = tpu.memref_slice %arg10[%dma_start3A_51] : memref<10240xf32, #tpu.memory_space<vmem_shared>> -> memref<10240xf32, #tpu.memory_space<vmem_shared>>
      tpu.enqueue_indirect_dma source(%arg7 : memref<128xf32, #tpu.memory_space<vmem>>) target(%dma_start3A_52 : memref<10240xf32, #tpu.memory_space<vmem_shared>>) offsets(%dma_start3A_50 : memref<128xi32, #tpu.memory_space<vmem>>) semaphore(%arg12 : memref<!tpu.dma_semaphore, #tpu.memory_space<semaphore_mem>>) {add = true}
      %ge3A = arith.constant 8 : i32
      %ge3A_53 = arith.cmpi sge, %while3A_43, %ge3A : i32
      %convert_element_type3A = arith.extui %ge3A_53 : i1 to i32
      %cond3A = arith.constant 0 : i32
      %cond3A_54 = arith.cmpi ne, %convert_element_type3A, %cond3A : i32
      scf.if %cond3A_54 {
        %sub3A_55 = arith.constant 8 : i32
        %sub3A_56 = arith.subi %while3A_43, %sub3A_55 : i32
        %dma_wait3A = arith.constant 0 : i32
        %dma_wait3A_57 = tpu.memref_slice %arg5[%sub3A_56, %dma_wait3A] : memref<80x128xi32, #tpu.memory_space<vmem>> -> memref<1x128xi32, #tpu.memory_space<vmem>>
        %dma_wait3A_58 = tpu.memref_squeeze %dma_wait3A_57 : memref<1x128xi32, #tpu.memory_space<vmem>> -> memref<128xi32, #tpu.memory_space<vmem>>
        %dma_wait3A_59 = arith.constant 0 : i32
        %dma_wait3A_60 = tpu.memref_slice %arg9[%dma_wait3A_59] : memref<10240xf32, #tpu.memory_space<vmem_shared>> -> memref<10240xf32, #tpu.memory_space<vmem_shared>>
        tpu.wait_indirect_dma semaphore(%arg11 : memref<!tpu.dma_semaphore, #tpu.memory_space<semaphore_mem>>) src(%arg7 : memref<128xf32, #tpu.memory_space<vmem>>) dst(%dma_wait3A_60 : memref<10240xf32, #tpu.memory_space<vmem_shared>>)
        %sub3A_61 = arith.constant 8 : i32
        %sub3A_62 = arith.subi %while3A_43, %sub3A_61 : i32
        %dma_wait3A_63 = arith.constant 0 : i32
        %dma_wait3A_64 = tpu.memref_slice %arg6[%sub3A_62, %dma_wait3A_63] : memref<80x128xi32, #tpu.memory_space<vmem>> -> memref<1x128xi32, #tpu.memory_space<vmem>>
        %dma_wait3A_65 = tpu.memref_squeeze %dma_wait3A_64 : memref<1x128xi32, #tpu.memory_space<vmem>> -> memref<128xi32, #tpu.memory_space<vmem>>
        %dma_wait3A_66 = arith.constant 0 : i32
        %dma_wait3A_67 = tpu.memref_slice %arg10[%dma_wait3A_66] : memref<10240xf32, #tpu.memory_space<vmem_shared>> -> memref<10240xf32, #tpu.memory_space<vmem_shared>>
        tpu.wait_indirect_dma semaphore(%arg12 : memref<!tpu.dma_semaphore, #tpu.memory_space<semaphore_mem>>) src(%arg7 : memref<128xf32, #tpu.memory_space<vmem>>) dst(%dma_wait3A_67 : memref<10240xf32, #tpu.memory_space<vmem_shared>>)
      } else {
      }
    }
    %sub3A = arith.constant 8 : i32
    %sub3A_29 = arith.subi %select_n3A, %sub3A : i32
    %while3A_30 = arith.constant 0 : i32
    %while3A_31 = arith.subi %select_n3A, %sub3A_29 : i32
    %while3A_32 = arith.addi %sub3A_29, %while3A_31 : i32
    %while3A_33 = arith.constant 1 : i32
    %while3A_34 = arith.divsi %while3A_31, %while3A_33 : i32
    %while3A_35 = arith.muli %while3A_34, %while3A_33 : i32
    %while3A_36 = arith.addi %sub3A_29, %while3A_35 : i32
    %while3A_37 = arith.constant 1 : i32
    scf.for %while3A_43 = %sub3A_29 to %while3A_36 step %while3A_37  : i32 {
      %dma_wait3A = arith.constant 0 : i32
      %dma_wait3A_44 = tpu.memref_slice %arg5[%while3A_43, %dma_wait3A] : memref<80x128xi32, #tpu.memory_space<vmem>> -> memref<1x128xi32, #tpu.memory_space<vmem>>
      %dma_wait3A_45 = tpu.memref_squeeze %dma_wait3A_44 : memref<1x128xi32, #tpu.memory_space<vmem>> -> memref<128xi32, #tpu.memory_space<vmem>>
      %dma_wait3A_46 = arith.constant 0 : i32
      %dma_wait3A_47 = tpu.memref_slice %arg9[%dma_wait3A_46] : memref<10240xf32, #tpu.memory_space<vmem_shared>> -> memref<10240xf32, #tpu.memory_space<vmem_shared>>
      tpu.wait_indirect_dma semaphore(%arg11 : memref<!tpu.dma_semaphore, #tpu.memory_space<semaphore_mem>>) src(%arg7 : memref<128xf32, #tpu.memory_space<vmem>>) dst(%dma_wait3A_47 : memref<10240xf32, #tpu.memory_space<vmem_shared>>)
      %dma_wait3A_48 = arith.constant 0 : i32
      %dma_wait3A_49 = tpu.memref_slice %arg6[%while3A_43, %dma_wait3A_48] : memref<80x128xi32, #tpu.memory_space<vmem>> -> memref<1x128xi32, #tpu.memory_space<vmem>>
      %dma_wait3A_50 = tpu.memref_squeeze %dma_wait3A_49 : memref<1x128xi32, #tpu.memory_space<vmem>> -> memref<128xi32, #tpu.memory_space<vmem>>
      %dma_wait3A_51 = arith.constant 0 : i32
      %dma_wait3A_52 = tpu.memref_slice %arg10[%dma_wait3A_51] : memref<10240xf32, #tpu.memory_space<vmem_shared>> -> memref<10240xf32, #tpu.memory_space<vmem_shared>>
      tpu.wait_indirect_dma semaphore(%arg12 : memref<!tpu.dma_semaphore, #tpu.memory_space<semaphore_mem>>) src(%arg7 : memref<128xf32, #tpu.memory_space<vmem>>) dst(%dma_wait3A_52 : memref<10240xf32, #tpu.memory_space<vmem_shared>>)
    }
    %while3A_38 = arith.constant 1 : i32
    scf.for %while3A_43 = %while3A_36 to %while3A_32 step %while3A_38  : i32 {
      %dma_wait3A = arith.constant 0 : i32
      %dma_wait3A_44 = tpu.memref_slice %arg5[%while3A_43, %dma_wait3A] : memref<80x128xi32, #tpu.memory_space<vmem>> -> memref<1x128xi32, #tpu.memory_space<vmem>>
      %dma_wait3A_45 = tpu.memref_squeeze %dma_wait3A_44 : memref<1x128xi32, #tpu.memory_space<vmem>> -> memref<128xi32, #tpu.memory_space<vmem>>
      %dma_wait3A_46 = arith.constant 0 : i32
      %dma_wait3A_47 = tpu.memref_slice %arg9[%dma_wait3A_46] : memref<10240xf32, #tpu.memory_space<vmem_shared>> -> memref<10240xf32, #tpu.memory_space<vmem_shared>>
      tpu.wait_indirect_dma semaphore(%arg11 : memref<!tpu.dma_semaphore, #tpu.memory_space<semaphore_mem>>) src(%arg7 : memref<128xf32, #tpu.memory_space<vmem>>) dst(%dma_wait3A_47 : memref<10240xf32, #tpu.memory_space<vmem_shared>>)
      %dma_wait3A_48 = arith.constant 0 : i32
      %dma_wait3A_49 = tpu.memref_slice %arg6[%while3A_43, %dma_wait3A_48] : memref<80x128xi32, #tpu.memory_space<vmem>> -> memref<1x128xi32, #tpu.memory_space<vmem>>
      %dma_wait3A_50 = tpu.memref_squeeze %dma_wait3A_49 : memref<1x128xi32, #tpu.memory_space<vmem>> -> memref<128xi32, #tpu.memory_space<vmem>>
      %dma_wait3A_51 = arith.constant 0 : i32
      %dma_wait3A_52 = tpu.memref_slice %arg10[%dma_wait3A_51] : memref<10240xf32, #tpu.memory_space<vmem_shared>> -> memref<10240xf32, #tpu.memory_space<vmem_shared>>
      tpu.wait_indirect_dma semaphore(%arg12 : memref<!tpu.dma_semaphore, #tpu.memory_space<semaphore_mem>>) src(%arg7 : memref<128xf32, #tpu.memory_space<vmem>>) dst(%dma_wait3A_52 : memref<10240xf32, #tpu.memory_space<vmem_shared>>)
    }
    %barrier3A_39 = arith.constant 0 : index
    tpu.barrier barrier_id(%barrier3A_39)
    %mul3A_40 = arith.constant 640 : i32
    %mul3A_41 = arith.muli %arg1, %mul3A_40 : i32
    %run_scoped3A = arith.constant 0 : i32
    "tpu.region"() ({
      %run_scoped3A_43 = tpu.sem_alloc : memref<!tpu.dma_semaphore, #tpu.memory_space<semaphore_mem>>
      %dma_start3A = tpu.memref_slice %arg4[%arg0, %run_scoped3A, %mul3A_41] : memref<2x2x10240xf32, #tpu.memory_space<hbm>> -> memref<1x1x640xf32, #tpu.memory_space<hbm>>
      %dma_start3A_44 = tpu.memref_squeeze %dma_start3A : memref<1x1x640xf32, #tpu.memory_space<hbm>> -> memref<640xf32, #tpu.memory_space<hbm>>
      %dma_start3A_45 = tpu.memref_slice %arg9[%mul3A_41] : memref<10240xf32, #tpu.memory_space<vmem_shared>> -> memref<640xf32, #tpu.memory_space<vmem_shared>>
      tpu.enqueue_dma source(%dma_start3A_45 : memref<640xf32, #tpu.memory_space<vmem_shared>>) target(%dma_start3A_44 : memref<640xf32, #tpu.memory_space<hbm>>) target_semaphore(%run_scoped3A_43 : memref<!tpu.dma_semaphore, #tpu.memory_space<semaphore_mem>>)
      %dma_wait3A = tpu.memref_slice %arg4[%arg0, %run_scoped3A, %mul3A_41] : memref<2x2x10240xf32, #tpu.memory_space<hbm>> -> memref<1x1x640xf32, #tpu.memory_space<hbm>>
      %dma_wait3A_46 = tpu.memref_squeeze %dma_wait3A : memref<1x1x640xf32, #tpu.memory_space<hbm>> -> memref<640xf32, #tpu.memory_space<hbm>>
      %dma_wait3A_47 = tpu.memref_slice %arg9[%mul3A_41] : memref<10240xf32, #tpu.memory_space<vmem_shared>> -> memref<640xf32, #tpu.memory_space<vmem_shared>>
      tpu.wait_dma2 semaphore(%run_scoped3A_43 : memref<!tpu.dma_semaphore, #tpu.memory_space<semaphore_mem>>) src(%dma_wait3A_47 : memref<640xf32, #tpu.memory_space<vmem_shared>>) dst(%dma_wait3A_46 : memref<640xf32, #tpu.memory_space<hbm>>)
      tpu.yield
    }) : () -> ()
    %run_scoped3A_42 = arith.constant 1 : i32
    "tpu.region"() ({
      %run_scoped3A_43 = tpu.sem_alloc : memref<!tpu.dma_semaphore, #tpu.memory_space<semaphore_mem>>
      %dma_start3A = tpu.memref_slice %arg4[%arg0, %run_scoped3A_42, %mul3A_41] : memref<2x2x10240xf32, #tpu.memory_space<hbm>> -> memref<1x1x640xf32, #tpu.memory_space<hbm>>
      %dma_start3A_44 = tpu.memref_squeeze %dma_start3A : memref<1x1x640xf32, #tpu.memory_space<hbm>> -> memref<640xf32, #tpu.memory_space<hbm>>
      %dma_start3A_45 = tpu.memref_slice %arg10[%mul3A_41] : memref<10240xf32, #tpu.memory_space<vmem_shared>> -> memref<640xf32, #tpu.memory_space<vmem_shared>>
      tpu.enqueue_dma source(%dma_start3A_45 : memref<640xf32, #tpu.memory_space<vmem_shared>>) target(%dma_start3A_44 : memref<640xf32, #tpu.memory_space<hbm>>) target_semaphore(%run_scoped3A_43 : memref<!tpu.dma_semaphore, #tpu.memory_space<semaphore_mem>>)
      %dma_wait3A = tpu.memref_slice %arg4[%arg0, %run_scoped3A_42, %mul3A_41] : memref<2x2x10240xf32, #tpu.memory_space<hbm>> -> memref<1x1x640xf32, #tpu.memory_space<hbm>>
      %dma_wait3A_46 = tpu.memref_squeeze %dma_wait3A : memref<1x1x640xf32, #tpu.memory_space<hbm>> -> memref<640xf32, #tpu.memory_space<hbm>>
      %dma_wait3A_47 = tpu.memref_slice %arg10[%mul3A_41] : memref<10240xf32, #tpu.memory_space<vmem_shared>> -> memref<640xf32, #tpu.memory_space<vmem_shared>>
      tpu.wait_dma2 semaphore(%run_scoped3A_43 : memref<!tpu.dma_semaphore, #tpu.memory_space<semaphore_mem>>) src(%dma_wait3A_47 : memref<640xf32, #tpu.memory_space<vmem_shared>>) dst(%dma_wait3A_46 : memref<640xf32, #tpu.memory_space<hbm>>)
      tpu.yield
    }) : () -> ()
    return
  }
}

#map = affine_map<(d0, d1) -> (0, 0)>
#map1 = affine_map<(d0, d1) -> (0)>
#map2 = affine_map<(d0, d1) -> (0, 0, 0)>
module attributes {stable_mosaic.version = 14 : i64} {
  func.func @k(%arg0: i32, %arg1: i32, %arg2: memref<10240x128xf32, #tpu.memory_space<hbm>>, %arg3: memref<2560x128xi32, #tpu.memory_space<hbm>>, %arg4: memref<2560x128xi32, #tpu.memory_space<hbm>>, %arg5: memref<10240xf32, #tpu.memory_space<hbm>>, %arg6: memref<2x10240x128xf32, #tpu.memory_space<hbm>>, %arg7: memref<2x10240xf32, #tpu.memory_space<hbm>>, %arg8: memref<32x128xi32, #tpu.memory_space<vmem>>, %arg9: memref<32x128xi32, #tpu.memory_space<vmem>>, %arg10: memref<2x128x128xf32, #tpu.memory_space<vmem>>, %arg11: memref<32x128xf32, #tpu.memory_space<vmem>>, %arg12: memref<10240x128xf32, #tpu.memory_space<vmem_shared>>, %arg13: memref<10240xf32, #tpu.memory_space<vmem_shared>>, %arg14: memref<!tpu.dma_semaphore, #tpu.memory_space<semaphore_mem>>, %arg15: memref<!tpu.dma_semaphore, #tpu.memory_space<semaphore_mem>>, %arg16: memref<!tpu.dma_semaphore, #tpu.memory_space<semaphore_mem>>, %arg17: memref<!tpu.dma_semaphore, #tpu.memory_space<semaphore_mem>>) attributes {dimension_semantics = [#tpu.dimension_semantics<core_parallel>, #tpu.dimension_semantics<subcore_parallel>], iteration_bounds = array<i64: 2, 16>, scalar_prefetch = 0 : i64, scratch_operands = 10 : i64, tpu.core_type = #tpu.core_type<sc_vector_subcore>, window_params = [{transform_indices = #map}, {transform_indices = #map}, {transform_indices = #map}, {transform_indices = #map1}, {transform_indices = #map2}, {transform_indices = #map}]} {
    %mul3A = arith.constant 16 : i32
    %mul3A_0 = arith.muli %arg0, %mul3A : i32
    %add3A = arith.addi %mul3A_0, %arg1 : i32
    %mul3A_1 = arith.constant 80 : i32
    %mul3A_2 = arith.muli %mul3A_1, %add3A : i32
    %lt3A = arith.constant 31 : i32
    %lt3A_3 = arith.cmpi slt, %add3A, %lt3A : i32
    %jit3A = arith.constant 80 : i32
    %jit3A_4 = arith.constant 20 : i32
    %select_n3A = arith.select %lt3A_3, %jit3A, %jit3A_4 : i32
    %scan3A = arith.constant 0 : i32
    %scan3A_5 = arith.constant 0 : i32
    %scan3A_6 = arith.constant 1024 : i32
    %scan3A_7 = arith.addi %scan3A_5, %scan3A_6 : i32
    %scan3A_8 = arith.constant 1 : i32
    scf.for %scan3A_75 = %scan3A_5 to %scan3A_7 step %scan3A_8  : i32 {
      %jit3A_76 = arith.constant 8 : i32
      %div3A = arith.divsi %scan3A_75, %jit3A_76 : i32
      %sign3A = arith.constant 0 : i32
      %sign3A_77 = arith.cmpi sgt, %scan3A_75, %sign3A : i32
      %sign3A_78 = arith.extui %sign3A_77 : i1 to i32
      %sign3A_79 = arith.constant 0 : i32
      %sign3A_80 = arith.cmpi slt, %scan3A_75, %sign3A_79 : i32
      %sign3A_81 = arith.extui %sign3A_80 : i1 to i32
      %sign3A_82 = arith.subi %sign3A_78, %sign3A_81 : i32
      %sign3A_83 = arith.constant 0 : i32
      %sign3A_84 = arith.cmpi sgt, %jit3A_76, %sign3A_83 : i32
      %sign3A_85 = arith.extui %sign3A_84 : i1 to i32
      %sign3A_86 = arith.constant 0 : i32
      %sign3A_87 = arith.cmpi slt, %jit3A_76, %sign3A_86 : i32
      %sign3A_88 = arith.extui %sign3A_87 : i1 to i32
      %sign3A_89 = arith.subi %sign3A_85, %sign3A_88 : i32
      %ne3A = arith.cmpi ne, %sign3A_82, %sign3A_89 : i32
      %rem3A = arith.remsi %scan3A_75, %jit3A_76 : i32
      %ne3A_90 = arith.constant 0 : i32
      %ne3A_91 = arith.cmpi ne, %rem3A, %ne3A_90 : i32
      %and3A = arith.andi %ne3A, %ne3A_91 : i1
      %sub3A_92 = arith.constant 1 : i32
      %sub3A_93 = arith.subi %div3A, %sub3A_92 : i32
      %select_n3A_94 = arith.select %and3A, %sub3A_93, %div3A : i32
      %jit3A_95 = arith.constant 8 : i32
      %eq3A = arith.constant 0 : i32
      %eq3A_96 = arith.cmpi eq, %jit3A_95, %eq3A : i32
      %jit3A_97 = arith.constant 1 : i32
      %select_n3A_98 = arith.select %eq3A_96, %jit3A_97, %jit3A_95 : i32
      %rem3A_99 = arith.remsi %scan3A_75, %select_n3A_98 : i32
      %ne3A_100 = arith.constant 0 : i32
      %ne3A_101 = arith.cmpi ne, %rem3A_99, %ne3A_100 : i32
      %lt3A_102 = arith.constant 0 : i32
      %lt3A_103 = arith.cmpi slt, %rem3A_99, %lt3A_102 : i32
      %lt3A_104 = arith.constant 0 : i32
      %lt3A_105 = arith.cmpi slt, %select_n3A_98, %lt3A_104 : i32
      %ne3A_106 = arith.xori %lt3A_103, %lt3A_105 : i1
      %and3A_107 = arith.andi %ne3A_106, %ne3A_101 : i1
      %add3A_108 = arith.addi %rem3A_99, %select_n3A_98 : i32
      %select_n3A_109 = arith.select %and3A_107, %add3A_108, %rem3A_99 : i32
      %broadcast_in_dim3A = arith.constant 0.000000e+00 : f32
      %broadcast_in_dim3A_110 = vector.broadcast %broadcast_in_dim3A : f32 to vector<16xf32>
      %mul3A_111 = arith.constant 16 : i32
      %mul3A_112 = arith.muli %select_n3A_109, %mul3A_111 : i32
      %swap3A = arith.constant 0 : i32
      %swap3A_113 = arith.index_cast %swap3A : i32 to index
      %swap3A_114 = arith.index_cast %select_n3A_94 : i32 to index
      %swap3A_115 = arith.index_cast %mul3A_112 : i32 to index
      %swap3A_116 = tpu.vector_load %arg10[%swap3A_113, %swap3A_114, %swap3A_115] {strides = array<i32>} : memref<2x128x128xf32, #tpu.memory_space<vmem>>, vector<1x1x16xf32>,
      %swap3A_117 = vector.shape_cast %swap3A_116 : vector<1x1x16xf32> to vector<16xf32>
      %swap3A_118 = vector.shape_cast %broadcast_in_dim3A_110 : vector<16xf32> to vector<1x1x16xf32>
      tpu.vector_store %arg10[%swap3A_113, %swap3A_114, %swap3A_115], %swap3A_118 {strides = array<i32>} : memref<2x128x128xf32, #tpu.memory_space<vmem>>, vector<1x1x16xf32>,
    }
    %scan3A_9 = arith.constant 1024 : i32
    %scan3A_10 = arith.constant 0 : i32
    %scan3A_11 = arith.constant 0 : i32
    %scan3A_12 = arith.constant 8 : i32
    %scan3A_13 = arith.addi %scan3A_11, %scan3A_12 : i32
    %scan3A_14 = arith.constant 1 : i32
    scf.for %scan3A_75 = %scan3A_11 to %scan3A_13 step %scan3A_14  : i32 {
      %broadcast_in_dim3A = arith.constant 0.000000e+00 : f32
      %broadcast_in_dim3A_76 = vector.broadcast %broadcast_in_dim3A : f32 to vector<16xf32>
      %mul3A_77 = arith.constant 16 : i32
      %mul3A_78 = arith.muli %scan3A_75, %mul3A_77 : i32
      %swap3A = arith.constant 0 : i32
      %swap3A_79 = arith.index_cast %swap3A : i32 to index
      %swap3A_80 = arith.index_cast %mul3A_78 : i32 to index
      %swap3A_81 = tpu.vector_load %arg11[%swap3A_79, %swap3A_80] {strides = array<i32>} : memref<32x128xf32, #tpu.memory_space<vmem>>, vector<1x16xf32>,
      %swap3A_82 = vector.shape_cast %swap3A_81 : vector<1x16xf32> to vector<16xf32>
      %swap3A_83 = vector.shape_cast %broadcast_in_dim3A_76 : vector<16xf32> to vector<1x16xf32>
      tpu.vector_store %arg11[%swap3A_79, %swap3A_80], %swap3A_83 {strides = array<i32>} : memref<32x128xf32, #tpu.memory_space<vmem>>, vector<1x16xf32>,
    }
    %scan3A_15 = arith.constant 8 : i32
    %mul3A_16 = arith.constant 640 : i32
    %mul3A_17 = arith.muli %arg1, %mul3A_16 : i32
    %add3A_18 = arith.constant 0 : i32
    %add3A_19 = arith.addi %mul3A_17, %add3A_18 : i32
    %run_scoped3A = arith.constant 0 : i32
    "tpu.region"() ({
      %run_scoped3A_75 = tpu.sem_alloc : memref<!tpu.dma_semaphore, #tpu.memory_space<semaphore_mem>>
      %dma_start3A = arith.constant 0 : i32
      %dma_start3A_76 = arith.constant 0 : i32
      %dma_start3A_77 = tpu.memref_slice %arg10[%run_scoped3A, %dma_start3A, %dma_start3A_76] : memref<2x128x128xf32, #tpu.memory_space<vmem>> -> memref<1x128x128xf32, #tpu.memory_space<vmem>>
      %dma_start3A_78 = tpu.memref_squeeze %dma_start3A_77 : memref<1x128x128xf32, #tpu.memory_space<vmem>> -> memref<128x128xf32, #tpu.memory_space<vmem>>
      %dma_start3A_79 = arith.constant 0 : i32
      %dma_start3A_80 = tpu.memref_slice %arg12[%add3A_19, %dma_start3A_79] : memref<10240x128xf32, #tpu.memory_space<vmem_shared>> -> memref<128x128xf32, #tpu.memory_space<vmem_shared>>
      %dma_start3A_81 = arith.constant 0 : i32
      %dma_start3A_82 = tpu.memref_slice %arg12[%add3A_19, %dma_start3A_81] : memref<10240x128xf32, #tpu.memory_space<vmem_shared>> -> memref<128x128xf32, #tpu.memory_space<vmem_shared>>
      %dma_start3A_83 = arith.constant 0 : i32
      %dma_start3A_84 = arith.constant 0 : i32
      %dma_start3A_85 = tpu.memref_slice %arg10[%run_scoped3A, %dma_start3A_83, %dma_start3A_84] : memref<2x128x128xf32, #tpu.memory_space<vmem>> -> memref<1x128x128xf32, #tpu.memory_space<vmem>>
      %dma_start3A_86 = tpu.memref_squeeze %dma_start3A_85 : memref<1x128x128xf32, #tpu.memory_space<vmem>> -> memref<128x128xf32, #tpu.memory_space<vmem>>
      tpu.enqueue_dma source(%dma_start3A_86 : memref<128x128xf32, #tpu.memory_space<vmem>>) target(%dma_start3A_82 : memref<128x128xf32, #tpu.memory_space<vmem_shared>>) target_semaphore(%run_scoped3A_75 : memref<!tpu.dma_semaphore, #tpu.memory_space<semaphore_mem>>)
      %dma_wait3A = arith.constant 0 : i32
      %dma_wait3A_87 = arith.constant 0 : i32
      %dma_wait3A_88 = tpu.memref_slice %arg10[%run_scoped3A, %dma_wait3A, %dma_wait3A_87] : memref<2x128x128xf32, #tpu.memory_space<vmem>> -> memref<1x128x128xf32, #tpu.memory_space<vmem>>
      %dma_wait3A_89 = tpu.memref_squeeze %dma_wait3A_88 : memref<1x128x128xf32, #tpu.memory_space<vmem>> -> memref<128x128xf32, #tpu.memory_space<vmem>>
      %dma_wait3A_90 = arith.constant 0 : i32
      %dma_wait3A_91 = tpu.memref_slice %arg12[%add3A_19, %dma_wait3A_90] : memref<10240x128xf32, #tpu.memory_space<vmem_shared>> -> memref<128x128xf32, #tpu.memory_space<vmem_shared>>
      %dma_wait3A_92 = arith.constant 0 : i32
      %dma_wait3A_93 = tpu.memref_slice %arg12[%add3A_19, %dma_wait3A_92] : memref<10240x128xf32, #tpu.memory_space<vmem_shared>> -> memref<128x128xf32, #tpu.memory_space<vmem_shared>>
      %dma_wait3A_94 = arith.constant 0 : i32
      %dma_wait3A_95 = arith.constant 0 : i32
      %dma_wait3A_96 = tpu.memref_slice %arg10[%run_scoped3A, %dma_wait3A_94, %dma_wait3A_95] : memref<2x128x128xf32, #tpu.memory_space<vmem>> -> memref<1x128x128xf32, #tpu.memory_space<vmem>>
      %dma_wait3A_97 = tpu.memref_squeeze %dma_wait3A_96 : memref<1x128x128xf32, #tpu.memory_space<vmem>> -> memref<128x128xf32, #tpu.memory_space<vmem>>
      tpu.wait_dma2 semaphore(%run_scoped3A_75 : memref<!tpu.dma_semaphore, #tpu.memory_space<semaphore_mem>>) src(%dma_wait3A_97 : memref<128x128xf32, #tpu.memory_space<vmem>>) dst(%dma_wait3A_93 : memref<128x128xf32, #tpu.memory_space<vmem_shared>>)
      tpu.yield
    }) : () -> ()
    %run_scoped3A_20 = arith.constant 0 : i32
    "tpu.region"() ({
      %run_scoped3A_75 = tpu.sem_alloc : memref<!tpu.dma_semaphore, #tpu.memory_space<semaphore_mem>>
      %dma_start3A = arith.constant 0 : i32
      %dma_start3A_76 = tpu.memref_slice %arg11[%run_scoped3A_20, %dma_start3A] : memref<32x128xf32, #tpu.memory_space<vmem>> -> memref<1x128xf32, #tpu.memory_space<vmem>>
      %dma_start3A_77 = tpu.memref_squeeze %dma_start3A_76 : memref<1x128xf32, #tpu.memory_space<vmem>> -> memref<128xf32, #tpu.memory_space<vmem>>
      %dma_start3A_78 = tpu.memref_slice %arg13[%add3A_19] : memref<10240xf32, #tpu.memory_space<vmem_shared>> -> memref<128xf32, #tpu.memory_space<vmem_shared>>
      %dma_start3A_79 = tpu.memref_slice %arg13[%add3A_19] : memref<10240xf32, #tpu.memory_space<vmem_shared>> -> memref<128xf32, #tpu.memory_space<vmem_shared>>
      %dma_start3A_80 = arith.constant 0 : i32
      %dma_start3A_81 = tpu.memref_slice %arg11[%run_scoped3A_20, %dma_start3A_80] : memref<32x128xf32, #tpu.memory_space<vmem>> -> memref<1x128xf32, #tpu.memory_space<vmem>>
      %dma_start3A_82 = tpu.memref_squeeze %dma_start3A_81 : memref<1x128xf32, #tpu.memory_space<vmem>> -> memref<128xf32, #tpu.memory_space<vmem>>
      tpu.enqueue_dma source(%dma_start3A_82 : memref<128xf32, #tpu.memory_space<vmem>>) target(%dma_start3A_79 : memref<128xf32, #tpu.memory_space<vmem_shared>>) target_semaphore(%run_scoped3A_75 : memref<!tpu.dma_semaphore, #tpu.memory_space<semaphore_mem>>)
      %dma_wait3A = arith.constant 0 : i32
      %dma_wait3A_83 = tpu.memref_slice %arg11[%run_scoped3A_20, %dma_wait3A] : memref<32x128xf32, #tpu.memory_space<vmem>> -> memref<1x128xf32, #tpu.memory_space<vmem>>
      %dma_wait3A_84 = tpu.memref_squeeze %dma_wait3A_83 : memref<1x128xf32, #tpu.memory_space<vmem>> -> memref<128xf32, #tpu.memory_space<vmem>>
      %dma_wait3A_85 = tpu.memref_slice %arg13[%add3A_19] : memref<10240xf32, #tpu.memory_space<vmem_shared>> -> memref<128xf32, #tpu.memory_space<vmem_shared>>
      %dma_wait3A_86 = tpu.memref_slice %arg13[%add3A_19] : memref<10240xf32, #tpu.memory_space<vmem_shared>> -> memref<128xf32, #tpu.memory_space<vmem_shared>>
      %dma_wait3A_87 = arith.constant 0 : i32
      %dma_wait3A_88 = tpu.memref_slice %arg11[%run_scoped3A_20, %dma_wait3A_87] : memref<32x128xf32, #tpu.memory_space<vmem>> -> memref<1x128xf32, #tpu.memory_space<vmem>>
      %dma_wait3A_89 = tpu.memref_squeeze %dma_wait3A_88 : memref<1x128xf32, #tpu.memory_space<vmem>> -> memref<128xf32, #tpu.memory_space<vmem>>
      tpu.wait_dma2 semaphore(%run_scoped3A_75 : memref<!tpu.dma_semaphore, #tpu.memory_space<semaphore_mem>>) src(%dma_wait3A_89 : memref<128xf32, #tpu.memory_space<vmem>>) dst(%dma_wait3A_86 : memref<128xf32, #tpu.memory_space<vmem_shared>>)
      tpu.yield
    }) : () -> ()
    %mul3A_21 = arith.constant 640 : i32
    %mul3A_22 = arith.muli %arg1, %mul3A_21 : i32
    %add3A_23 = arith.constant 128 : i32
    %add3A_24 = arith.addi %mul3A_22, %add3A_23 : i32
    %run_scoped3A_25 = arith.constant 0 : i32
    "tpu.region"() ({
      %run_scoped3A_75 = tpu.sem_alloc : memref<!tpu.dma_semaphore, #tpu.memory_space<semaphore_mem>>
      %dma_start3A = arith.constant 0 : i32
      %dma_start3A_76 = arith.constant 0 : i32
      %dma_start3A_77 = tpu.memref_slice %arg10[%run_scoped3A_25, %dma_start3A, %dma_start3A_76] : memref<2x128x128xf32, #tpu.memory_space<vmem>> -> memref<1x128x128xf32, #tpu.memory_space<vmem>>
      %dma_start3A_78 = tpu.memref_squeeze %dma_start3A_77 : memref<1x128x128xf32, #tpu.memory_space<vmem>> -> memref<128x128xf32, #tpu.memory_space<vmem>>
      %dma_start3A_79 = arith.constant 0 : i32
      %dma_start3A_80 = tpu.memref_slice %arg12[%add3A_24, %dma_start3A_79] : memref<10240x128xf32, #tpu.memory_space<vmem_shared>> -> memref<128x128xf32, #tpu.memory_space<vmem_shared>>
      %dma_start3A_81 = arith.constant 0 : i32
      %dma_start3A_82 = tpu.memref_slice %arg12[%add3A_24, %dma_start3A_81] : memref<10240x128xf32, #tpu.memory_space<vmem_shared>> -> memref<128x128xf32, #tpu.memory_space<vmem_shared>>
      %dma_start3A_83 = arith.constant 0 : i32
      %dma_start3A_84 = arith.constant 0 : i32
      %dma_start3A_85 = tpu.memref_slice %arg10[%run_scoped3A_25, %dma_start3A_83, %dma_start3A_84] : memref<2x128x128xf32, #tpu.memory_space<vmem>> -> memref<1x128x128xf32, #tpu.memory_space<vmem>>
      %dma_start3A_86 = tpu.memref_squeeze %dma_start3A_85 : memref<1x128x128xf32, #tpu.memory_space<vmem>> -> memref<128x128xf32, #tpu.memory_space<vmem>>
      tpu.enqueue_dma source(%dma_start3A_86 : memref<128x128xf32, #tpu.memory_space<vmem>>) target(%dma_start3A_82 : memref<128x128xf32, #tpu.memory_space<vmem_shared>>) target_semaphore(%run_scoped3A_75 : memref<!tpu.dma_semaphore, #tpu.memory_space<semaphore_mem>>)
      %dma_wait3A = arith.constant 0 : i32
      %dma_wait3A_87 = arith.constant 0 : i32
      %dma_wait3A_88 = tpu.memref_slice %arg10[%run_scoped3A_25, %dma_wait3A, %dma_wait3A_87] : memref<2x128x128xf32, #tpu.memory_space<vmem>> -> memref<1x128x128xf32, #tpu.memory_space<vmem>>
      %dma_wait3A_89 = tpu.memref_squeeze %dma_wait3A_88 : memref<1x128x128xf32, #tpu.memory_space<vmem>> -> memref<128x128xf32, #tpu.memory_space<vmem>>
      %dma_wait3A_90 = arith.constant 0 : i32
      %dma_wait3A_91 = tpu.memref_slice %arg12[%add3A_24, %dma_wait3A_90] : memref<10240x128xf32, #tpu.memory_space<vmem_shared>> -> memref<128x128xf32, #tpu.memory_space<vmem_shared>>
      %dma_wait3A_92 = arith.constant 0 : i32
      %dma_wait3A_93 = tpu.memref_slice %arg12[%add3A_24, %dma_wait3A_92] : memref<10240x128xf32, #tpu.memory_space<vmem_shared>> -> memref<128x128xf32, #tpu.memory_space<vmem_shared>>
      %dma_wait3A_94 = arith.constant 0 : i32
      %dma_wait3A_95 = arith.constant 0 : i32
      %dma_wait3A_96 = tpu.memref_slice %arg10[%run_scoped3A_25, %dma_wait3A_94, %dma_wait3A_95] : memref<2x128x128xf32, #tpu.memory_space<vmem>> -> memref<1x128x128xf32, #tpu.memory_space<vmem>>
      %dma_wait3A_97 = tpu.memref_squeeze %dma_wait3A_96 : memref<1x128x128xf32, #tpu.memory_space<vmem>> -> memref<128x128xf32, #tpu.memory_space<vmem>>
      tpu.wait_dma2 semaphore(%run_scoped3A_75 : memref<!tpu.dma_semaphore, #tpu.memory_space<semaphore_mem>>) src(%dma_wait3A_97 : memref<128x128xf32, #tpu.memory_space<vmem>>) dst(%dma_wait3A_93 : memref<128x128xf32, #tpu.memory_space<vmem_shared>>)
      tpu.yield
    }) : () -> ()
    %run_scoped3A_26 = arith.constant 0 : i32
    "tpu.region"() ({
      %run_scoped3A_75 = tpu.sem_alloc : memref<!tpu.dma_semaphore, #tpu.memory_space<semaphore_mem>>
      %dma_start3A = arith.constant 0 : i32
      %dma_start3A_76 = tpu.memref_slice %arg11[%run_scoped3A_26, %dma_start3A] : memref<32x128xf32, #tpu.memory_space<vmem>> -> memref<1x128xf32, #tpu.memory_space<vmem>>
      %dma_start3A_77 = tpu.memref_squeeze %dma_start3A_76 : memref<1x128xf32, #tpu.memory_space<vmem>> -> memref<128xf32, #tpu.memory_space<vmem>>
      %dma_start3A_78 = tpu.memref_slice %arg13[%add3A_24] : memref<10240xf32, #tpu.memory_space<vmem_shared>> -> memref<128xf32, #tpu.memory_space<vmem_shared>>
      %dma_start3A_79 = tpu.memref_slice %arg13[%add3A_24] : memref<10240xf32, #tpu.memory_space<vmem_shared>> -> memref<128xf32, #tpu.memory_space<vmem_shared>>
      %dma_start3A_80 = arith.constant 0 : i32
      %dma_start3A_81 = tpu.memref_slice %arg11[%run_scoped3A_26, %dma_start3A_80] : memref<32x128xf32, #tpu.memory_space<vmem>> -> memref<1x128xf32, #tpu.memory_space<vmem>>
      %dma_start3A_82 = tpu.memref_squeeze %dma_start3A_81 : memref<1x128xf32, #tpu.memory_space<vmem>> -> memref<128xf32, #tpu.memory_space<vmem>>
      tpu.enqueue_dma source(%dma_start3A_82 : memref<128xf32, #tpu.memory_space<vmem>>) target(%dma_start3A_79 : memref<128xf32, #tpu.memory_space<vmem_shared>>) target_semaphore(%run_scoped3A_75 : memref<!tpu.dma_semaphore, #tpu.memory_space<semaphore_mem>>)
      %dma_wait3A = arith.constant 0 : i32
      %dma_wait3A_83 = tpu.memref_slice %arg11[%run_scoped3A_26, %dma_wait3A] : memref<32x128xf32, #tpu.memory_space<vmem>> -> memref<1x128xf32, #tpu.memory_space<vmem>>
      %dma_wait3A_84 = tpu.memref_squeeze %dma_wait3A_83 : memref<1x128xf32, #tpu.memory_space<vmem>> -> memref<128xf32, #tpu.memory_space<vmem>>
      %dma_wait3A_85 = tpu.memref_slice %arg13[%add3A_24] : memref<10240xf32, #tpu.memory_space<vmem_shared>> -> memref<128xf32, #tpu.memory_space<vmem_shared>>
      %dma_wait3A_86 = tpu.memref_slice %arg13[%add3A_24] : memref<10240xf32, #tpu.memory_space<vmem_shared>> -> memref<128xf32, #tpu.memory_space<vmem_shared>>
      %dma_wait3A_87 = arith.constant 0 : i32
      %dma_wait3A_88 = tpu.memref_slice %arg11[%run_scoped3A_26, %dma_wait3A_87] : memref<32x128xf32, #tpu.memory_space<vmem>> -> memref<1x128xf32, #tpu.memory_space<vmem>>
      %dma_wait3A_89 = tpu.memref_squeeze %dma_wait3A_88 : memref<1x128xf32, #tpu.memory_space<vmem>> -> memref<128xf32, #tpu.memory_space<vmem>>
      tpu.wait_dma2 semaphore(%run_scoped3A_75 : memref<!tpu.dma_semaphore, #tpu.memory_space<semaphore_mem>>) src(%dma_wait3A_89 : memref<128xf32, #tpu.memory_space<vmem>>) dst(%dma_wait3A_86 : memref<128xf32, #tpu.memory_space<vmem_shared>>)
      tpu.yield
    }) : () -> ()
    %mul3A_27 = arith.constant 640 : i32
    %mul3A_28 = arith.muli %arg1, %mul3A_27 : i32
    %add3A_29 = arith.constant 256 : i32
    %add3A_30 = arith.addi %mul3A_28, %add3A_29 : i32
    %run_scoped3A_31 = arith.constant 0 : i32
    "tpu.region"() ({
      %run_scoped3A_75 = tpu.sem_alloc : memref<!tpu.dma_semaphore, #tpu.memory_space<semaphore_mem>>
      %dma_start3A = arith.constant 0 : i32
      %dma_start3A_76 = arith.constant 0 : i32
      %dma_start3A_77 = tpu.memref_slice %arg10[%run_scoped3A_31, %dma_start3A, %dma_start3A_76] : memref<2x128x128xf32, #tpu.memory_space<vmem>> -> memref<1x128x128xf32, #tpu.memory_space<vmem>>
      %dma_start3A_78 = tpu.memref_squeeze %dma_start3A_77 : memref<1x128x128xf32, #tpu.memory_space<vmem>> -> memref<128x128xf32, #tpu.memory_space<vmem>>
      %dma_start3A_79 = arith.constant 0 : i32
      %dma_start3A_80 = tpu.memref_slice %arg12[%add3A_30, %dma_start3A_79] : memref<10240x128xf32, #tpu.memory_space<vmem_shared>> -> memref<128x128xf32, #tpu.memory_space<vmem_shared>>
      %dma_start3A_81 = arith.constant 0 : i32
      %dma_start3A_82 = tpu.memref_slice %arg12[%add3A_30, %dma_start3A_81] : memref<10240x128xf32, #tpu.memory_space<vmem_shared>> -> memref<128x128xf32, #tpu.memory_space<vmem_shared>>
      %dma_start3A_83 = arith.constant 0 : i32
      %dma_start3A_84 = arith.constant 0 : i32
      %dma_start3A_85 = tpu.memref_slice %arg10[%run_scoped3A_31, %dma_start3A_83, %dma_start3A_84] : memref<2x128x128xf32, #tpu.memory_space<vmem>> -> memref<1x128x128xf32, #tpu.memory_space<vmem>>
      %dma_start3A_86 = tpu.memref_squeeze %dma_start3A_85 : memref<1x128x128xf32, #tpu.memory_space<vmem>> -> memref<128x128xf32, #tpu.memory_space<vmem>>
      tpu.enqueue_dma source(%dma_start3A_86 : memref<128x128xf32, #tpu.memory_space<vmem>>) target(%dma_start3A_82 : memref<128x128xf32, #tpu.memory_space<vmem_shared>>) target_semaphore(%run_scoped3A_75 : memref<!tpu.dma_semaphore, #tpu.memory_space<semaphore_mem>>)
      %dma_wait3A = arith.constant 0 : i32
      %dma_wait3A_87 = arith.constant 0 : i32
      %dma_wait3A_88 = tpu.memref_slice %arg10[%run_scoped3A_31, %dma_wait3A, %dma_wait3A_87] : memref<2x128x128xf32, #tpu.memory_space<vmem>> -> memref<1x128x128xf32, #tpu.memory_space<vmem>>
      %dma_wait3A_89 = tpu.memref_squeeze %dma_wait3A_88 : memref<1x128x128xf32, #tpu.memory_space<vmem>> -> memref<128x128xf32, #tpu.memory_space<vmem>>
      %dma_wait3A_90 = arith.constant 0 : i32
      %dma_wait3A_91 = tpu.memref_slice %arg12[%add3A_30, %dma_wait3A_90] : memref<10240x128xf32, #tpu.memory_space<vmem_shared>> -> memref<128x128xf32, #tpu.memory_space<vmem_shared>>
      %dma_wait3A_92 = arith.constant 0 : i32
      %dma_wait3A_93 = tpu.memref_slice %arg12[%add3A_30, %dma_wait3A_92] : memref<10240x128xf32, #tpu.memory_space<vmem_shared>> -> memref<128x128xf32, #tpu.memory_space<vmem_shared>>
      %dma_wait3A_94 = arith.constant 0 : i32
      %dma_wait3A_95 = arith.constant 0 : i32
      %dma_wait3A_96 = tpu.memref_slice %arg10[%run_scoped3A_31, %dma_wait3A_94, %dma_wait3A_95] : memref<2x128x128xf32, #tpu.memory_space<vmem>> -> memref<1x128x128xf32, #tpu.memory_space<vmem>>
      %dma_wait3A_97 = tpu.memref_squeeze %dma_wait3A_96 : memref<1x128x128xf32, #tpu.memory_space<vmem>> -> memref<128x128xf32, #tpu.memory_space<vmem>>
      tpu.wait_dma2 semaphore(%run_scoped3A_75 : memref<!tpu.dma_semaphore, #tpu.memory_space<semaphore_mem>>) src(%dma_wait3A_97 : memref<128x128xf32, #tpu.memory_space<vmem>>) dst(%dma_wait3A_93 : memref<128x128xf32, #tpu.memory_space<vmem_shared>>)
      tpu.yield
    }) : () -> ()
    %run_scoped3A_32 = arith.constant 0 : i32
    "tpu.region"() ({
      %run_scoped3A_75 = tpu.sem_alloc : memref<!tpu.dma_semaphore, #tpu.memory_space<semaphore_mem>>
      %dma_start3A = arith.constant 0 : i32
      %dma_start3A_76 = tpu.memref_slice %arg11[%run_scoped3A_32, %dma_start3A] : memref<32x128xf32, #tpu.memory_space<vmem>> -> memref<1x128xf32, #tpu.memory_space<vmem>>
      %dma_start3A_77 = tpu.memref_squeeze %dma_start3A_76 : memref<1x128xf32, #tpu.memory_space<vmem>> -> memref<128xf32, #tpu.memory_space<vmem>>
      %dma_start3A_78 = tpu.memref_slice %arg13[%add3A_30] : memref<10240xf32, #tpu.memory_space<vmem_shared>> -> memref<128xf32, #tpu.memory_space<vmem_shared>>
      %dma_start3A_79 = tpu.memref_slice %arg13[%add3A_30] : memref<10240xf32, #tpu.memory_space<vmem_shared>> -> memref<128xf32, #tpu.memory_space<vmem_shared>>
      %dma_start3A_80 = arith.constant 0 : i32
      %dma_start3A_81 = tpu.memref_slice %arg11[%run_scoped3A_32, %dma_start3A_80] : memref<32x128xf32, #tpu.memory_space<vmem>> -> memref<1x128xf32, #tpu.memory_space<vmem>>
      %dma_start3A_82 = tpu.memref_squeeze %dma_start3A_81 : memref<1x128xf32, #tpu.memory_space<vmem>> -> memref<128xf32, #tpu.memory_space<vmem>>
      tpu.enqueue_dma source(%dma_start3A_82 : memref<128xf32, #tpu.memory_space<vmem>>) target(%dma_start3A_79 : memref<128xf32, #tpu.memory_space<vmem_shared>>) target_semaphore(%run_scoped3A_75 : memref<!tpu.dma_semaphore, #tpu.memory_space<semaphore_mem>>)
      %dma_wait3A = arith.constant 0 : i32
      %dma_wait3A_83 = tpu.memref_slice %arg11[%run_scoped3A_32, %dma_wait3A] : memref<32x128xf32, #tpu.memory_space<vmem>> -> memref<1x128xf32, #tpu.memory_space<vmem>>
      %dma_wait3A_84 = tpu.memref_squeeze %dma_wait3A_83 : memref<1x128xf32, #tpu.memory_space<vmem>> -> memref<128xf32, #tpu.memory_space<vmem>>
      %dma_wait3A_85 = tpu.memref_slice %arg13[%add3A_30] : memref<10240xf32, #tpu.memory_space<vmem_shared>> -> memref<128xf32, #tpu.memory_space<vmem_shared>>
      %dma_wait3A_86 = tpu.memref_slice %arg13[%add3A_30] : memref<10240xf32, #tpu.memory_space<vmem_shared>> -> memref<128xf32, #tpu.memory_space<vmem_shared>>
      %dma_wait3A_87 = arith.constant 0 : i32
      %dma_wait3A_88 = tpu.memref_slice %arg11[%run_scoped3A_32, %dma_wait3A_87] : memref<32x128xf32, #tpu.memory_space<vmem>> -> memref<1x128xf32, #tpu.memory_space<vmem>>
      %dma_wait3A_89 = tpu.memref_squeeze %dma_wait3A_88 : memref<1x128xf32, #tpu.memory_space<vmem>> -> memref<128xf32, #tpu.memory_space<vmem>>
      tpu.wait_dma2 semaphore(%run_scoped3A_75 : memref<!tpu.dma_semaphore, #tpu.memory_space<semaphore_mem>>) src(%dma_wait3A_89 : memref<128xf32, #tpu.memory_space<vmem>>) dst(%dma_wait3A_86 : memref<128xf32, #tpu.memory_space<vmem_shared>>)
      tpu.yield
    }) : () -> ()
    %mul3A_33 = arith.constant 640 : i32
    %mul3A_34 = arith.muli %arg1, %mul3A_33 : i32
    %add3A_35 = arith.constant 384 : i32
    %add3A_36 = arith.addi %mul3A_34, %add3A_35 : i32
    %run_scoped3A_37 = arith.constant 0 : i32
    "tpu.region"() ({
      %run_scoped3A_75 = tpu.sem_alloc : memref<!tpu.dma_semaphore, #tpu.memory_space<semaphore_mem>>
      %dma_start3A = arith.constant 0 : i32
      %dma_start3A_76 = arith.constant 0 : i32
      %dma_start3A_77 = tpu.memref_slice %arg10[%run_scoped3A_37, %dma_start3A, %dma_start3A_76] : memref<2x128x128xf32, #tpu.memory_space<vmem>> -> memref<1x128x128xf32, #tpu.memory_space<vmem>>
      %dma_start3A_78 = tpu.memref_squeeze %dma_start3A_77 : memref<1x128x128xf32, #tpu.memory_space<vmem>> -> memref<128x128xf32, #tpu.memory_space<vmem>>
      %dma_start3A_79 = arith.constant 0 : i32
      %dma_start3A_80 = tpu.memref_slice %arg12[%add3A_36, %dma_start3A_79] : memref<10240x128xf32, #tpu.memory_space<vmem_shared>> -> memref<128x128xf32, #tpu.memory_space<vmem_shared>>
      %dma_start3A_81 = arith.constant 0 : i32
      %dma_start3A_82 = tpu.memref_slice %arg12[%add3A_36, %dma_start3A_81] : memref<10240x128xf32, #tpu.memory_space<vmem_shared>> -> memref<128x128xf32, #tpu.memory_space<vmem_shared>>
      %dma_start3A_83 = arith.constant 0 : i32
      %dma_start3A_84 = arith.constant 0 : i32
      %dma_start3A_85 = tpu.memref_slice %arg10[%run_scoped3A_37, %dma_start3A_83, %dma_start3A_84] : memref<2x128x128xf32, #tpu.memory_space<vmem>> -> memref<1x128x128xf32, #tpu.memory_space<vmem>>
      %dma_start3A_86 = tpu.memref_squeeze %dma_start3A_85 : memref<1x128x128xf32, #tpu.memory_space<vmem>> -> memref<128x128xf32, #tpu.memory_space<vmem>>
      tpu.enqueue_dma source(%dma_start3A_86 : memref<128x128xf32, #tpu.memory_space<vmem>>) target(%dma_start3A_82 : memref<128x128xf32, #tpu.memory_space<vmem_shared>>) target_semaphore(%run_scoped3A_75 : memref<!tpu.dma_semaphore, #tpu.memory_space<semaphore_mem>>)
      %dma_wait3A = arith.constant 0 : i32
      %dma_wait3A_87 = arith.constant 0 : i32
      %dma_wait3A_88 = tpu.memref_slice %arg10[%run_scoped3A_37, %dma_wait3A, %dma_wait3A_87] : memref<2x128x128xf32, #tpu.memory_space<vmem>> -> memref<1x128x128xf32, #tpu.memory_space<vmem>>
      %dma_wait3A_89 = tpu.memref_squeeze %dma_wait3A_88 : memref<1x128x128xf32, #tpu.memory_space<vmem>> -> memref<128x128xf32, #tpu.memory_space<vmem>>
      %dma_wait3A_90 = arith.constant 0 : i32
      %dma_wait3A_91 = tpu.memref_slice %arg12[%add3A_36, %dma_wait3A_90] : memref<10240x128xf32, #tpu.memory_space<vmem_shared>> -> memref<128x128xf32, #tpu.memory_space<vmem_shared>>
      %dma_wait3A_92 = arith.constant 0 : i32
      %dma_wait3A_93 = tpu.memref_slice %arg12[%add3A_36, %dma_wait3A_92] : memref<10240x128xf32, #tpu.memory_space<vmem_shared>> -> memref<128x128xf32, #tpu.memory_space<vmem_shared>>
      %dma_wait3A_94 = arith.constant 0 : i32
      %dma_wait3A_95 = arith.constant 0 : i32
      %dma_wait3A_96 = tpu.memref_slice %arg10[%run_scoped3A_37, %dma_wait3A_94, %dma_wait3A_95] : memref<2x128x128xf32, #tpu.memory_space<vmem>> -> memref<1x128x128xf32, #tpu.memory_space<vmem>>
      %dma_wait3A_97 = tpu.memref_squeeze %dma_wait3A_96 : memref<1x128x128xf32, #tpu.memory_space<vmem>> -> memref<128x128xf32, #tpu.memory_space<vmem>>
      tpu.wait_dma2 semaphore(%run_scoped3A_75 : memref<!tpu.dma_semaphore, #tpu.memory_space<semaphore_mem>>) src(%dma_wait3A_97 : memref<128x128xf32, #tpu.memory_space<vmem>>) dst(%dma_wait3A_93 : memref<128x128xf32, #tpu.memory_space<vmem_shared>>)
      tpu.yield
    }) : () -> ()
    %run_scoped3A_38 = arith.constant 0 : i32
    "tpu.region"() ({
      %run_scoped3A_75 = tpu.sem_alloc : memref<!tpu.dma_semaphore, #tpu.memory_space<semaphore_mem>>
      %dma_start3A = arith.constant 0 : i32
      %dma_start3A_76 = tpu.memref_slice %arg11[%run_scoped3A_38, %dma_start3A] : memref<32x128xf32, #tpu.memory_space<vmem>> -> memref<1x128xf32, #tpu.memory_space<vmem>>
      %dma_start3A_77 = tpu.memref_squeeze %dma_start3A_76 : memref<1x128xf32, #tpu.memory_space<vmem>> -> memref<128xf32, #tpu.memory_space<vmem>>
      %dma_start3A_78 = tpu.memref_slice %arg13[%add3A_36] : memref<10240xf32, #tpu.memory_space<vmem_shared>> -> memref<128xf32, #tpu.memory_space<vmem_shared>>
      %dma_start3A_79 = tpu.memref_slice %arg13[%add3A_36] : memref<10240xf32, #tpu.memory_space<vmem_shared>> -> memref<128xf32, #tpu.memory_space<vmem_shared>>
      %dma_start3A_80 = arith.constant 0 : i32
      %dma_start3A_81 = tpu.memref_slice %arg11[%run_scoped3A_38, %dma_start3A_80] : memref<32x128xf32, #tpu.memory_space<vmem>> -> memref<1x128xf32, #tpu.memory_space<vmem>>
      %dma_start3A_82 = tpu.memref_squeeze %dma_start3A_81 : memref<1x128xf32, #tpu.memory_space<vmem>> -> memref<128xf32, #tpu.memory_space<vmem>>
      tpu.enqueue_dma source(%dma_start3A_82 : memref<128xf32, #tpu.memory_space<vmem>>) target(%dma_start3A_79 : memref<128xf32, #tpu.memory_space<vmem_shared>>) target_semaphore(%run_scoped3A_75 : memref<!tpu.dma_semaphore, #tpu.memory_space<semaphore_mem>>)
      %dma_wait3A = arith.constant 0 : i32
      %dma_wait3A_83 = tpu.memref_slice %arg11[%run_scoped3A_38, %dma_wait3A] : memref<32x128xf32, #tpu.memory_space<vmem>> -> memref<1x128xf32, #tpu.memory_space<vmem>>
      %dma_wait3A_84 = tpu.memref_squeeze %dma_wait3A_83 : memref<1x128xf32, #tpu.memory_space<vmem>> -> memref<128xf32, #tpu.memory_space<vmem>>
      %dma_wait3A_85 = tpu.memref_slice %arg13[%add3A_36] : memref<10240xf32, #tpu.memory_space<vmem_shared>> -> memref<128xf32, #tpu.memory_space<vmem_shared>>
      %dma_wait3A_86 = tpu.memref_slice %arg13[%add3A_36] : memref<10240xf32, #tpu.memory_space<vmem_shared>> -> memref<128xf32, #tpu.memory_space<vmem_shared>>
      %dma_wait3A_87 = arith.constant 0 : i32
      %dma_wait3A_88 = tpu.memref_slice %arg11[%run_scoped3A_38, %dma_wait3A_87] : memref<32x128xf32, #tpu.memory_space<vmem>> -> memref<1x128xf32, #tpu.memory_space<vmem>>
      %dma_wait3A_89 = tpu.memref_squeeze %dma_wait3A_88 : memref<1x128xf32, #tpu.memory_space<vmem>> -> memref<128xf32, #tpu.memory_space<vmem>>
      tpu.wait_dma2 semaphore(%run_scoped3A_75 : memref<!tpu.dma_semaphore, #tpu.memory_space<semaphore_mem>>) src(%dma_wait3A_89 : memref<128xf32, #tpu.memory_space<vmem>>) dst(%dma_wait3A_86 : memref<128xf32, #tpu.memory_space<vmem_shared>>)
      tpu.yield
    }) : () -> ()
    %mul3A_39 = arith.constant 640 : i32
    %mul3A_40 = arith.muli %arg1, %mul3A_39 : i32
    %add3A_41 = arith.constant 512 : i32
    %add3A_42 = arith.addi %mul3A_40, %add3A_41 : i32
    %run_scoped3A_43 = arith.constant 0 : i32
    "tpu.region"() ({
      %run_scoped3A_75 = tpu.sem_alloc : memref<!tpu.dma_semaphore, #tpu.memory_space<semaphore_mem>>
      %dma_start3A = arith.constant 0 : i32
      %dma_start3A_76 = arith.constant 0 : i32
      %dma_start3A_77 = tpu.memref_slice %arg10[%run_scoped3A_43, %dma_start3A, %dma_start3A_76] : memref<2x128x128xf32, #tpu.memory_space<vmem>> -> memref<1x128x128xf32, #tpu.memory_space<vmem>>
      %dma_start3A_78 = tpu.memref_squeeze %dma_start3A_77 : memref<1x128x128xf32, #tpu.memory_space<vmem>> -> memref<128x128xf32, #tpu.memory_space<vmem>>
      %dma_start3A_79 = arith.constant 0 : i32
      %dma_start3A_80 = tpu.memref_slice %arg12[%add3A_42, %dma_start3A_79] : memref<10240x128xf32, #tpu.memory_space<vmem_shared>> -> memref<128x128xf32, #tpu.memory_space<vmem_shared>>
      %dma_start3A_81 = arith.constant 0 : i32
      %dma_start3A_82 = tpu.memref_slice %arg12[%add3A_42, %dma_start3A_81] : memref<10240x128xf32, #tpu.memory_space<vmem_shared>> -> memref<128x128xf32, #tpu.memory_space<vmem_shared>>
      %dma_start3A_83 = arith.constant 0 : i32
      %dma_start3A_84 = arith.constant 0 : i32
      %dma_start3A_85 = tpu.memref_slice %arg10[%run_scoped3A_43, %dma_start3A_83, %dma_start3A_84] : memref<2x128x128xf32, #tpu.memory_space<vmem>> -> memref<1x128x128xf32, #tpu.memory_space<vmem>>
      %dma_start3A_86 = tpu.memref_squeeze %dma_start3A_85 : memref<1x128x128xf32, #tpu.memory_space<vmem>> -> memref<128x128xf32, #tpu.memory_space<vmem>>
      tpu.enqueue_dma source(%dma_start3A_86 : memref<128x128xf32, #tpu.memory_space<vmem>>) target(%dma_start3A_82 : memref<128x128xf32, #tpu.memory_space<vmem_shared>>) target_semaphore(%run_scoped3A_75 : memref<!tpu.dma_semaphore, #tpu.memory_space<semaphore_mem>>)
      %dma_wait3A = arith.constant 0 : i32
      %dma_wait3A_87 = arith.constant 0 : i32
      %dma_wait3A_88 = tpu.memref_slice %arg10[%run_scoped3A_43, %dma_wait3A, %dma_wait3A_87] : memref<2x128x128xf32, #tpu.memory_space<vmem>> -> memref<1x128x128xf32, #tpu.memory_space<vmem>>
      %dma_wait3A_89 = tpu.memref_squeeze %dma_wait3A_88 : memref<1x128x128xf32, #tpu.memory_space<vmem>> -> memref<128x128xf32, #tpu.memory_space<vmem>>
      %dma_wait3A_90 = arith.constant 0 : i32
      %dma_wait3A_91 = tpu.memref_slice %arg12[%add3A_42, %dma_wait3A_90] : memref<10240x128xf32, #tpu.memory_space<vmem_shared>> -> memref<128x128xf32, #tpu.memory_space<vmem_shared>>
      %dma_wait3A_92 = arith.constant 0 : i32
      %dma_wait3A_93 = tpu.memref_slice %arg12[%add3A_42, %dma_wait3A_92] : memref<10240x128xf32, #tpu.memory_space<vmem_shared>> -> memref<128x128xf32, #tpu.memory_space<vmem_shared>>
      %dma_wait3A_94 = arith.constant 0 : i32
      %dma_wait3A_95 = arith.constant 0 : i32
      %dma_wait3A_96 = tpu.memref_slice %arg10[%run_scoped3A_43, %dma_wait3A_94, %dma_wait3A_95] : memref<2x128x128xf32, #tpu.memory_space<vmem>> -> memref<1x128x128xf32, #tpu.memory_space<vmem>>
      %dma_wait3A_97 = tpu.memref_squeeze %dma_wait3A_96 : memref<1x128x128xf32, #tpu.memory_space<vmem>> -> memref<128x128xf32, #tpu.memory_space<vmem>>
      tpu.wait_dma2 semaphore(%run_scoped3A_75 : memref<!tpu.dma_semaphore, #tpu.memory_space<semaphore_mem>>) src(%dma_wait3A_97 : memref<128x128xf32, #tpu.memory_space<vmem>>) dst(%dma_wait3A_93 : memref<128x128xf32, #tpu.memory_space<vmem_shared>>)
      tpu.yield
    }) : () -> ()
    %run_scoped3A_44 = arith.constant 0 : i32
    "tpu.region"() ({
      %run_scoped3A_75 = tpu.sem_alloc : memref<!tpu.dma_semaphore, #tpu.memory_space<semaphore_mem>>
      %dma_start3A = arith.constant 0 : i32
      %dma_start3A_76 = tpu.memref_slice %arg11[%run_scoped3A_44, %dma_start3A] : memref<32x128xf32, #tpu.memory_space<vmem>> -> memref<1x128xf32, #tpu.memory_space<vmem>>
      %dma_start3A_77 = tpu.memref_squeeze %dma_start3A_76 : memref<1x128xf32, #tpu.memory_space<vmem>> -> memref<128xf32, #tpu.memory_space<vmem>>
      %dma_start3A_78 = tpu.memref_slice %arg13[%add3A_42] : memref<10240xf32, #tpu.memory_space<vmem_shared>> -> memref<128xf32, #tpu.memory_space<vmem_shared>>
      %dma_start3A_79 = tpu.memref_slice %arg13[%add3A_42] : memref<10240xf32, #tpu.memory_space<vmem_shared>> -> memref<128xf32, #tpu.memory_space<vmem_shared>>
      %dma_start3A_80 = arith.constant 0 : i32
      %dma_start3A_81 = tpu.memref_slice %arg11[%run_scoped3A_44, %dma_start3A_80] : memref<32x128xf32, #tpu.memory_space<vmem>> -> memref<1x128xf32, #tpu.memory_space<vmem>>
      %dma_start3A_82 = tpu.memref_squeeze %dma_start3A_81 : memref<1x128xf32, #tpu.memory_space<vmem>> -> memref<128xf32, #tpu.memory_space<vmem>>
      tpu.enqueue_dma source(%dma_start3A_82 : memref<128xf32, #tpu.memory_space<vmem>>) target(%dma_start3A_79 : memref<128xf32, #tpu.memory_space<vmem_shared>>) target_semaphore(%run_scoped3A_75 : memref<!tpu.dma_semaphore, #tpu.memory_space<semaphore_mem>>)
      %dma_wait3A = arith.constant 0 : i32
      %dma_wait3A_83 = tpu.memref_slice %arg11[%run_scoped3A_44, %dma_wait3A] : memref<32x128xf32, #tpu.memory_space<vmem>> -> memref<1x128xf32, #tpu.memory_space<vmem>>
      %dma_wait3A_84 = tpu.memref_squeeze %dma_wait3A_83 : memref<1x128xf32, #tpu.memory_space<vmem>> -> memref<128xf32, #tpu.memory_space<vmem>>
      %dma_wait3A_85 = tpu.memref_slice %arg13[%add3A_42] : memref<10240xf32, #tpu.memory_space<vmem_shared>> -> memref<128xf32, #tpu.memory_space<vmem_shared>>
      %dma_wait3A_86 = tpu.memref_slice %arg13[%add3A_42] : memref<10240xf32, #tpu.memory_space<vmem_shared>> -> memref<128xf32, #tpu.memory_space<vmem_shared>>
      %dma_wait3A_87 = arith.constant 0 : i32
      %dma_wait3A_88 = tpu.memref_slice %arg11[%run_scoped3A_44, %dma_wait3A_87] : memref<32x128xf32, #tpu.memory_space<vmem>> -> memref<1x128xf32, #tpu.memory_space<vmem>>
      %dma_wait3A_89 = tpu.memref_squeeze %dma_wait3A_88 : memref<1x128xf32, #tpu.memory_space<vmem>> -> memref<128xf32, #tpu.memory_space<vmem>>
      tpu.wait_dma2 semaphore(%run_scoped3A_75 : memref<!tpu.dma_semaphore, #tpu.memory_space<semaphore_mem>>) src(%dma_wait3A_89 : memref<128xf32, #tpu.memory_space<vmem>>) dst(%dma_wait3A_86 : memref<128xf32, #tpu.memory_space<vmem_shared>>)
      tpu.yield
    }) : () -> ()
    %barrier3A = arith.constant 0 : index
    tpu.barrier barrier_id(%barrier3A)
    %sub3A = arith.constant 0 : i32
    %sub3A_45 = arith.subi %select_n3A, %sub3A : i32
    %jit3A_46 = arith.constant 0 : i32
    %jit3A_47 = arith.constant 32 : i32
    %max3A = arith.maxsi %jit3A_46, %sub3A_45 : i32
    %min3A = arith.minsi %jit3A_47, %max3A : i32
    %gt3A = arith.constant 0 : i32
    %gt3A_48 = arith.cmpi sgt, %min3A, %gt3A : i32
    %convert_element_type3A = arith.extui %gt3A_48 : i1 to i32
    %cond3A = arith.constant 0 : i32
    %cond3A_49 = arith.cmpi ne, %convert_element_type3A, %cond3A : i32
    scf.if %cond3A_49 {
      %add3A_75 = arith.constant 0 : i32
      %add3A_76 = arith.addi %mul3A_2, %add3A_75 : i32
      "tpu.region"() ({
        %run_scoped3A_140 = tpu.sem_alloc : memref<!tpu.dma_semaphore, #tpu.memory_space<semaphore_mem>>
        %dma_start3A_141 = arith.constant 0 : i32
        %dma_start3A_142 = tpu.memref_slice %arg3[%add3A_76, %dma_start3A_141] : memref<2560x128xi32, #tpu.memory_space<hbm>> -> memref<32x128xi32, #tpu.memory_space<hbm>>
        %dma_start3A_143 = arith.constant 0 : i32
        %dma_start3A_144 = tpu.memref_slice %arg3[%add3A_76, %dma_start3A_143] : memref<2560x128xi32, #tpu.memory_space<hbm>> -> memref<32x128xi32, #tpu.memory_space<hbm>>
        tpu.enqueue_dma source(%dma_start3A_144 : memref<32x128xi32, #tpu.memory_space<hbm>>) target(%arg8 : memref<32x128xi32, #tpu.memory_space<vmem>>) target_semaphore(%run_scoped3A_140 : memref<!tpu.dma_semaphore, #tpu.memory_space<semaphore_mem>>)
        %dma_wait3A_145 = arith.constant 0 : i32
        %dma_wait3A_146 = tpu.memref_slice %arg3[%add3A_76, %dma_wait3A_145] : memref<2560x128xi32, #tpu.memory_space<hbm>> -> memref<32x128xi32, #tpu.memory_space<hbm>>
        %dma_wait3A_147 = arith.constant 0 : i32
        %dma_wait3A_148 = tpu.memref_slice %arg3[%add3A_76, %dma_wait3A_147] : memref<2560x128xi32, #tpu.memory_space<hbm>> -> memref<32x128xi32, #tpu.memory_space<hbm>>
        tpu.wait_dma2 semaphore(%run_scoped3A_140 : memref<!tpu.dma_semaphore, #tpu.memory_space<semaphore_mem>>) src(%dma_wait3A_148 : memref<32x128xi32, #tpu.memory_space<hbm>>) dst(%arg8 : memref<32x128xi32, #tpu.memory_space<vmem>>)
        tpu.yield
      }) : () -> ()
      %add3A_77 = arith.constant 0 : i32
      %add3A_78 = arith.addi %mul3A_2, %add3A_77 : i32
      "tpu.region"() ({
        %run_scoped3A_140 = tpu.sem_alloc : memref<!tpu.dma_semaphore, #tpu.memory_space<semaphore_mem>>
        %dma_start3A_141 = arith.constant 0 : i32
        %dma_start3A_142 = tpu.memref_slice %arg4[%add3A_78, %dma_start3A_141] : memref<2560x128xi32, #tpu.memory_space<hbm>> -> memref<32x128xi32, #tpu.memory_space<hbm>>
        %dma_start3A_143 = arith.constant 0 : i32
        %dma_start3A_144 = tpu.memref_slice %arg4[%add3A_78, %dma_start3A_143] : memref<2560x128xi32, #tpu.memory_space<hbm>> -> memref<32x128xi32, #tpu.memory_space<hbm>>
        tpu.enqueue_dma source(%dma_start3A_144 : memref<32x128xi32, #tpu.memory_space<hbm>>) target(%arg9 : memref<32x128xi32, #tpu.memory_space<vmem>>) target_semaphore(%run_scoped3A_140 : memref<!tpu.dma_semaphore, #tpu.memory_space<semaphore_mem>>)
        %dma_wait3A_145 = arith.constant 0 : i32
        %dma_wait3A_146 = tpu.memref_slice %arg4[%add3A_78, %dma_wait3A_145] : memref<2560x128xi32, #tpu.memory_space<hbm>> -> memref<32x128xi32, #tpu.memory_space<hbm>>
        %dma_wait3A_147 = arith.constant 0 : i32
        %dma_wait3A_148 = tpu.memref_slice %arg4[%add3A_78, %dma_wait3A_147] : memref<2560x128xi32, #tpu.memory_space<hbm>> -> memref<32x128xi32, #tpu.memory_space<hbm>>
        tpu.wait_dma2 semaphore(%run_scoped3A_140 : memref<!tpu.dma_semaphore, #tpu.memory_space<semaphore_mem>>) src(%dma_wait3A_148 : memref<32x128xi32, #tpu.memory_space<hbm>>) dst(%arg9 : memref<32x128xi32, #tpu.memory_space<vmem>>)
        tpu.yield
      }) : () -> ()
      %dma_start3A = arith.constant 0 : i32
      %dma_start3A_79 = arith.constant 0 : i32
      %dma_start3A_80 = arith.constant 0 : i32
      %dma_start3A_81 = arith.constant 0 : i32
      %dma_start3A_82 = tpu.memref_slice %arg10[%dma_start3A_79, %dma_start3A_80, %dma_start3A_81] : memref<2x128x128xf32, #tpu.memory_space<vmem>> -> memref<1x128x128xf32, #tpu.memory_space<vmem>>
      %dma_start3A_83 = tpu.memref_squeeze %dma_start3A_82 : memref<1x128x128xf32, #tpu.memory_space<vmem>> -> memref<128x128xf32, #tpu.memory_space<vmem>>
      %dma_start3A_84 = arith.constant 0 : i32
      %dma_start3A_85 = tpu.memref_slice %arg8[%dma_start3A, %dma_start3A_84] : memref<32x128xi32, #tpu.memory_space<vmem>> -> memref<1x128xi32, #tpu.memory_space<vmem>>
      %dma_start3A_86 = tpu.memref_squeeze %dma_start3A_85 : memref<1x128xi32, #tpu.memory_space<vmem>> -> memref<128xi32, #tpu.memory_space<vmem>>
      %dma_start3A_87 = arith.constant 0 : i32
      %dma_start3A_88 = arith.constant 0 : i32
      %dma_start3A_89 = tpu.memref_slice %arg2[%dma_start3A_87, %dma_start3A_88] : memref<10240x128xf32, #tpu.memory_space<hbm>> -> memref<10240x128xf32, #tpu.memory_space<hbm>>
      tpu.enqueue_indirect_dma source(%dma_start3A_89 : memref<10240x128xf32, #tpu.memory_space<hbm>>) target(%dma_start3A_83 : memref<128x128xf32, #tpu.memory_space<vmem>>) offsets(%dma_start3A_86 : memref<128xi32, #tpu.memory_space<vmem>>) semaphore(%arg14 : memref<!tpu.dma_semaphore, #tpu.memory_space<semaphore_mem>>)
      %while3A = arith.constant 0 : i32
      %while3A_90 = arith.constant 0 : i32
      %while3A_91 = arith.subi %min3A, %while3A_90 : i32
      %while3A_92 = arith.addi %while3A_90, %while3A_91 : i32
      %while3A_93 = arith.constant 1 : i32
      %while3A_94 = arith.divsi %while3A_91, %while3A_93 : i32
      %while3A_95 = arith.muli %while3A_94, %while3A_93 : i32
      %while3A_96 = arith.addi %while3A_90, %while3A_95 : i32
      %while3A_97 = arith.constant 1 : i32
      scf.for %while3A_140 = %while3A_90 to %while3A_96 step %while3A_97  : i32 {
        %rem3A_141 = arith.constant 2 : i32
        %rem3A_142 = arith.remsi %while3A_140, %rem3A_141 : i32
        %sub3A_143 = arith.constant 1 : i32
        %sub3A_144 = arith.subi %sub3A_143, %rem3A_142 : i32
        %dma_start3A_145 = arith.constant 0 : i32
        %dma_start3A_146 = tpu.memref_slice %arg11[%while3A_140, %dma_start3A_145] : memref<32x128xf32, #tpu.memory_space<vmem>> -> memref<1x128xf32, #tpu.memory_space<vmem>>
        %dma_start3A_147 = tpu.memref_squeeze %dma_start3A_146 : memref<1x128xf32, #tpu.memory_space<vmem>> -> memref<128xf32, #tpu.memory_space<vmem>>
        %dma_start3A_148 = arith.constant 0 : i32
        %dma_start3A_149 = tpu.memref_slice %arg9[%while3A_140, %dma_start3A_148] : memref<32x128xi32, #tpu.memory_space<vmem>> -> memref<1x128xi32, #tpu.memory_space<vmem>>
        %dma_start3A_150 = tpu.memref_squeeze %dma_start3A_149 : memref<1x128xi32, #tpu.memory_space<vmem>> -> memref<128xi32, #tpu.memory_space<vmem>>
        %dma_start3A_151 = arith.constant 0 : i32
        %dma_start3A_152 = tpu.memref_slice %arg5[%dma_start3A_151] : memref<10240xf32, #tpu.memory_space<hbm>> -> memref<10240xf32, #tpu.memory_space<hbm>>
        tpu.enqueue_indirect_dma source(%dma_start3A_152 : memref<10240xf32, #tpu.memory_space<hbm>>) target(%dma_start3A_147 : memref<128xf32, #tpu.memory_space<vmem>>) offsets(%dma_start3A_150 : memref<128xi32, #tpu.memory_space<vmem>>) semaphore(%arg15 : memref<!tpu.dma_semaphore, #tpu.memory_space<semaphore_mem>>)
        %add3A_153 = arith.constant 1 : i32
        %add3A_154 = arith.addi %while3A_140, %add3A_153 : i32
        %lt3A_155 = arith.cmpi slt, %add3A_154, %min3A : i32
        %convert_element_type3A_156 = arith.extui %lt3A_155 : i1 to i32
        %cond3A_157 = arith.constant 0 : i32
        %cond3A_158 = arith.cmpi ne, %convert_element_type3A_156, %cond3A_157 : i32
        scf.if %cond3A_158 {
          %ge3A_179 = arith.constant 1 : i32
          %ge3A_180 = arith.cmpi sge, %while3A_140, %ge3A_179 : i32
          %convert_element_type3A_181 = arith.extui %ge3A_180 : i1 to i32
          %cond3A_182 = arith.constant 0 : i32
          %cond3A_183 = arith.cmpi ne, %convert_element_type3A_181, %cond3A_182 : i32
          scf.if %cond3A_183 {
            %sub3A_196 = arith.constant 1 : i32
            %sub3A_197 = arith.subi %while3A_140, %sub3A_196 : i32
            %dma_wait3A_198 = arith.constant 0 : i32
            %dma_wait3A_199 = arith.constant 0 : i32
            %dma_wait3A_200 = tpu.memref_slice %arg10[%sub3A_144, %dma_wait3A_198, %dma_wait3A_199] : memref<2x128x128xf32, #tpu.memory_space<vmem>> -> memref<1x128x128xf32, #tpu.memory_space<vmem>>
            %dma_wait3A_201 = tpu.memref_squeeze %dma_wait3A_200 : memref<1x128x128xf32, #tpu.memory_space<vmem>> -> memref<128x128xf32, #tpu.memory_space<vmem>>
            %dma_wait3A_202 = arith.constant 0 : i32
            %dma_wait3A_203 = tpu.memref_slice %arg9[%sub3A_197, %dma_wait3A_202] : memref<32x128xi32, #tpu.memory_space<vmem>> -> memref<1x128xi32, #tpu.memory_space<vmem>>
            %dma_wait3A_204 = tpu.memref_squeeze %dma_wait3A_203 : memref<1x128xi32, #tpu.memory_space<vmem>> -> memref<128xi32, #tpu.memory_space<vmem>>
            %dma_wait3A_205 = arith.constant 0 : i32
            %dma_wait3A_206 = arith.constant 0 : i32
            %dma_wait3A_207 = tpu.memref_slice %arg12[%dma_wait3A_205, %dma_wait3A_206] : memref<10240x128xf32, #tpu.memory_space<vmem_shared>> -> memref<10240x128xf32, #tpu.memory_space<vmem_shared>>
            tpu.wait_indirect_dma semaphore(%arg16 : memref<!tpu.dma_semaphore, #tpu.memory_space<semaphore_mem>>) src(%dma_wait3A_201 : memref<128x128xf32, #tpu.memory_space<vmem>>) dst(%dma_wait3A_207 : memref<10240x128xf32, #tpu.memory_space<vmem_shared>>)
          } else {
          }
          %add3A_184 = arith.constant 1 : i32
          %add3A_185 = arith.addi %while3A_140, %add3A_184 : i32
          %dma_start3A_186 = arith.constant 0 : i32
          %dma_start3A_187 = arith.constant 0 : i32
          %dma_start3A_188 = tpu.memref_slice %arg10[%sub3A_144, %dma_start3A_186, %dma_start3A_187] : memref<2x128x128xf32, #tpu.memory_space<vmem>> -> memref<1x128x128xf32, #tpu.memory_space<vmem>>
          %dma_start3A_189 = tpu.memref_squeeze %dma_start3A_188 : memref<1x128x128xf32, #tpu.memory_space<vmem>> -> memref<128x128xf32, #tpu.memory_space<vmem>>
          %dma_start3A_190 = arith.constant 0 : i32
          %dma_start3A_191 = tpu.memref_slice %arg8[%add3A_185, %dma_start3A_190] : memref<32x128xi32, #tpu.memory_space<vmem>> -> memref<1x128xi32, #tpu.memory_space<vmem>>
          %dma_start3A_192 = tpu.memref_squeeze %dma_start3A_191 : memref<1x128xi32, #tpu.memory_space<vmem>> -> memref<128xi32, #tpu.memory_space<vmem>>
          %dma_start3A_193 = arith.constant 0 : i32
          %dma_start3A_194 = arith.constant 0 : i32
          %dma_start3A_195 = tpu.memref_slice %arg2[%dma_start3A_193, %dma_start3A_194] : memref<10240x128xf32, #tpu.memory_space<hbm>> -> memref<10240x128xf32, #tpu.memory_space<hbm>>
          tpu.enqueue_indirect_dma source(%dma_start3A_195 : memref<10240x128xf32, #tpu.memory_space<hbm>>) target(%dma_start3A_189 : memref<128x128xf32, #tpu.memory_space<vmem>>) offsets(%dma_start3A_192 : memref<128xi32, #tpu.memory_space<vmem>>) semaphore(%arg14 : memref<!tpu.dma_semaphore, #tpu.memory_space<semaphore_mem>>)
        } else {
        }
        %dma_wait3A_159 = arith.constant 0 : i32
        %dma_wait3A_160 = arith.constant 0 : i32
        %dma_wait3A_161 = tpu.memref_slice %arg10[%rem3A_142, %dma_wait3A_159, %dma_wait3A_160] : memref<2x128x128xf32, #tpu.memory_space<vmem>> -> memref<1x128x128xf32, #tpu.memory_space<vmem>>
        %dma_wait3A_162 = tpu.memref_squeeze %dma_wait3A_161 : memref<1x128x128xf32, #tpu.memory_space<vmem>> -> memref<128x128xf32, #tpu.memory_space<vmem>>
        %dma_wait3A_163 = arith.constant 0 : i32
        %dma_wait3A_164 = tpu.memref_slice %arg8[%while3A_140, %dma_wait3A_163] : memref<32x128xi32, #tpu.memory_space<vmem>> -> memref<1x128xi32, #tpu.memory_space<vmem>>
        %dma_wait3A_165 = tpu.memref_squeeze %dma_wait3A_164 : memref<1x128xi32, #tpu.memory_space<vmem>> -> memref<128xi32, #tpu.memory_space<vmem>>
        %dma_wait3A_166 = arith.constant 0 : i32
        %dma_wait3A_167 = arith.constant 0 : i32
        %dma_wait3A_168 = tpu.memref_slice %arg2[%dma_wait3A_166, %dma_wait3A_167] : memref<10240x128xf32, #tpu.memory_space<hbm>> -> memref<10240x128xf32, #tpu.memory_space<hbm>>
        tpu.wait_indirect_dma semaphore(%arg14 : memref<!tpu.dma_semaphore, #tpu.memory_space<semaphore_mem>>) src(%dma_wait3A_168 : memref<10240x128xf32, #tpu.memory_space<hbm>>) dst(%dma_wait3A_162 : memref<128x128xf32, #tpu.memory_space<vmem>>)
        %dma_start3A_169 = arith.constant 0 : i32
        %dma_start3A_170 = arith.constant 0 : i32
        %dma_start3A_171 = tpu.memref_slice %arg10[%rem3A_142, %dma_start3A_169, %dma_start3A_170] : memref<2x128x128xf32, #tpu.memory_space<vmem>> -> memref<1x128x128xf32, #tpu.memory_space<vmem>>
        %dma_start3A_172 = tpu.memref_squeeze %dma_start3A_171 : memref<1x128x128xf32, #tpu.memory_space<vmem>> -> memref<128x128xf32, #tpu.memory_space<vmem>>
        %dma_start3A_173 = arith.constant 0 : i32
        %dma_start3A_174 = tpu.memref_slice %arg9[%while3A_140, %dma_start3A_173] : memref<32x128xi32, #tpu.memory_space<vmem>> -> memref<1x128xi32, #tpu.memory_space<vmem>>
        %dma_start3A_175 = tpu.memref_squeeze %dma_start3A_174 : memref<1x128xi32, #tpu.memory_space<vmem>> -> memref<128xi32, #tpu.memory_space<vmem>>
        %dma_start3A_176 = arith.constant 0 : i32
        %dma_start3A_177 = arith.constant 0 : i32
        %dma_start3A_178 = tpu.memref_slice %arg12[%dma_start3A_176, %dma_start3A_177] : memref<10240x128xf32, #tpu.memory_space<vmem_shared>> -> memref<10240x128xf32, #tpu.memory_space<vmem_shared>>
        tpu.enqueue_indirect_dma source(%dma_start3A_172 : memref<128x128xf32, #tpu.memory_space<vmem>>) target(%dma_start3A_178 : memref<10240x128xf32, #tpu.memory_space<vmem_shared>>) offsets(%dma_start3A_175 : memref<128xi32, #tpu.memory_space<vmem>>) semaphore(%arg16 : memref<!tpu.dma_semaphore, #tpu.memory_space<semaphore_mem>>) {add = true}
      }
      %while3A_98 = arith.constant 1 : i32
      scf.for %while3A_140 = %while3A_96 to %while3A_92 step %while3A_98  : i32 {
        %rem3A_141 = arith.constant 2 : i32
        %rem3A_142 = arith.remsi %while3A_140, %rem3A_141 : i32
        %sub3A_143 = arith.constant 1 : i32
        %sub3A_144 = arith.subi %sub3A_143, %rem3A_142 : i32
        %dma_start3A_145 = arith.constant 0 : i32
        %dma_start3A_146 = tpu.memref_slice %arg11[%while3A_140, %dma_start3A_145] : memref<32x128xf32, #tpu.memory_space<vmem>> -> memref<1x128xf32, #tpu.memory_space<vmem>>
        %dma_start3A_147 = tpu.memref_squeeze %dma_start3A_146 : memref<1x128xf32, #tpu.memory_space<vmem>> -> memref<128xf32, #tpu.memory_space<vmem>>
        %dma_start3A_148 = arith.constant 0 : i32
        %dma_start3A_149 = tpu.memref_slice %arg9[%while3A_140, %dma_start3A_148] : memref<32x128xi32, #tpu.memory_space<vmem>> -> memref<1x128xi32, #tpu.memory_space<vmem>>
        %dma_start3A_150 = tpu.memref_squeeze %dma_start3A_149 : memref<1x128xi32, #tpu.memory_space<vmem>> -> memref<128xi32, #tpu.memory_space<vmem>>
        %dma_start3A_151 = arith.constant 0 : i32
        %dma_start3A_152 = tpu.memref_slice %arg5[%dma_start3A_151] : memref<10240xf32, #tpu.memory_space<hbm>> -> memref<10240xf32, #tpu.memory_space<hbm>>
        tpu.enqueue_indirect_dma source(%dma_start3A_152 : memref<10240xf32, #tpu.memory_space<hbm>>) target(%dma_start3A_147 : memref<128xf32, #tpu.memory_space<vmem>>) offsets(%dma_start3A_150 : memref<128xi32, #tpu.memory_space<vmem>>) semaphore(%arg15 : memref<!tpu.dma_semaphore, #tpu.memory_space<semaphore_mem>>)
        %add3A_153 = arith.constant 1 : i32
        %add3A_154 = arith.addi %while3A_140, %add3A_153 : i32
        %lt3A_155 = arith.cmpi slt, %add3A_154, %min3A : i32
        %convert_element_type3A_156 = arith.extui %lt3A_155 : i1 to i32
        %cond3A_157 = arith.constant 0 : i32
        %cond3A_158 = arith.cmpi ne, %convert_element_type3A_156, %cond3A_157 : i32
        scf.if %cond3A_158 {
          %ge3A_179 = arith.constant 1 : i32
          %ge3A_180 = arith.cmpi sge, %while3A_140, %ge3A_179 : i32
          %convert_element_type3A_181 = arith.extui %ge3A_180 : i1 to i32
          %cond3A_182 = arith.constant 0 : i32
          %cond3A_183 = arith.cmpi ne, %convert_element_type3A_181, %cond3A_182 : i32
          scf.if %cond3A_183 {
            %sub3A_196 = arith.constant 1 : i32
            %sub3A_197 = arith.subi %while3A_140, %sub3A_196 : i32
            %dma_wait3A_198 = arith.constant 0 : i32
            %dma_wait3A_199 = arith.constant 0 : i32
            %dma_wait3A_200 = tpu.memref_slice %arg10[%sub3A_144, %dma_wait3A_198, %dma_wait3A_199] : memref<2x128x128xf32, #tpu.memory_space<vmem>> -> memref<1x128x128xf32, #tpu.memory_space<vmem>>
            %dma_wait3A_201 = tpu.memref_squeeze %dma_wait3A_200 : memref<1x128x128xf32, #tpu.memory_space<vmem>> -> memref<128x128xf32, #tpu.memory_space<vmem>>
            %dma_wait3A_202 = arith.constant 0 : i32
            %dma_wait3A_203 = tpu.memref_slice %arg9[%sub3A_197, %dma_wait3A_202] : memref<32x128xi32, #tpu.memory_space<vmem>> -> memref<1x128xi32, #tpu.memory_space<vmem>>
            %dma_wait3A_204 = tpu.memref_squeeze %dma_wait3A_203 : memref<1x128xi32, #tpu.memory_space<vmem>> -> memref<128xi32, #tpu.memory_space<vmem>>
            %dma_wait3A_205 = arith.constant 0 : i32
            %dma_wait3A_206 = arith.constant 0 : i32
            %dma_wait3A_207 = tpu.memref_slice %arg12[%dma_wait3A_205, %dma_wait3A_206] : memref<10240x128xf32, #tpu.memory_space<vmem_shared>> -> memref<10240x128xf32, #tpu.memory_space<vmem_shared>>
            tpu.wait_indirect_dma semaphore(%arg16 : memref<!tpu.dma_semaphore, #tpu.memory_space<semaphore_mem>>) src(%dma_wait3A_201 : memref<128x128xf32, #tpu.memory_space<vmem>>) dst(%dma_wait3A_207 : memref<10240x128xf32, #tpu.memory_space<vmem_shared>>)
          } else {
          }
          %add3A_184 = arith.constant 1 : i32
          %add3A_185 = arith.addi %while3A_140, %add3A_184 : i32
          %dma_start3A_186 = arith.constant 0 : i32
          %dma_start3A_187 = arith.constant 0 : i32
          %dma_start3A_188 = tpu.memref_slice %arg10[%sub3A_144, %dma_start3A_186, %dma_start3A_187] : memref<2x128x128xf32, #tpu.memory_space<vmem>> -> memref<1x128x128xf32, #tpu.memory_space<vmem>>
          %dma_start3A_189 = tpu.memref_squeeze %dma_start3A_188 : memref<1x128x128xf32, #tpu.memory_space<vmem>> -> memref<128x128xf32, #tpu.memory_space<vmem>>
          %dma_start3A_190 = arith.constant 0 : i32
          %dma_start3A_191 = tpu.memref_slice %arg8[%add3A_185, %dma_start3A_190] : memref<32x128xi32, #tpu.memory_space<vmem>> -> memref<1x128xi32, #tpu.memory_space<vmem>>
          %dma_start3A_192 = tpu.memref_squeeze %dma_start3A_191 : memref<1x128xi32, #tpu.memory_space<vmem>> -> memref<128xi32, #tpu.memory_space<vmem>>
          %dma_start3A_193 = arith.constant 0 : i32
          %dma_start3A_194 = arith.constant 0 : i32
          %dma_start3A_195 = tpu.memref_slice %arg2[%dma_start3A_193, %dma_start3A_194] : memref<10240x128xf32, #tpu.memory_space<hbm>> -> memref<10240x128xf32, #tpu.memory_space<hbm>>
          tpu.enqueue_indirect_dma source(%dma_start3A_195 : memref<10240x128xf32, #tpu.memory_space<hbm>>) target(%dma_start3A_189 : memref<128x128xf32, #tpu.memory_space<vmem>>) offsets(%dma_start3A_192 : memref<128xi32, #tpu.memory_space<vmem>>) semaphore(%arg14 : memref<!tpu.dma_semaphore, #tpu.memory_space<semaphore_mem>>)
        } else {
        }
        %dma_wait3A_159 = arith.constant 0 : i32
        %dma_wait3A_160 = arith.constant 0 : i32
        %dma_wait3A_161 = tpu.memref_slice %arg10[%rem3A_142, %dma_wait3A_159, %dma_wait3A_160] : memref<2x128x128xf32, #tpu.memory_space<vmem>> -> memref<1x128x128xf32, #tpu.memory_space<vmem>>
        %dma_wait3A_162 = tpu.memref_squeeze %dma_wait3A_161 : memref<1x128x128xf32, #tpu.memory_space<vmem>> -> memref<128x128xf32, #tpu.memory_space<vmem>>
        %dma_wait3A_163 = arith.constant 0 : i32
        %dma_wait3A_164 = tpu.memref_slice %arg8[%while3A_140, %dma_wait3A_163] : memref<32x128xi32, #tpu.memory_space<vmem>> -> memref<1x128xi32, #tpu.memory_space<vmem>>
        %dma_wait3A_165 = tpu.memref_squeeze %dma_wait3A_164 : memref<1x128xi32, #tpu.memory_space<vmem>> -> memref<128xi32, #tpu.memory_space<vmem>>
        %dma_wait3A_166 = arith.constant 0 : i32
        %dma_wait3A_167 = arith.constant 0 : i32
        %dma_wait3A_168 = tpu.memref_slice %arg2[%dma_wait3A_166, %dma_wait3A_167] : memref<10240x128xf32, #tpu.memory_space<hbm>> -> memref<10240x128xf32, #tpu.memory_space<hbm>>
        tpu.wait_indirect_dma semaphore(%arg14 : memref<!tpu.dma_semaphore, #tpu.memory_space<semaphore_mem>>) src(%dma_wait3A_168 : memref<10240x128xf32, #tpu.memory_space<hbm>>) dst(%dma_wait3A_162 : memref<128x128xf32, #tpu.memory_space<vmem>>)
        %dma_start3A_169 = arith.constant 0 : i32
        %dma_start3A_170 = arith.constant 0 : i32
        %dma_start3A_171 = tpu.memref_slice %arg10[%rem3A_142, %dma_start3A_169, %dma_start3A_170] : memref<2x128x128xf32, #tpu.memory_space<vmem>> -> memref<1x128x128xf32, #tpu.memory_space<vmem>>
        %dma_start3A_172 = tpu.memref_squeeze %dma_start3A_171 : memref<1x128x128xf32, #tpu.memory_space<vmem>> -> memref<128x128xf32, #tpu.memory_space<vmem>>
        %dma_start3A_173 = arith.constant 0 : i32
        %dma_start3A_174 = tpu.memref_slice %arg9[%while3A_140, %dma_start3A_173] : memref<32x128xi32, #tpu.memory_space<vmem>> -> memref<1x128xi32, #tpu.memory_space<vmem>>
        %dma_start3A_175 = tpu.memref_squeeze %dma_start3A_174 : memref<1x128xi32, #tpu.memory_space<vmem>> -> memref<128xi32, #tpu.memory_space<vmem>>
        %dma_start3A_176 = arith.constant 0 : i32
        %dma_start3A_177 = arith.constant 0 : i32
        %dma_start3A_178 = tpu.memref_slice %arg12[%dma_start3A_176, %dma_start3A_177] : memref<10240x128xf32, #tpu.memory_space<vmem_shared>> -> memref<10240x128xf32, #tpu.memory_space<vmem_shared>>
        tpu.enqueue_indirect_dma source(%dma_start3A_172 : memref<128x128xf32, #tpu.memory_space<vmem>>) target(%dma_start3A_178 : memref<10240x128xf32, #tpu.memory_space<vmem_shared>>) offsets(%dma_start3A_175 : memref<128xi32, #tpu.memory_space<vmem>>) semaphore(%arg16 : memref<!tpu.dma_semaphore, #tpu.memory_space<semaphore_mem>>) {add = true}
      }
      %while3A_99 = arith.constant 0 : i32
      %while3A_100 = arith.constant 0 : i32
      %while3A_101 = arith.subi %min3A, %while3A_100 : i32
      %while3A_102 = arith.addi %while3A_100, %while3A_101 : i32
      %while3A_103 = arith.constant 1 : i32
      %while3A_104 = arith.divsi %while3A_101, %while3A_103 : i32
      %while3A_105 = arith.muli %while3A_104, %while3A_103 : i32
      %while3A_106 = arith.addi %while3A_100, %while3A_105 : i32
      %while3A_107 = arith.constant 1 : i32
      scf.for %while3A_140 = %while3A_100 to %while3A_106 step %while3A_107  : i32 {
        %dma_wait3A_141 = arith.constant 0 : i32
        %dma_wait3A_142 = tpu.memref_slice %arg11[%while3A_140, %dma_wait3A_141] : memref<32x128xf32, #tpu.memory_space<vmem>> -> memref<1x128xf32, #tpu.memory_space<vmem>>
        %dma_wait3A_143 = tpu.memref_squeeze %dma_wait3A_142 : memref<1x128xf32, #tpu.memory_space<vmem>> -> memref<128xf32, #tpu.memory_space<vmem>>
        %dma_wait3A_144 = arith.constant 0 : i32
        %dma_wait3A_145 = tpu.memref_slice %arg9[%while3A_140, %dma_wait3A_144] : memref<32x128xi32, #tpu.memory_space<vmem>> -> memref<1x128xi32, #tpu.memory_space<vmem>>
        %dma_wait3A_146 = tpu.memref_squeeze %dma_wait3A_145 : memref<1x128xi32, #tpu.memory_space<vmem>> -> memref<128xi32, #tpu.memory_space<vmem>>
        %dma_wait3A_147 = arith.constant 0 : i32
        %dma_wait3A_148 = tpu.memref_slice %arg5[%dma_wait3A_147] : memref<10240xf32, #tpu.memory_space<hbm>> -> memref<10240xf32, #tpu.memory_space<hbm>>
        tpu.wait_indirect_dma semaphore(%arg15 : memref<!tpu.dma_semaphore, #tpu.memory_space<semaphore_mem>>) src(%dma_wait3A_148 : memref<10240xf32, #tpu.memory_space<hbm>>) dst(%dma_wait3A_143 : memref<128xf32, #tpu.memory_space<vmem>>)
        %dma_start3A_149 = arith.constant 0 : i32
        %dma_start3A_150 = tpu.memref_slice %arg11[%while3A_140, %dma_start3A_149] : memref<32x128xf32, #tpu.memory_space<vmem>> -> memref<1x128xf32, #tpu.memory_space<vmem>>
        %dma_start3A_151 = tpu.memref_squeeze %dma_start3A_150 : memref<1x128xf32, #tpu.memory_space<vmem>> -> memref<128xf32, #tpu.memory_space<vmem>>
        %dma_start3A_152 = arith.constant 0 : i32
        %dma_start3A_153 = tpu.memref_slice %arg8[%while3A_140, %dma_start3A_152] : memref<32x128xi32, #tpu.memory_space<vmem>> -> memref<1x128xi32, #tpu.memory_space<vmem>>
        %dma_start3A_154 = tpu.memref_squeeze %dma_start3A_153 : memref<1x128xi32, #tpu.memory_space<vmem>> -> memref<128xi32, #tpu.memory_space<vmem>>
        %dma_start3A_155 = arith.constant 0 : i32
        %dma_start3A_156 = tpu.memref_slice %arg13[%dma_start3A_155] : memref<10240xf32, #tpu.memory_space<vmem_shared>> -> memref<10240xf32, #tpu.memory_space<vmem_shared>>
        tpu.enqueue_indirect_dma source(%dma_start3A_151 : memref<128xf32, #tpu.memory_space<vmem>>) target(%dma_start3A_156 : memref<10240xf32, #tpu.memory_space<vmem_shared>>) offsets(%dma_start3A_154 : memref<128xi32, #tpu.memory_space<vmem>>) semaphore(%arg17 : memref<!tpu.dma_semaphore, #tpu.memory_space<semaphore_mem>>) {add = true}
        %ge3A_157 = arith.constant 8 : i32
        %ge3A_158 = arith.cmpi sge, %while3A_140, %ge3A_157 : i32
        %convert_element_type3A_159 = arith.extui %ge3A_158 : i1 to i32
        %cond3A_160 = arith.constant 0 : i32
        %cond3A_161 = arith.cmpi ne, %convert_element_type3A_159, %cond3A_160 : i32
        scf.if %cond3A_161 {
          %sub3A_162 = arith.constant 8 : i32
          %sub3A_163 = arith.subi %while3A_140, %sub3A_162 : i32
          %dma_wait3A_164 = arith.constant 0 : i32
          %dma_wait3A_165 = tpu.memref_slice %arg11[%sub3A_163, %dma_wait3A_164] : memref<32x128xf32, #tpu.memory_space<vmem>> -> memref<1x128xf32, #tpu.memory_space<vmem>>
          %dma_wait3A_166 = tpu.memref_squeeze %dma_wait3A_165 : memref<1x128xf32, #tpu.memory_space<vmem>> -> memref<128xf32, #tpu.memory_space<vmem>>
          %dma_wait3A_167 = arith.constant 0 : i32
          %dma_wait3A_168 = tpu.memref_slice %arg8[%sub3A_163, %dma_wait3A_167] : memref<32x128xi32, #tpu.memory_space<vmem>> -> memref<1x128xi32, #tpu.memory_space<vmem>>
          %dma_wait3A_169 = tpu.memref_squeeze %dma_wait3A_168 : memref<1x128xi32, #tpu.memory_space<vmem>> -> memref<128xi32, #tpu.memory_space<vmem>>
          %dma_wait3A_170 = arith.constant 0 : i32
          %dma_wait3A_171 = tpu.memref_slice %arg13[%dma_wait3A_170] : memref<10240xf32, #tpu.memory_space<vmem_shared>> -> memref<10240xf32, #tpu.memory_space<vmem_shared>>
          tpu.wait_indirect_dma semaphore(%arg17 : memref<!tpu.dma_semaphore, #tpu.memory_space<semaphore_mem>>) src(%dma_wait3A_166 : memref<128xf32, #tpu.memory_space<vmem>>) dst(%dma_wait3A_171 : memref<10240xf32, #tpu.memory_space<vmem_shared>>)
        } else {
        }
      }
      %while3A_108 = arith.constant 1 : i32
      scf.for %while3A_140 = %while3A_106 to %while3A_102 step %while3A_108  : i32 {
        %dma_wait3A_141 = arith.constant 0 : i32
        %dma_wait3A_142 = tpu.memref_slice %arg11[%while3A_140, %dma_wait3A_141] : memref<32x128xf32, #tpu.memory_space<vmem>> -> memref<1x128xf32, #tpu.memory_space<vmem>>
        %dma_wait3A_143 = tpu.memref_squeeze %dma_wait3A_142 : memref<1x128xf32, #tpu.memory_space<vmem>> -> memref<128xf32, #tpu.memory_space<vmem>>
        %dma_wait3A_144 = arith.constant 0 : i32
        %dma_wait3A_145 = tpu.memref_slice %arg9[%while3A_140, %dma_wait3A_144] : memref<32x128xi32, #tpu.memory_space<vmem>> -> memref<1x128xi32, #tpu.memory_space<vmem>>
        %dma_wait3A_146 = tpu.memref_squeeze %dma_wait3A_145 : memref<1x128xi32, #tpu.memory_space<vmem>> -> memref<128xi32, #tpu.memory_space<vmem>>
        %dma_wait3A_147 = arith.constant 0 : i32
        %dma_wait3A_148 = tpu.memref_slice %arg5[%dma_wait3A_147] : memref<10240xf32, #tpu.memory_space<hbm>> -> memref<10240xf32, #tpu.memory_space<hbm>>
        tpu.wait_indirect_dma semaphore(%arg15 : memref<!tpu.dma_semaphore, #tpu.memory_space<semaphore_mem>>) src(%dma_wait3A_148 : memref<10240xf32, #tpu.memory_space<hbm>>) dst(%dma_wait3A_143 : memref<128xf32, #tpu.memory_space<vmem>>)
        %dma_start3A_149 = arith.constant 0 : i32
        %dma_start3A_150 = tpu.memref_slice %arg11[%while3A_140, %dma_start3A_149] : memref<32x128xf32, #tpu.memory_space<vmem>> -> memref<1x128xf32, #tpu.memory_space<vmem>>
        %dma_start3A_151 = tpu.memref_squeeze %dma_start3A_150 : memref<1x128xf32, #tpu.memory_space<vmem>> -> memref<128xf32, #tpu.memory_space<vmem>>
        %dma_start3A_152 = arith.constant 0 : i32
        %dma_start3A_153 = tpu.memref_slice %arg8[%while3A_140, %dma_start3A_152] : memref<32x128xi32, #tpu.memory_space<vmem>> -> memref<1x128xi32, #tpu.memory_space<vmem>>
        %dma_start3A_154 = tpu.memref_squeeze %dma_start3A_153 : memref<1x128xi32, #tpu.memory_space<vmem>> -> memref<128xi32, #tpu.memory_space<vmem>>
        %dma_start3A_155 = arith.constant 0 : i32
        %dma_start3A_156 = tpu.memref_slice %arg13[%dma_start3A_155] : memref<10240xf32, #tpu.memory_space<vmem_shared>> -> memref<10240xf32, #tpu.memory_space<vmem_shared>>
        tpu.enqueue_indirect_dma source(%dma_start3A_151 : memref<128xf32, #tpu.memory_space<vmem>>) target(%dma_start3A_156 : memref<10240xf32, #tpu.memory_space<vmem_shared>>) offsets(%dma_start3A_154 : memref<128xi32, #tpu.memory_space<vmem>>) semaphore(%arg17 : memref<!tpu.dma_semaphore, #tpu.memory_space<semaphore_mem>>) {add = true}
        %ge3A_157 = arith.constant 8 : i32
        %ge3A_158 = arith.cmpi sge, %while3A_140, %ge3A_157 : i32
        %convert_element_type3A_159 = arith.extui %ge3A_158 : i1 to i32
        %cond3A_160 = arith.constant 0 : i32
        %cond3A_161 = arith.cmpi ne, %convert_element_type3A_159, %cond3A_160 : i32
        scf.if %cond3A_161 {
          %sub3A_162 = arith.constant 8 : i32
          %sub3A_163 = arith.subi %while3A_140, %sub3A_162 : i32
          %dma_wait3A_164 = arith.constant 0 : i32
          %dma_wait3A_165 = tpu.memref_slice %arg11[%sub3A_163, %dma_wait3A_164] : memref<32x128xf32, #tpu.memory_space<vmem>> -> memref<1x128xf32, #tpu.memory_space<vmem>>
          %dma_wait3A_166 = tpu.memref_squeeze %dma_wait3A_165 : memref<1x128xf32, #tpu.memory_space<vmem>> -> memref<128xf32, #tpu.memory_space<vmem>>
          %dma_wait3A_167 = arith.constant 0 : i32
          %dma_wait3A_168 = tpu.memref_slice %arg8[%sub3A_163, %dma_wait3A_167] : memref<32x128xi32, #tpu.memory_space<vmem>> -> memref<1x128xi32, #tpu.memory_space<vmem>>
          %dma_wait3A_169 = tpu.memref_squeeze %dma_wait3A_168 : memref<1x128xi32, #tpu.memory_space<vmem>> -> memref<128xi32, #tpu.memory_space<vmem>>
          %dma_wait3A_170 = arith.constant 0 : i32
          %dma_wait3A_171 = tpu.memref_slice %arg13[%dma_wait3A_170] : memref<10240xf32, #tpu.memory_space<vmem_shared>> -> memref<10240xf32, #tpu.memory_space<vmem_shared>>
          tpu.wait_indirect_dma semaphore(%arg17 : memref<!tpu.dma_semaphore, #tpu.memory_space<semaphore_mem>>) src(%dma_wait3A_166 : memref<128xf32, #tpu.memory_space<vmem>>) dst(%dma_wait3A_171 : memref<10240xf32, #tpu.memory_space<vmem_shared>>)
        } else {
        }
      }
      %sub3A_109 = arith.constant 8 : i32
      %sub3A_110 = arith.subi %min3A, %sub3A_109 : i32
      %max3A_111 = arith.constant 0 : i32
      %max3A_112 = arith.maxsi %sub3A_110, %max3A_111 : i32
      %while3A_113 = arith.constant 0 : i32
      %while3A_114 = arith.subi %min3A, %max3A_112 : i32
      %while3A_115 = arith.addi %max3A_112, %while3A_114 : i32
      %while3A_116 = arith.constant 1 : i32
      %while3A_117 = arith.divsi %while3A_114, %while3A_116 : i32
      %while3A_118 = arith.muli %while3A_117, %while3A_116 : i32
      %while3A_119 = arith.addi %max3A_112, %while3A_118 : i32
      %while3A_120 = arith.constant 1 : i32
      scf.for %while3A_140 = %max3A_112 to %while3A_119 step %while3A_120  : i32 {
        %dma_wait3A_141 = arith.constant 0 : i32
        %dma_wait3A_142 = tpu.memref_slice %arg11[%while3A_140, %dma_wait3A_141] : memref<32x128xf32, #tpu.memory_space<vmem>> -> memref<1x128xf32, #tpu.memory_space<vmem>>
        %dma_wait3A_143 = tpu.memref_squeeze %dma_wait3A_142 : memref<1x128xf32, #tpu.memory_space<vmem>> -> memref<128xf32, #tpu.memory_space<vmem>>
        %dma_wait3A_144 = arith.constant 0 : i32
        %dma_wait3A_145 = tpu.memref_slice %arg8[%while3A_140, %dma_wait3A_144] : memref<32x128xi32, #tpu.memory_space<vmem>> -> memref<1x128xi32, #tpu.memory_space<vmem>>
        %dma_wait3A_146 = tpu.memref_squeeze %dma_wait3A_145 : memref<1x128xi32, #tpu.memory_space<vmem>> -> memref<128xi32, #tpu.memory_space<vmem>>
        %dma_wait3A_147 = arith.constant 0 : i32
        %dma_wait3A_148 = tpu.memref_slice %arg13[%dma_wait3A_147] : memref<10240xf32, #tpu.memory_space<vmem_shared>> -> memref<10240xf32, #tpu.memory_space<vmem_shared>>
        tpu.wait_indirect_dma semaphore(%arg17 : memref<!tpu.dma_semaphore, #tpu.memory_space<semaphore_mem>>) src(%dma_wait3A_143 : memref<128xf32, #tpu.memory_space<vmem>>) dst(%dma_wait3A_148 : memref<10240xf32, #tpu.memory_space<vmem_shared>>)
      }
      %while3A_121 = arith.constant 1 : i32
      scf.for %while3A_140 = %while3A_119 to %while3A_115 step %while3A_121  : i32 {
        %dma_wait3A_141 = arith.constant 0 : i32
        %dma_wait3A_142 = tpu.memref_slice %arg11[%while3A_140, %dma_wait3A_141] : memref<32x128xf32, #tpu.memory_space<vmem>> -> memref<1x128xf32, #tpu.memory_space<vmem>>
        %dma_wait3A_143 = tpu.memref_squeeze %dma_wait3A_142 : memref<1x128xf32, #tpu.memory_space<vmem>> -> memref<128xf32, #tpu.memory_space<vmem>>
        %dma_wait3A_144 = arith.constant 0 : i32
        %dma_wait3A_145 = tpu.memref_slice %arg8[%while3A_140, %dma_wait3A_144] : memref<32x128xi32, #tpu.memory_space<vmem>> -> memref<1x128xi32, #tpu.memory_space<vmem>>
        %dma_wait3A_146 = tpu.memref_squeeze %dma_wait3A_145 : memref<1x128xi32, #tpu.memory_space<vmem>> -> memref<128xi32, #tpu.memory_space<vmem>>
        %dma_wait3A_147 = arith.constant 0 : i32
        %dma_wait3A_148 = tpu.memref_slice %arg13[%dma_wait3A_147] : memref<10240xf32, #tpu.memory_space<vmem_shared>> -> memref<10240xf32, #tpu.memory_space<vmem_shared>>
        tpu.wait_indirect_dma semaphore(%arg17 : memref<!tpu.dma_semaphore, #tpu.memory_space<semaphore_mem>>) src(%dma_wait3A_143 : memref<128xf32, #tpu.memory_space<vmem>>) dst(%dma_wait3A_148 : memref<10240xf32, #tpu.memory_space<vmem_shared>>)
      }
      %ge3A = arith.constant 2 : i32
      %ge3A_122 = arith.cmpi sge, %min3A, %ge3A : i32
      %convert_element_type3A_123 = arith.extui %ge3A_122 : i1 to i32
      %cond3A_124 = arith.constant 0 : i32
      %cond3A_125 = arith.cmpi ne, %convert_element_type3A_123, %cond3A_124 : i32
      scf.if %cond3A_125 {
        %sub3A_140 = arith.constant 2 : i32
        %sub3A_141 = arith.subi %min3A, %sub3A_140 : i32
        %sub3A_142 = arith.constant 2 : i32
        %sub3A_143 = arith.subi %min3A, %sub3A_142 : i32
        %rem3A_144 = arith.constant 2 : i32
        %rem3A_145 = arith.remsi %sub3A_143, %rem3A_144 : i32
        %dma_wait3A_146 = arith.constant 0 : i32
        %dma_wait3A_147 = arith.constant 0 : i32
        %dma_wait3A_148 = tpu.memref_slice %arg10[%rem3A_145, %dma_wait3A_146, %dma_wait3A_147] : memref<2x128x128xf32, #tpu.memory_space<vmem>> -> memref<1x128x128xf32, #tpu.memory_space<vmem>>
        %dma_wait3A_149 = tpu.memref_squeeze %dma_wait3A_148 : memref<1x128x128xf32, #tpu.memory_space<vmem>> -> memref<128x128xf32, #tpu.memory_space<vmem>>
        %dma_wait3A_150 = arith.constant 0 : i32
        %dma_wait3A_151 = tpu.memref_slice %arg9[%sub3A_141, %dma_wait3A_150] : memref<32x128xi32, #tpu.memory_space<vmem>> -> memref<1x128xi32, #tpu.memory_space<vmem>>
        %dma_wait3A_152 = tpu.memref_squeeze %dma_wait3A_151 : memref<1x128xi32, #tpu.memory_space<vmem>> -> memref<128xi32, #tpu.memory_space<vmem>>
        %dma_wait3A_153 = arith.constant 0 : i32
        %dma_wait3A_154 = arith.constant 0 : i32
        %dma_wait3A_155 = tpu.memref_slice %arg12[%dma_wait3A_153, %dma_wait3A_154] : memref<10240x128xf32, #tpu.memory_space<vmem_shared>> -> memref<10240x128xf32, #tpu.memory_space<vmem_shared>>
        tpu.wait_indirect_dma semaphore(%arg16 : memref<!tpu.dma_semaphore, #tpu.memory_space<semaphore_mem>>) src(%dma_wait3A_149 : memref<128x128xf32, #tpu.memory_space<vmem>>) dst(%dma_wait3A_155 : memref<10240x128xf32, #tpu.memory_space<vmem_shared>>)
      } else {
      }
      %sub3A_126 = arith.constant 1 : i32
      %sub3A_127 = arith.subi %min3A, %sub3A_126 : i32
      %sub3A_128 = arith.constant 1 : i32
      %sub3A_129 = arith.subi %min3A, %sub3A_128 : i32
      %rem3A = arith.constant 2 : i32
      %rem3A_130 = arith.remsi %sub3A_129, %rem3A : i32
      %dma_wait3A = arith.constant 0 : i32
      %dma_wait3A_131 = arith.constant 0 : i32
      %dma_wait3A_132 = tpu.memref_slice %arg10[%rem3A_130, %dma_wait3A, %dma_wait3A_131] : memref<2x128x128xf32, #tpu.memory_space<vmem>> -> memref<1x128x128xf32, #tpu.memory_space<vmem>>
      %dma_wait3A_133 = tpu.memref_squeeze %dma_wait3A_132 : memref<1x128x128xf32, #tpu.memory_space<vmem>> -> memref<128x128xf32, #tpu.memory_space<vmem>>
      %dma_wait3A_134 = arith.constant 0 : i32
      %dma_wait3A_135 = tpu.memref_slice %arg9[%sub3A_127, %dma_wait3A_134] : memref<32x128xi32, #tpu.memory_space<vmem>> -> memref<1x128xi32, #tpu.memory_space<vmem>>
      %dma_wait3A_136 = tpu.memref_squeeze %dma_wait3A_135 : memref<1x128xi32, #tpu.memory_space<vmem>> -> memref<128xi32, #tpu.memory_space<vmem>>
      %dma_wait3A_137 = arith.constant 0 : i32
      %dma_wait3A_138 = arith.constant 0 : i32
      %dma_wait3A_139 = tpu.memref_slice %arg12[%dma_wait3A_137, %dma_wait3A_138] : memref<10240x128xf32, #tpu.memory_space<vmem_shared>> -> memref<10240x128xf32, #tpu.memory_space<vmem_shared>>
      tpu.wait_indirect_dma semaphore(%arg16 : memref<!tpu.dma_semaphore, #tpu.memory_space<semaphore_mem>>) src(%dma_wait3A_133 : memref<128x128xf32, #tpu.memory_space<vmem>>) dst(%dma_wait3A_139 : memref<10240x128xf32, #tpu.memory_space<vmem_shared>>)
    } else {
    }
    %sub3A_50 = arith.constant 32 : i32
    %sub3A_51 = arith.subi %select_n3A, %sub3A_50 : i32
    %jit3A_52 = arith.constant 0 : i32
    %jit3A_53 = arith.constant 32 : i32
    %max3A_54 = arith.maxsi %jit3A_52, %sub3A_51 : i32
    %min3A_55 = arith.minsi %jit3A_53, %max3A_54 : i32
    %gt3A_56 = arith.constant 0 : i32
    %gt3A_57 = arith.cmpi sgt, %min3A_55, %gt3A_56 : i32
    %convert_element_type3A_58 = arith.extui %gt3A_57 : i1 to i32
    %cond3A_59 = arith.constant 0 : i32
    %cond3A_60 = arith.cmpi ne, %convert_element_type3A_58, %cond3A_59 : i32
    scf.if %cond3A_60 {
      %add3A_75 = arith.constant 32 : i32
      %add3A_76 = arith.addi %mul3A_2, %add3A_75 : i32
      "tpu.region"() ({
        %run_scoped3A_140 = tpu.sem_alloc : memref<!tpu.dma_semaphore, #tpu.memory_space<semaphore_mem>>
        %dma_start3A_141 = arith.constant 0 : i32
        %dma_start3A_142 = tpu.memref_slice %arg3[%add3A_76, %dma_start3A_141] : memref<2560x128xi32, #tpu.memory_space<hbm>> -> memref<32x128xi32, #tpu.memory_space<hbm>>
        %dma_start3A_143 = arith.constant 0 : i32
        %dma_start3A_144 = tpu.memref_slice %arg3[%add3A_76, %dma_start3A_143] : memref<2560x128xi32, #tpu.memory_space<hbm>> -> memref<32x128xi32, #tpu.memory_space<hbm>>
        tpu.enqueue_dma source(%dma_start3A_144 : memref<32x128xi32, #tpu.memory_space<hbm>>) target(%arg8 : memref<32x128xi32, #tpu.memory_space<vmem>>) target_semaphore(%run_scoped3A_140 : memref<!tpu.dma_semaphore, #tpu.memory_space<semaphore_mem>>)
        %dma_wait3A_145 = arith.constant 0 : i32
        %dma_wait3A_146 = tpu.memref_slice %arg3[%add3A_76, %dma_wait3A_145] : memref<2560x128xi32, #tpu.memory_space<hbm>> -> memref<32x128xi32, #tpu.memory_space<hbm>>
        %dma_wait3A_147 = arith.constant 0 : i32
        %dma_wait3A_148 = tpu.memref_slice %arg3[%add3A_76, %dma_wait3A_147] : memref<2560x128xi32, #tpu.memory_space<hbm>> -> memref<32x128xi32, #tpu.memory_space<hbm>>
        tpu.wait_dma2 semaphore(%run_scoped3A_140 : memref<!tpu.dma_semaphore, #tpu.memory_space<semaphore_mem>>) src(%dma_wait3A_148 : memref<32x128xi32, #tpu.memory_space<hbm>>) dst(%arg8 : memref<32x128xi32, #tpu.memory_space<vmem>>)
        tpu.yield
      }) : () -> ()
      %add3A_77 = arith.constant 32 : i32
      %add3A_78 = arith.addi %mul3A_2, %add3A_77 : i32
      "tpu.region"() ({
        %run_scoped3A_140 = tpu.sem_alloc : memref<!tpu.dma_semaphore, #tpu.memory_space<semaphore_mem>>
        %dma_start3A_141 = arith.constant 0 : i32
        %dma_start3A_142 = tpu.memref_slice %arg4[%add3A_78, %dma_start3A_141] : memref<2560x128xi32, #tpu.memory_space<hbm>> -> memref<32x128xi32, #tpu.memory_space<hbm>>
        %dma_start3A_143 = arith.constant 0 : i32
        %dma_start3A_144 = tpu.memref_slice %arg4[%add3A_78, %dma_start3A_143] : memref<2560x128xi32, #tpu.memory_space<hbm>> -> memref<32x128xi32, #tpu.memory_space<hbm>>
        tpu.enqueue_dma source(%dma_start3A_144 : memref<32x128xi32, #tpu.memory_space<hbm>>) target(%arg9 : memref<32x128xi32, #tpu.memory_space<vmem>>) target_semaphore(%run_scoped3A_140 : memref<!tpu.dma_semaphore, #tpu.memory_space<semaphore_mem>>)
        %dma_wait3A_145 = arith.constant 0 : i32
        %dma_wait3A_146 = tpu.memref_slice %arg4[%add3A_78, %dma_wait3A_145] : memref<2560x128xi32, #tpu.memory_space<hbm>> -> memref<32x128xi32, #tpu.memory_space<hbm>>
        %dma_wait3A_147 = arith.constant 0 : i32
        %dma_wait3A_148 = tpu.memref_slice %arg4[%add3A_78, %dma_wait3A_147] : memref<2560x128xi32, #tpu.memory_space<hbm>> -> memref<32x128xi32, #tpu.memory_space<hbm>>
        tpu.wait_dma2 semaphore(%run_scoped3A_140 : memref<!tpu.dma_semaphore, #tpu.memory_space<semaphore_mem>>) src(%dma_wait3A_148 : memref<32x128xi32, #tpu.memory_space<hbm>>) dst(%arg9 : memref<32x128xi32, #tpu.memory_space<vmem>>)
        tpu.yield
      }) : () -> ()
      %dma_start3A = arith.constant 0 : i32
      %dma_start3A_79 = arith.constant 0 : i32
      %dma_start3A_80 = arith.constant 0 : i32
      %dma_start3A_81 = arith.constant 0 : i32
      %dma_start3A_82 = tpu.memref_slice %arg10[%dma_start3A_79, %dma_start3A_80, %dma_start3A_81] : memref<2x128x128xf32, #tpu.memory_space<vmem>> -> memref<1x128x128xf32, #tpu.memory_space<vmem>>
      %dma_start3A_83 = tpu.memref_squeeze %dma_start3A_82 : memref<1x128x128xf32, #tpu.memory_space<vmem>> -> memref<128x128xf32, #tpu.memory_space<vmem>>
      %dma_start3A_84 = arith.constant 0 : i32
      %dma_start3A_85 = tpu.memref_slice %arg8[%dma_start3A, %dma_start3A_84] : memref<32x128xi32, #tpu.memory_space<vmem>> -> memref<1x128xi32, #tpu.memory_space<vmem>>
      %dma_start3A_86 = tpu.memref_squeeze %dma_start3A_85 : memref<1x128xi32, #tpu.memory_space<vmem>> -> memref<128xi32, #tpu.memory_space<vmem>>
      %dma_start3A_87 = arith.constant 0 : i32
      %dma_start3A_88 = arith.constant 0 : i32
      %dma_start3A_89 = tpu.memref_slice %arg2[%dma_start3A_87, %dma_start3A_88] : memref<10240x128xf32, #tpu.memory_space<hbm>> -> memref<10240x128xf32, #tpu.memory_space<hbm>>
      tpu.enqueue_indirect_dma source(%dma_start3A_89 : memref<10240x128xf32, #tpu.memory_space<hbm>>) target(%dma_start3A_83 : memref<128x128xf32, #tpu.memory_space<vmem>>) offsets(%dma_start3A_86 : memref<128xi32, #tpu.memory_space<vmem>>) semaphore(%arg14 : memref<!tpu.dma_semaphore, #tpu.memory_space<semaphore_mem>>)
      %while3A = arith.constant 0 : i32
      %while3A_90 = arith.constant 0 : i32
      %while3A_91 = arith.subi %min3A_55, %while3A_90 : i32
      %while3A_92 = arith.addi %while3A_90, %while3A_91 : i32
      %while3A_93 = arith.constant 1 : i32
      %while3A_94 = arith.divsi %while3A_91, %while3A_93 : i32
      %while3A_95 = arith.muli %while3A_94, %while3A_93 : i32
      %while3A_96 = arith.addi %while3A_90, %while3A_95 : i32
      %while3A_97 = arith.constant 1 : i32
      scf.for %while3A_140 = %while3A_90 to %while3A_96 step %while3A_97  : i32 {
        %rem3A_141 = arith.constant 2 : i32
        %rem3A_142 = arith.remsi %while3A_140, %rem3A_141 : i32
        %sub3A_143 = arith.constant 1 : i32
        %sub3A_144 = arith.subi %sub3A_143, %rem3A_142 : i32
        %dma_start3A_145 = arith.constant 0 : i32
        %dma_start3A_146 = tpu.memref_slice %arg11[%while3A_140, %dma_start3A_145] : memref<32x128xf32, #tpu.memory_space<vmem>> -> memref<1x128xf32, #tpu.memory_space<vmem>>
        %dma_start3A_147 = tpu.memref_squeeze %dma_start3A_146 : memref<1x128xf32, #tpu.memory_space<vmem>> -> memref<128xf32, #tpu.memory_space<vmem>>
        %dma_start3A_148 = arith.constant 0 : i32
        %dma_start3A_149 = tpu.memref_slice %arg9[%while3A_140, %dma_start3A_148] : memref<32x128xi32, #tpu.memory_space<vmem>> -> memref<1x128xi32, #tpu.memory_space<vmem>>
        %dma_start3A_150 = tpu.memref_squeeze %dma_start3A_149 : memref<1x128xi32, #tpu.memory_space<vmem>> -> memref<128xi32, #tpu.memory_space<vmem>>
        %dma_start3A_151 = arith.constant 0 : i32
        %dma_start3A_152 = tpu.memref_slice %arg5[%dma_start3A_151] : memref<10240xf32, #tpu.memory_space<hbm>> -> memref<10240xf32, #tpu.memory_space<hbm>>
        tpu.enqueue_indirect_dma source(%dma_start3A_152 : memref<10240xf32, #tpu.memory_space<hbm>>) target(%dma_start3A_147 : memref<128xf32, #tpu.memory_space<vmem>>) offsets(%dma_start3A_150 : memref<128xi32, #tpu.memory_space<vmem>>) semaphore(%arg15 : memref<!tpu.dma_semaphore, #tpu.memory_space<semaphore_mem>>)
        %add3A_153 = arith.constant 1 : i32
        %add3A_154 = arith.addi %while3A_140, %add3A_153 : i32
        %lt3A_155 = arith.cmpi slt, %add3A_154, %min3A_55 : i32
        %convert_element_type3A_156 = arith.extui %lt3A_155 : i1 to i32
        %cond3A_157 = arith.constant 0 : i32
        %cond3A_158 = arith.cmpi ne, %convert_element_type3A_156, %cond3A_157 : i32
        scf.if %cond3A_158 {
          %ge3A_179 = arith.constant 1 : i32
          %ge3A_180 = arith.cmpi sge, %while3A_140, %ge3A_179 : i32
          %convert_element_type3A_181 = arith.extui %ge3A_180 : i1 to i32
          %cond3A_182 = arith.constant 0 : i32
          %cond3A_183 = arith.cmpi ne, %convert_element_type3A_181, %cond3A_182 : i32
          scf.if %cond3A_183 {
            %sub3A_196 = arith.constant 1 : i32
            %sub3A_197 = arith.subi %while3A_140, %sub3A_196 : i32
            %dma_wait3A_198 = arith.constant 0 : i32
            %dma_wait3A_199 = arith.constant 0 : i32
            %dma_wait3A_200 = tpu.memref_slice %arg10[%sub3A_144, %dma_wait3A_198, %dma_wait3A_199] : memref<2x128x128xf32, #tpu.memory_space<vmem>> -> memref<1x128x128xf32, #tpu.memory_space<vmem>>
            %dma_wait3A_201 = tpu.memref_squeeze %dma_wait3A_200 : memref<1x128x128xf32, #tpu.memory_space<vmem>> -> memref<128x128xf32, #tpu.memory_space<vmem>>
            %dma_wait3A_202 = arith.constant 0 : i32
            %dma_wait3A_203 = tpu.memref_slice %arg9[%sub3A_197, %dma_wait3A_202] : memref<32x128xi32, #tpu.memory_space<vmem>> -> memref<1x128xi32, #tpu.memory_space<vmem>>
            %dma_wait3A_204 = tpu.memref_squeeze %dma_wait3A_203 : memref<1x128xi32, #tpu.memory_space<vmem>> -> memref<128xi32, #tpu.memory_space<vmem>>
            %dma_wait3A_205 = arith.constant 0 : i32
            %dma_wait3A_206 = arith.constant 0 : i32
            %dma_wait3A_207 = tpu.memref_slice %arg12[%dma_wait3A_205, %dma_wait3A_206] : memref<10240x128xf32, #tpu.memory_space<vmem_shared>> -> memref<10240x128xf32, #tpu.memory_space<vmem_shared>>
            tpu.wait_indirect_dma semaphore(%arg16 : memref<!tpu.dma_semaphore, #tpu.memory_space<semaphore_mem>>) src(%dma_wait3A_201 : memref<128x128xf32, #tpu.memory_space<vmem>>) dst(%dma_wait3A_207 : memref<10240x128xf32, #tpu.memory_space<vmem_shared>>)
          } else {
          }
          %add3A_184 = arith.constant 1 : i32
          %add3A_185 = arith.addi %while3A_140, %add3A_184 : i32
          %dma_start3A_186 = arith.constant 0 : i32
          %dma_start3A_187 = arith.constant 0 : i32
          %dma_start3A_188 = tpu.memref_slice %arg10[%sub3A_144, %dma_start3A_186, %dma_start3A_187] : memref<2x128x128xf32, #tpu.memory_space<vmem>> -> memref<1x128x128xf32, #tpu.memory_space<vmem>>
          %dma_start3A_189 = tpu.memref_squeeze %dma_start3A_188 : memref<1x128x128xf32, #tpu.memory_space<vmem>> -> memref<128x128xf32, #tpu.memory_space<vmem>>
          %dma_start3A_190 = arith.constant 0 : i32
          %dma_start3A_191 = tpu.memref_slice %arg8[%add3A_185, %dma_start3A_190] : memref<32x128xi32, #tpu.memory_space<vmem>> -> memref<1x128xi32, #tpu.memory_space<vmem>>
          %dma_start3A_192 = tpu.memref_squeeze %dma_start3A_191 : memref<1x128xi32, #tpu.memory_space<vmem>> -> memref<128xi32, #tpu.memory_space<vmem>>
          %dma_start3A_193 = arith.constant 0 : i32
          %dma_start3A_194 = arith.constant 0 : i32
          %dma_start3A_195 = tpu.memref_slice %arg2[%dma_start3A_193, %dma_start3A_194] : memref<10240x128xf32, #tpu.memory_space<hbm>> -> memref<10240x128xf32, #tpu.memory_space<hbm>>
          tpu.enqueue_indirect_dma source(%dma_start3A_195 : memref<10240x128xf32, #tpu.memory_space<hbm>>) target(%dma_start3A_189 : memref<128x128xf32, #tpu.memory_space<vmem>>) offsets(%dma_start3A_192 : memref<128xi32, #tpu.memory_space<vmem>>) semaphore(%arg14 : memref<!tpu.dma_semaphore, #tpu.memory_space<semaphore_mem>>)
        } else {
        }
        %dma_wait3A_159 = arith.constant 0 : i32
        %dma_wait3A_160 = arith.constant 0 : i32
        %dma_wait3A_161 = tpu.memref_slice %arg10[%rem3A_142, %dma_wait3A_159, %dma_wait3A_160] : memref<2x128x128xf32, #tpu.memory_space<vmem>> -> memref<1x128x128xf32, #tpu.memory_space<vmem>>
        %dma_wait3A_162 = tpu.memref_squeeze %dma_wait3A_161 : memref<1x128x128xf32, #tpu.memory_space<vmem>> -> memref<128x128xf32, #tpu.memory_space<vmem>>
        %dma_wait3A_163 = arith.constant 0 : i32
        %dma_wait3A_164 = tpu.memref_slice %arg8[%while3A_140, %dma_wait3A_163] : memref<32x128xi32, #tpu.memory_space<vmem>> -> memref<1x128xi32, #tpu.memory_space<vmem>>
        %dma_wait3A_165 = tpu.memref_squeeze %dma_wait3A_164 : memref<1x128xi32, #tpu.memory_space<vmem>> -> memref<128xi32, #tpu.memory_space<vmem>>
        %dma_wait3A_166 = arith.constant 0 : i32
        %dma_wait3A_167 = arith.constant 0 : i32
        %dma_wait3A_168 = tpu.memref_slice %arg2[%dma_wait3A_166, %dma_wait3A_167] : memref<10240x128xf32, #tpu.memory_space<hbm>> -> memref<10240x128xf32, #tpu.memory_space<hbm>>
        tpu.wait_indirect_dma semaphore(%arg14 : memref<!tpu.dma_semaphore, #tpu.memory_space<semaphore_mem>>) src(%dma_wait3A_168 : memref<10240x128xf32, #tpu.memory_space<hbm>>) dst(%dma_wait3A_162 : memref<128x128xf32, #tpu.memory_space<vmem>>)
        %dma_start3A_169 = arith.constant 0 : i32
        %dma_start3A_170 = arith.constant 0 : i32
        %dma_start3A_171 = tpu.memref_slice %arg10[%rem3A_142, %dma_start3A_169, %dma_start3A_170] : memref<2x128x128xf32, #tpu.memory_space<vmem>> -> memref<1x128x128xf32, #tpu.memory_space<vmem>>
        %dma_start3A_172 = tpu.memref_squeeze %dma_start3A_171 : memref<1x128x128xf32, #tpu.memory_space<vmem>> -> memref<128x128xf32, #tpu.memory_space<vmem>>
        %dma_start3A_173 = arith.constant 0 : i32
        %dma_start3A_174 = tpu.memref_slice %arg9[%while3A_140, %dma_start3A_173] : memref<32x128xi32, #tpu.memory_space<vmem>> -> memref<1x128xi32, #tpu.memory_space<vmem>>
        %dma_start3A_175 = tpu.memref_squeeze %dma_start3A_174 : memref<1x128xi32, #tpu.memory_space<vmem>> -> memref<128xi32, #tpu.memory_space<vmem>>
        %dma_start3A_176 = arith.constant 0 : i32
        %dma_start3A_177 = arith.constant 0 : i32
        %dma_start3A_178 = tpu.memref_slice %arg12[%dma_start3A_176, %dma_start3A_177] : memref<10240x128xf32, #tpu.memory_space<vmem_shared>> -> memref<10240x128xf32, #tpu.memory_space<vmem_shared>>
        tpu.enqueue_indirect_dma source(%dma_start3A_172 : memref<128x128xf32, #tpu.memory_space<vmem>>) target(%dma_start3A_178 : memref<10240x128xf32, #tpu.memory_space<vmem_shared>>) offsets(%dma_start3A_175 : memref<128xi32, #tpu.memory_space<vmem>>) semaphore(%arg16 : memref<!tpu.dma_semaphore, #tpu.memory_space<semaphore_mem>>) {add = true}
      }
      %while3A_98 = arith.constant 1 : i32
      scf.for %while3A_140 = %while3A_96 to %while3A_92 step %while3A_98  : i32 {
        %rem3A_141 = arith.constant 2 : i32
        %rem3A_142 = arith.remsi %while3A_140, %rem3A_141 : i32
        %sub3A_143 = arith.constant 1 : i32
        %sub3A_144 = arith.subi %sub3A_143, %rem3A_142 : i32
        %dma_start3A_145 = arith.constant 0 : i32
        %dma_start3A_146 = tpu.memref_slice %arg11[%while3A_140, %dma_start3A_145] : memref<32x128xf32, #tpu.memory_space<vmem>> -> memref<1x128xf32, #tpu.memory_space<vmem>>
        %dma_start3A_147 = tpu.memref_squeeze %dma_start3A_146 : memref<1x128xf32, #tpu.memory_space<vmem>> -> memref<128xf32, #tpu.memory_space<vmem>>
        %dma_start3A_148 = arith.constant 0 : i32
        %dma_start3A_149 = tpu.memref_slice %arg9[%while3A_140, %dma_start3A_148] : memref<32x128xi32, #tpu.memory_space<vmem>> -> memref<1x128xi32, #tpu.memory_space<vmem>>
        %dma_start3A_150 = tpu.memref_squeeze %dma_start3A_149 : memref<1x128xi32, #tpu.memory_space<vmem>> -> memref<128xi32, #tpu.memory_space<vmem>>
        %dma_start3A_151 = arith.constant 0 : i32
        %dma_start3A_152 = tpu.memref_slice %arg5[%dma_start3A_151] : memref<10240xf32, #tpu.memory_space<hbm>> -> memref<10240xf32, #tpu.memory_space<hbm>>
        tpu.enqueue_indirect_dma source(%dma_start3A_152 : memref<10240xf32, #tpu.memory_space<hbm>>) target(%dma_start3A_147 : memref<128xf32, #tpu.memory_space<vmem>>) offsets(%dma_start3A_150 : memref<128xi32, #tpu.memory_space<vmem>>) semaphore(%arg15 : memref<!tpu.dma_semaphore, #tpu.memory_space<semaphore_mem>>)
        %add3A_153 = arith.constant 1 : i32
        %add3A_154 = arith.addi %while3A_140, %add3A_153 : i32
        %lt3A_155 = arith.cmpi slt, %add3A_154, %min3A_55 : i32
        %convert_element_type3A_156 = arith.extui %lt3A_155 : i1 to i32
        %cond3A_157 = arith.constant 0 : i32
        %cond3A_158 = arith.cmpi ne, %convert_element_type3A_156, %cond3A_157 : i32
        scf.if %cond3A_158 {
          %ge3A_179 = arith.constant 1 : i32
          %ge3A_180 = arith.cmpi sge, %while3A_140, %ge3A_179 : i32
          %convert_element_type3A_181 = arith.extui %ge3A_180 : i1 to i32
          %cond3A_182 = arith.constant 0 : i32
          %cond3A_183 = arith.cmpi ne, %convert_element_type3A_181, %cond3A_182 : i32
          scf.if %cond3A_183 {
            %sub3A_196 = arith.constant 1 : i32
            %sub3A_197 = arith.subi %while3A_140, %sub3A_196 : i32
            %dma_wait3A_198 = arith.constant 0 : i32
            %dma_wait3A_199 = arith.constant 0 : i32
            %dma_wait3A_200 = tpu.memref_slice %arg10[%sub3A_144, %dma_wait3A_198, %dma_wait3A_199] : memref<2x128x128xf32, #tpu.memory_space<vmem>> -> memref<1x128x128xf32, #tpu.memory_space<vmem>>
            %dma_wait3A_201 = tpu.memref_squeeze %dma_wait3A_200 : memref<1x128x128xf32, #tpu.memory_space<vmem>> -> memref<128x128xf32, #tpu.memory_space<vmem>>
            %dma_wait3A_202 = arith.constant 0 : i32
            %dma_wait3A_203 = tpu.memref_slice %arg9[%sub3A_197, %dma_wait3A_202] : memref<32x128xi32, #tpu.memory_space<vmem>> -> memref<1x128xi32, #tpu.memory_space<vmem>>
            %dma_wait3A_204 = tpu.memref_squeeze %dma_wait3A_203 : memref<1x128xi32, #tpu.memory_space<vmem>> -> memref<128xi32, #tpu.memory_space<vmem>>
            %dma_wait3A_205 = arith.constant 0 : i32
            %dma_wait3A_206 = arith.constant 0 : i32
            %dma_wait3A_207 = tpu.memref_slice %arg12[%dma_wait3A_205, %dma_wait3A_206] : memref<10240x128xf32, #tpu.memory_space<vmem_shared>> -> memref<10240x128xf32, #tpu.memory_space<vmem_shared>>
            tpu.wait_indirect_dma semaphore(%arg16 : memref<!tpu.dma_semaphore, #tpu.memory_space<semaphore_mem>>) src(%dma_wait3A_201 : memref<128x128xf32, #tpu.memory_space<vmem>>) dst(%dma_wait3A_207 : memref<10240x128xf32, #tpu.memory_space<vmem_shared>>)
          } else {
          }
          %add3A_184 = arith.constant 1 : i32
          %add3A_185 = arith.addi %while3A_140, %add3A_184 : i32
          %dma_start3A_186 = arith.constant 0 : i32
          %dma_start3A_187 = arith.constant 0 : i32
          %dma_start3A_188 = tpu.memref_slice %arg10[%sub3A_144, %dma_start3A_186, %dma_start3A_187] : memref<2x128x128xf32, #tpu.memory_space<vmem>> -> memref<1x128x128xf32, #tpu.memory_space<vmem>>
          %dma_start3A_189 = tpu.memref_squeeze %dma_start3A_188 : memref<1x128x128xf32, #tpu.memory_space<vmem>> -> memref<128x128xf32, #tpu.memory_space<vmem>>
          %dma_start3A_190 = arith.constant 0 : i32
          %dma_start3A_191 = tpu.memref_slice %arg8[%add3A_185, %dma_start3A_190] : memref<32x128xi32, #tpu.memory_space<vmem>> -> memref<1x128xi32, #tpu.memory_space<vmem>>
          %dma_start3A_192 = tpu.memref_squeeze %dma_start3A_191 : memref<1x128xi32, #tpu.memory_space<vmem>> -> memref<128xi32, #tpu.memory_space<vmem>>
          %dma_start3A_193 = arith.constant 0 : i32
          %dma_start3A_194 = arith.constant 0 : i32
          %dma_start3A_195 = tpu.memref_slice %arg2[%dma_start3A_193, %dma_start3A_194] : memref<10240x128xf32, #tpu.memory_space<hbm>> -> memref<10240x128xf32, #tpu.memory_space<hbm>>
          tpu.enqueue_indirect_dma source(%dma_start3A_195 : memref<10240x128xf32, #tpu.memory_space<hbm>>) target(%dma_start3A_189 : memref<128x128xf32, #tpu.memory_space<vmem>>) offsets(%dma_start3A_192 : memref<128xi32, #tpu.memory_space<vmem>>) semaphore(%arg14 : memref<!tpu.dma_semaphore, #tpu.memory_space<semaphore_mem>>)
        } else {
        }
        %dma_wait3A_159 = arith.constant 0 : i32
        %dma_wait3A_160 = arith.constant 0 : i32
        %dma_wait3A_161 = tpu.memref_slice %arg10[%rem3A_142, %dma_wait3A_159, %dma_wait3A_160] : memref<2x128x128xf32, #tpu.memory_space<vmem>> -> memref<1x128x128xf32, #tpu.memory_space<vmem>>
        %dma_wait3A_162 = tpu.memref_squeeze %dma_wait3A_161 : memref<1x128x128xf32, #tpu.memory_space<vmem>> -> memref<128x128xf32, #tpu.memory_space<vmem>>
        %dma_wait3A_163 = arith.constant 0 : i32
        %dma_wait3A_164 = tpu.memref_slice %arg8[%while3A_140, %dma_wait3A_163] : memref<32x128xi32, #tpu.memory_space<vmem>> -> memref<1x128xi32, #tpu.memory_space<vmem>>
        %dma_wait3A_165 = tpu.memref_squeeze %dma_wait3A_164 : memref<1x128xi32, #tpu.memory_space<vmem>> -> memref<128xi32, #tpu.memory_space<vmem>>
        %dma_wait3A_166 = arith.constant 0 : i32
        %dma_wait3A_167 = arith.constant 0 : i32
        %dma_wait3A_168 = tpu.memref_slice %arg2[%dma_wait3A_166, %dma_wait3A_167] : memref<10240x128xf32, #tpu.memory_space<hbm>> -> memref<10240x128xf32, #tpu.memory_space<hbm>>
        tpu.wait_indirect_dma semaphore(%arg14 : memref<!tpu.dma_semaphore, #tpu.memory_space<semaphore_mem>>) src(%dma_wait3A_168 : memref<10240x128xf32, #tpu.memory_space<hbm>>) dst(%dma_wait3A_162 : memref<128x128xf32, #tpu.memory_space<vmem>>)
        %dma_start3A_169 = arith.constant 0 : i32
        %dma_start3A_170 = arith.constant 0 : i32
        %dma_start3A_171 = tpu.memref_slice %arg10[%rem3A_142, %dma_start3A_169, %dma_start3A_170] : memref<2x128x128xf32, #tpu.memory_space<vmem>> -> memref<1x128x128xf32, #tpu.memory_space<vmem>>
        %dma_start3A_172 = tpu.memref_squeeze %dma_start3A_171 : memref<1x128x128xf32, #tpu.memory_space<vmem>> -> memref<128x128xf32, #tpu.memory_space<vmem>>
        %dma_start3A_173 = arith.constant 0 : i32
        %dma_start3A_174 = tpu.memref_slice %arg9[%while3A_140, %dma_start3A_173] : memref<32x128xi32, #tpu.memory_space<vmem>> -> memref<1x128xi32, #tpu.memory_space<vmem>>
        %dma_start3A_175 = tpu.memref_squeeze %dma_start3A_174 : memref<1x128xi32, #tpu.memory_space<vmem>> -> memref<128xi32, #tpu.memory_space<vmem>>
        %dma_start3A_176 = arith.constant 0 : i32
        %dma_start3A_177 = arith.constant 0 : i32
        %dma_start3A_178 = tpu.memref_slice %arg12[%dma_start3A_176, %dma_start3A_177] : memref<10240x128xf32, #tpu.memory_space<vmem_shared>> -> memref<10240x128xf32, #tpu.memory_space<vmem_shared>>
        tpu.enqueue_indirect_dma source(%dma_start3A_172 : memref<128x128xf32, #tpu.memory_space<vmem>>) target(%dma_start3A_178 : memref<10240x128xf32, #tpu.memory_space<vmem_shared>>) offsets(%dma_start3A_175 : memref<128xi32, #tpu.memory_space<vmem>>) semaphore(%arg16 : memref<!tpu.dma_semaphore, #tpu.memory_space<semaphore_mem>>) {add = true}
      }
      %while3A_99 = arith.constant 0 : i32
      %while3A_100 = arith.constant 0 : i32
      %while3A_101 = arith.subi %min3A_55, %while3A_100 : i32
      %while3A_102 = arith.addi %while3A_100, %while3A_101 : i32
      %while3A_103 = arith.constant 1 : i32
      %while3A_104 = arith.divsi %while3A_101, %while3A_103 : i32
      %while3A_105 = arith.muli %while3A_104, %while3A_103 : i32
      %while3A_106 = arith.addi %while3A_100, %while3A_105 : i32
      %while3A_107 = arith.constant 1 : i32
      scf.for %while3A_140 = %while3A_100 to %while3A_106 step %while3A_107  : i32 {
        %dma_wait3A_141 = arith.constant 0 : i32
        %dma_wait3A_142 = tpu.memref_slice %arg11[%while3A_140, %dma_wait3A_141] : memref<32x128xf32, #tpu.memory_space<vmem>> -> memref<1x128xf32, #tpu.memory_space<vmem>>
        %dma_wait3A_143 = tpu.memref_squeeze %dma_wait3A_142 : memref<1x128xf32, #tpu.memory_space<vmem>> -> memref<128xf32, #tpu.memory_space<vmem>>
        %dma_wait3A_144 = arith.constant 0 : i32
        %dma_wait3A_145 = tpu.memref_slice %arg9[%while3A_140, %dma_wait3A_144] : memref<32x128xi32, #tpu.memory_space<vmem>> -> memref<1x128xi32, #tpu.memory_space<vmem>>
        %dma_wait3A_146 = tpu.memref_squeeze %dma_wait3A_145 : memref<1x128xi32, #tpu.memory_space<vmem>> -> memref<128xi32, #tpu.memory_space<vmem>>
        %dma_wait3A_147 = arith.constant 0 : i32
        %dma_wait3A_148 = tpu.memref_slice %arg5[%dma_wait3A_147] : memref<10240xf32, #tpu.memory_space<hbm>> -> memref<10240xf32, #tpu.memory_space<hbm>>
        tpu.wait_indirect_dma semaphore(%arg15 : memref<!tpu.dma_semaphore, #tpu.memory_space<semaphore_mem>>) src(%dma_wait3A_148 : memref<10240xf32, #tpu.memory_space<hbm>>) dst(%dma_wait3A_143 : memref<128xf32, #tpu.memory_space<vmem>>)
        %dma_start3A_149 = arith.constant 0 : i32
        %dma_start3A_150 = tpu.memref_slice %arg11[%while3A_140, %dma_start3A_149] : memref<32x128xf32, #tpu.memory_space<vmem>> -> memref<1x128xf32, #tpu.memory_space<vmem>>
        %dma_start3A_151 = tpu.memref_squeeze %dma_start3A_150 : memref<1x128xf32, #tpu.memory_space<vmem>> -> memref<128xf32, #tpu.memory_space<vmem>>
        %dma_start3A_152 = arith.constant 0 : i32
        %dma_start3A_153 = tpu.memref_slice %arg8[%while3A_140, %dma_start3A_152] : memref<32x128xi32, #tpu.memory_space<vmem>> -> memref<1x128xi32, #tpu.memory_space<vmem>>
        %dma_start3A_154 = tpu.memref_squeeze %dma_start3A_153 : memref<1x128xi32, #tpu.memory_space<vmem>> -> memref<128xi32, #tpu.memory_space<vmem>>
        %dma_start3A_155 = arith.constant 0 : i32
        %dma_start3A_156 = tpu.memref_slice %arg13[%dma_start3A_155] : memref<10240xf32, #tpu.memory_space<vmem_shared>> -> memref<10240xf32, #tpu.memory_space<vmem_shared>>
        tpu.enqueue_indirect_dma source(%dma_start3A_151 : memref<128xf32, #tpu.memory_space<vmem>>) target(%dma_start3A_156 : memref<10240xf32, #tpu.memory_space<vmem_shared>>) offsets(%dma_start3A_154 : memref<128xi32, #tpu.memory_space<vmem>>) semaphore(%arg17 : memref<!tpu.dma_semaphore, #tpu.memory_space<semaphore_mem>>) {add = true}
        %ge3A_157 = arith.constant 8 : i32
        %ge3A_158 = arith.cmpi sge, %while3A_140, %ge3A_157 : i32
        %convert_element_type3A_159 = arith.extui %ge3A_158 : i1 to i32
        %cond3A_160 = arith.constant 0 : i32
        %cond3A_161 = arith.cmpi ne, %convert_element_type3A_159, %cond3A_160 : i32
        scf.if %cond3A_161 {
          %sub3A_162 = arith.constant 8 : i32
          %sub3A_163 = arith.subi %while3A_140, %sub3A_162 : i32
          %dma_wait3A_164 = arith.constant 0 : i32
          %dma_wait3A_165 = tpu.memref_slice %arg11[%sub3A_163, %dma_wait3A_164] : memref<32x128xf32, #tpu.memory_space<vmem>> -> memref<1x128xf32, #tpu.memory_space<vmem>>
          %dma_wait3A_166 = tpu.memref_squeeze %dma_wait3A_165 : memref<1x128xf32, #tpu.memory_space<vmem>> -> memref<128xf32, #tpu.memory_space<vmem>>
          %dma_wait3A_167 = arith.constant 0 : i32
          %dma_wait3A_168 = tpu.memref_slice %arg8[%sub3A_163, %dma_wait3A_167] : memref<32x128xi32, #tpu.memory_space<vmem>> -> memref<1x128xi32, #tpu.memory_space<vmem>>
          %dma_wait3A_169 = tpu.memref_squeeze %dma_wait3A_168 : memref<1x128xi32, #tpu.memory_space<vmem>> -> memref<128xi32, #tpu.memory_space<vmem>>
          %dma_wait3A_170 = arith.constant 0 : i32
          %dma_wait3A_171 = tpu.memref_slice %arg13[%dma_wait3A_170] : memref<10240xf32, #tpu.memory_space<vmem_shared>> -> memref<10240xf32, #tpu.memory_space<vmem_shared>>
          tpu.wait_indirect_dma semaphore(%arg17 : memref<!tpu.dma_semaphore, #tpu.memory_space<semaphore_mem>>) src(%dma_wait3A_166 : memref<128xf32, #tpu.memory_space<vmem>>) dst(%dma_wait3A_171 : memref<10240xf32, #tpu.memory_space<vmem_shared>>)
        } else {
        }
      }
      %while3A_108 = arith.constant 1 : i32
      scf.for %while3A_140 = %while3A_106 to %while3A_102 step %while3A_108  : i32 {
        %dma_wait3A_141 = arith.constant 0 : i32
        %dma_wait3A_142 = tpu.memref_slice %arg11[%while3A_140, %dma_wait3A_141] : memref<32x128xf32, #tpu.memory_space<vmem>> -> memref<1x128xf32, #tpu.memory_space<vmem>>
        %dma_wait3A_143 = tpu.memref_squeeze %dma_wait3A_142 : memref<1x128xf32, #tpu.memory_space<vmem>> -> memref<128xf32, #tpu.memory_space<vmem>>
        %dma_wait3A_144 = arith.constant 0 : i32
        %dma_wait3A_145 = tpu.memref_slice %arg9[%while3A_140, %dma_wait3A_144] : memref<32x128xi32, #tpu.memory_space<vmem>> -> memref<1x128xi32, #tpu.memory_space<vmem>>
        %dma_wait3A_146 = tpu.memref_squeeze %dma_wait3A_145 : memref<1x128xi32, #tpu.memory_space<vmem>> -> memref<128xi32, #tpu.memory_space<vmem>>
        %dma_wait3A_147 = arith.constant 0 : i32
        %dma_wait3A_148 = tpu.memref_slice %arg5[%dma_wait3A_147] : memref<10240xf32, #tpu.memory_space<hbm>> -> memref<10240xf32, #tpu.memory_space<hbm>>
        tpu.wait_indirect_dma semaphore(%arg15 : memref<!tpu.dma_semaphore, #tpu.memory_space<semaphore_mem>>) src(%dma_wait3A_148 : memref<10240xf32, #tpu.memory_space<hbm>>) dst(%dma_wait3A_143 : memref<128xf32, #tpu.memory_space<vmem>>)
        %dma_start3A_149 = arith.constant 0 : i32
        %dma_start3A_150 = tpu.memref_slice %arg11[%while3A_140, %dma_start3A_149] : memref<32x128xf32, #tpu.memory_space<vmem>> -> memref<1x128xf32, #tpu.memory_space<vmem>>
        %dma_start3A_151 = tpu.memref_squeeze %dma_start3A_150 : memref<1x128xf32, #tpu.memory_space<vmem>> -> memref<128xf32, #tpu.memory_space<vmem>>
        %dma_start3A_152 = arith.constant 0 : i32
        %dma_start3A_153 = tpu.memref_slice %arg8[%while3A_140, %dma_start3A_152] : memref<32x128xi32, #tpu.memory_space<vmem>> -> memref<1x128xi32, #tpu.memory_space<vmem>>
        %dma_start3A_154 = tpu.memref_squeeze %dma_start3A_153 : memref<1x128xi32, #tpu.memory_space<vmem>> -> memref<128xi32, #tpu.memory_space<vmem>>
        %dma_start3A_155 = arith.constant 0 : i32
        %dma_start3A_156 = tpu.memref_slice %arg13[%dma_start3A_155] : memref<10240xf32, #tpu.memory_space<vmem_shared>> -> memref<10240xf32, #tpu.memory_space<vmem_shared>>
        tpu.enqueue_indirect_dma source(%dma_start3A_151 : memref<128xf32, #tpu.memory_space<vmem>>) target(%dma_start3A_156 : memref<10240xf32, #tpu.memory_space<vmem_shared>>) offsets(%dma_start3A_154 : memref<128xi32, #tpu.memory_space<vmem>>) semaphore(%arg17 : memref<!tpu.dma_semaphore, #tpu.memory_space<semaphore_mem>>) {add = true}
        %ge3A_157 = arith.constant 8 : i32
        %ge3A_158 = arith.cmpi sge, %while3A_140, %ge3A_157 : i32
        %convert_element_type3A_159 = arith.extui %ge3A_158 : i1 to i32
        %cond3A_160 = arith.constant 0 : i32
        %cond3A_161 = arith.cmpi ne, %convert_element_type3A_159, %cond3A_160 : i32
        scf.if %cond3A_161 {
          %sub3A_162 = arith.constant 8 : i32
          %sub3A_163 = arith.subi %while3A_140, %sub3A_162 : i32
          %dma_wait3A_164 = arith.constant 0 : i32
          %dma_wait3A_165 = tpu.memref_slice %arg11[%sub3A_163, %dma_wait3A_164] : memref<32x128xf32, #tpu.memory_space<vmem>> -> memref<1x128xf32, #tpu.memory_space<vmem>>
          %dma_wait3A_166 = tpu.memref_squeeze %dma_wait3A_165 : memref<1x128xf32, #tpu.memory_space<vmem>> -> memref<128xf32, #tpu.memory_space<vmem>>
          %dma_wait3A_167 = arith.constant 0 : i32
          %dma_wait3A_168 = tpu.memref_slice %arg8[%sub3A_163, %dma_wait3A_167] : memref<32x128xi32, #tpu.memory_space<vmem>> -> memref<1x128xi32, #tpu.memory_space<vmem>>
          %dma_wait3A_169 = tpu.memref_squeeze %dma_wait3A_168 : memref<1x128xi32, #tpu.memory_space<vmem>> -> memref<128xi32, #tpu.memory_space<vmem>>
          %dma_wait3A_170 = arith.constant 0 : i32
          %dma_wait3A_171 = tpu.memref_slice %arg13[%dma_wait3A_170] : memref<10240xf32, #tpu.memory_space<vmem_shared>> -> memref<10240xf32, #tpu.memory_space<vmem_shared>>
          tpu.wait_indirect_dma semaphore(%arg17 : memref<!tpu.dma_semaphore, #tpu.memory_space<semaphore_mem>>) src(%dma_wait3A_166 : memref<128xf32, #tpu.memory_space<vmem>>) dst(%dma_wait3A_171 : memref<10240xf32, #tpu.memory_space<vmem_shared>>)
        } else {
        }
      }
      %sub3A_109 = arith.constant 8 : i32
      %sub3A_110 = arith.subi %min3A_55, %sub3A_109 : i32
      %max3A_111 = arith.constant 0 : i32
      %max3A_112 = arith.maxsi %sub3A_110, %max3A_111 : i32
      %while3A_113 = arith.constant 0 : i32
      %while3A_114 = arith.subi %min3A_55, %max3A_112 : i32
      %while3A_115 = arith.addi %max3A_112, %while3A_114 : i32
      %while3A_116 = arith.constant 1 : i32
      %while3A_117 = arith.divsi %while3A_114, %while3A_116 : i32
      %while3A_118 = arith.muli %while3A_117, %while3A_116 : i32
      %while3A_119 = arith.addi %max3A_112, %while3A_118 : i32
      %while3A_120 = arith.constant 1 : i32
      scf.for %while3A_140 = %max3A_112 to %while3A_119 step %while3A_120  : i32 {
        %dma_wait3A_141 = arith.constant 0 : i32
        %dma_wait3A_142 = tpu.memref_slice %arg11[%while3A_140, %dma_wait3A_141] : memref<32x128xf32, #tpu.memory_space<vmem>> -> memref<1x128xf32, #tpu.memory_space<vmem>>
        %dma_wait3A_143 = tpu.memref_squeeze %dma_wait3A_142 : memref<1x128xf32, #tpu.memory_space<vmem>> -> memref<128xf32, #tpu.memory_space<vmem>>
        %dma_wait3A_144 = arith.constant 0 : i32
        %dma_wait3A_145 = tpu.memref_slice %arg8[%while3A_140, %dma_wait3A_144] : memref<32x128xi32, #tpu.memory_space<vmem>> -> memref<1x128xi32, #tpu.memory_space<vmem>>
        %dma_wait3A_146 = tpu.memref_squeeze %dma_wait3A_145 : memref<1x128xi32, #tpu.memory_space<vmem>> -> memref<128xi32, #tpu.memory_space<vmem>>
        %dma_wait3A_147 = arith.constant 0 : i32
        %dma_wait3A_148 = tpu.memref_slice %arg13[%dma_wait3A_147] : memref<10240xf32, #tpu.memory_space<vmem_shared>> -> memref<10240xf32, #tpu.memory_space<vmem_shared>>
        tpu.wait_indirect_dma semaphore(%arg17 : memref<!tpu.dma_semaphore, #tpu.memory_space<semaphore_mem>>) src(%dma_wait3A_143 : memref<128xf32, #tpu.memory_space<vmem>>) dst(%dma_wait3A_148 : memref<10240xf32, #tpu.memory_space<vmem_shared>>)
      }
      %while3A_121 = arith.constant 1 : i32
      scf.for %while3A_140 = %while3A_119 to %while3A_115 step %while3A_121  : i32 {
        %dma_wait3A_141 = arith.constant 0 : i32
        %dma_wait3A_142 = tpu.memref_slice %arg11[%while3A_140, %dma_wait3A_141] : memref<32x128xf32, #tpu.memory_space<vmem>> -> memref<1x128xf32, #tpu.memory_space<vmem>>
        %dma_wait3A_143 = tpu.memref_squeeze %dma_wait3A_142 : memref<1x128xf32, #tpu.memory_space<vmem>> -> memref<128xf32, #tpu.memory_space<vmem>>
        %dma_wait3A_144 = arith.constant 0 : i32
        %dma_wait3A_145 = tpu.memref_slice %arg8[%while3A_140, %dma_wait3A_144] : memref<32x128xi32, #tpu.memory_space<vmem>> -> memref<1x128xi32, #tpu.memory_space<vmem>>
        %dma_wait3A_146 = tpu.memref_squeeze %dma_wait3A_145 : memref<1x128xi32, #tpu.memory_space<vmem>> -> memref<128xi32, #tpu.memory_space<vmem>>
        %dma_wait3A_147 = arith.constant 0 : i32
        %dma_wait3A_148 = tpu.memref_slice %arg13[%dma_wait3A_147] : memref<10240xf32, #tpu.memory_space<vmem_shared>> -> memref<10240xf32, #tpu.memory_space<vmem_shared>>
        tpu.wait_indirect_dma semaphore(%arg17 : memref<!tpu.dma_semaphore, #tpu.memory_space<semaphore_mem>>) src(%dma_wait3A_143 : memref<128xf32, #tpu.memory_space<vmem>>) dst(%dma_wait3A_148 : memref<10240xf32, #tpu.memory_space<vmem_shared>>)
      }
      %ge3A = arith.constant 2 : i32
      %ge3A_122 = arith.cmpi sge, %min3A_55, %ge3A : i32
      %convert_element_type3A_123 = arith.extui %ge3A_122 : i1 to i32
      %cond3A_124 = arith.constant 0 : i32
      %cond3A_125 = arith.cmpi ne, %convert_element_type3A_123, %cond3A_124 : i32
      scf.if %cond3A_125 {
        %sub3A_140 = arith.constant 2 : i32
        %sub3A_141 = arith.subi %min3A_55, %sub3A_140 : i32
        %sub3A_142 = arith.constant 2 : i32
        %sub3A_143 = arith.subi %min3A_55, %sub3A_142 : i32
        %rem3A_144 = arith.constant 2 : i32
        %rem3A_145 = arith.remsi %sub3A_143, %rem3A_144 : i32
        %dma_wait3A_146 = arith.constant 0 : i32
        %dma_wait3A_147 = arith.constant 0 : i32
        %dma_wait3A_148 = tpu.memref_slice %arg10[%rem3A_145, %dma_wait3A_146, %dma_wait3A_147] : memref<2x128x128xf32, #tpu.memory_space<vmem>> -> memref<1x128x128xf32, #tpu.memory_space<vmem>>
        %dma_wait3A_149 = tpu.memref_squeeze %dma_wait3A_148 : memref<1x128x128xf32, #tpu.memory_space<vmem>> -> memref<128x128xf32, #tpu.memory_space<vmem>>
        %dma_wait3A_150 = arith.constant 0 : i32
        %dma_wait3A_151 = tpu.memref_slice %arg9[%sub3A_141, %dma_wait3A_150] : memref<32x128xi32, #tpu.memory_space<vmem>> -> memref<1x128xi32, #tpu.memory_space<vmem>>
        %dma_wait3A_152 = tpu.memref_squeeze %dma_wait3A_151 : memref<1x128xi32, #tpu.memory_space<vmem>> -> memref<128xi32, #tpu.memory_space<vmem>>
        %dma_wait3A_153 = arith.constant 0 : i32
        %dma_wait3A_154 = arith.constant 0 : i32
        %dma_wait3A_155 = tpu.memref_slice %arg12[%dma_wait3A_153, %dma_wait3A_154] : memref<10240x128xf32, #tpu.memory_space<vmem_shared>> -> memref<10240x128xf32, #tpu.memory_space<vmem_shared>>
        tpu.wait_indirect_dma semaphore(%arg16 : memref<!tpu.dma_semaphore, #tpu.memory_space<semaphore_mem>>) src(%dma_wait3A_149 : memref<128x128xf32, #tpu.memory_space<vmem>>) dst(%dma_wait3A_155 : memref<10240x128xf32, #tpu.memory_space<vmem_shared>>)
      } else {
      }
      %sub3A_126 = arith.constant 1 : i32
      %sub3A_127 = arith.subi %min3A_55, %sub3A_126 : i32
      %sub3A_128 = arith.constant 1 : i32
      %sub3A_129 = arith.subi %min3A_55, %sub3A_128 : i32
      %rem3A = arith.constant 2 : i32
      %rem3A_130 = arith.remsi %sub3A_129, %rem3A : i32
      %dma_wait3A = arith.constant 0 : i32
      %dma_wait3A_131 = arith.constant 0 : i32
      %dma_wait3A_132 = tpu.memref_slice %arg10[%rem3A_130, %dma_wait3A, %dma_wait3A_131] : memref<2x128x128xf32, #tpu.memory_space<vmem>> -> memref<1x128x128xf32, #tpu.memory_space<vmem>>
      %dma_wait3A_133 = tpu.memref_squeeze %dma_wait3A_132 : memref<1x128x128xf32, #tpu.memory_space<vmem>> -> memref<128x128xf32, #tpu.memory_space<vmem>>
      %dma_wait3A_134 = arith.constant 0 : i32
      %dma_wait3A_135 = tpu.memref_slice %arg9[%sub3A_127, %dma_wait3A_134] : memref<32x128xi32, #tpu.memory_space<vmem>> -> memref<1x128xi32, #tpu.memory_space<vmem>>
      %dma_wait3A_136 = tpu.memref_squeeze %dma_wait3A_135 : memref<1x128xi32, #tpu.memory_space<vmem>> -> memref<128xi32, #tpu.memory_space<vmem>>
      %dma_wait3A_137 = arith.constant 0 : i32
      %dma_wait3A_138 = arith.constant 0 : i32
      %dma_wait3A_139 = tpu.memref_slice %arg12[%dma_wait3A_137, %dma_wait3A_138] : memref<10240x128xf32, #tpu.memory_space<vmem_shared>> -> memref<10240x128xf32, #tpu.memory_space<vmem_shared>>
      tpu.wait_indirect_dma semaphore(%arg16 : memref<!tpu.dma_semaphore, #tpu.memory_space<semaphore_mem>>) src(%dma_wait3A_133 : memref<128x128xf32, #tpu.memory_space<vmem>>) dst(%dma_wait3A_139 : memref<10240x128xf32, #tpu.memory_space<vmem_shared>>)
    } else {
    }
    %sub3A_61 = arith.constant 64 : i32
    %sub3A_62 = arith.subi %select_n3A, %sub3A_61 : i32
    %jit3A_63 = arith.constant 0 : i32
    %jit3A_64 = arith.constant 32 : i32
    %max3A_65 = arith.maxsi %jit3A_63, %sub3A_62 : i32
    %min3A_66 = arith.minsi %jit3A_64, %max3A_65 : i32
    %gt3A_67 = arith.constant 0 : i32
    %gt3A_68 = arith.cmpi sgt, %min3A_66, %gt3A_67 : i32
    %convert_element_type3A_69 = arith.extui %gt3A_68 : i1 to i32
    %cond3A_70 = arith.constant 0 : i32
    %cond3A_71 = arith.cmpi ne, %convert_element_type3A_69, %cond3A_70 : i32
    scf.if %cond3A_71 {
      %add3A_75 = arith.constant 64 : i32
      %add3A_76 = arith.addi %mul3A_2, %add3A_75 : i32
      "tpu.region"() ({
        %run_scoped3A_140 = tpu.sem_alloc : memref<!tpu.dma_semaphore, #tpu.memory_space<semaphore_mem>>
        %dma_start3A_141 = arith.constant 0 : i32
        %dma_start3A_142 = tpu.memref_slice %arg3[%add3A_76, %dma_start3A_141] : memref<2560x128xi32, #tpu.memory_space<hbm>> -> memref<32x128xi32, #tpu.memory_space<hbm>>
        %dma_start3A_143 = arith.constant 0 : i32
        %dma_start3A_144 = tpu.memref_slice %arg3[%add3A_76, %dma_start3A_143] : memref<2560x128xi32, #tpu.memory_space<hbm>> -> memref<32x128xi32, #tpu.memory_space<hbm>>
        tpu.enqueue_dma source(%dma_start3A_144 : memref<32x128xi32, #tpu.memory_space<hbm>>) target(%arg8 : memref<32x128xi32, #tpu.memory_space<vmem>>) target_semaphore(%run_scoped3A_140 : memref<!tpu.dma_semaphore, #tpu.memory_space<semaphore_mem>>)
        %dma_wait3A_145 = arith.constant 0 : i32
        %dma_wait3A_146 = tpu.memref_slice %arg3[%add3A_76, %dma_wait3A_145] : memref<2560x128xi32, #tpu.memory_space<hbm>> -> memref<32x128xi32, #tpu.memory_space<hbm>>
        %dma_wait3A_147 = arith.constant 0 : i32
        %dma_wait3A_148 = tpu.memref_slice %arg3[%add3A_76, %dma_wait3A_147] : memref<2560x128xi32, #tpu.memory_space<hbm>> -> memref<32x128xi32, #tpu.memory_space<hbm>>
        tpu.wait_dma2 semaphore(%run_scoped3A_140 : memref<!tpu.dma_semaphore, #tpu.memory_space<semaphore_mem>>) src(%dma_wait3A_148 : memref<32x128xi32, #tpu.memory_space<hbm>>) dst(%arg8 : memref<32x128xi32, #tpu.memory_space<vmem>>)
        tpu.yield
      }) : () -> ()
      %add3A_77 = arith.constant 64 : i32
      %add3A_78 = arith.addi %mul3A_2, %add3A_77 : i32
      "tpu.region"() ({
        %run_scoped3A_140 = tpu.sem_alloc : memref<!tpu.dma_semaphore, #tpu.memory_space<semaphore_mem>>
        %dma_start3A_141 = arith.constant 0 : i32
        %dma_start3A_142 = tpu.memref_slice %arg4[%add3A_78, %dma_start3A_141] : memref<2560x128xi32, #tpu.memory_space<hbm>> -> memref<32x128xi32, #tpu.memory_space<hbm>>
        %dma_start3A_143 = arith.constant 0 : i32
        %dma_start3A_144 = tpu.memref_slice %arg4[%add3A_78, %dma_start3A_143] : memref<2560x128xi32, #tpu.memory_space<hbm>> -> memref<32x128xi32, #tpu.memory_space<hbm>>
        tpu.enqueue_dma source(%dma_start3A_144 : memref<32x128xi32, #tpu.memory_space<hbm>>) target(%arg9 : memref<32x128xi32, #tpu.memory_space<vmem>>) target_semaphore(%run_scoped3A_140 : memref<!tpu.dma_semaphore, #tpu.memory_space<semaphore_mem>>)
        %dma_wait3A_145 = arith.constant 0 : i32
        %dma_wait3A_146 = tpu.memref_slice %arg4[%add3A_78, %dma_wait3A_145] : memref<2560x128xi32, #tpu.memory_space<hbm>> -> memref<32x128xi32, #tpu.memory_space<hbm>>
        %dma_wait3A_147 = arith.constant 0 : i32
        %dma_wait3A_148 = tpu.memref_slice %arg4[%add3A_78, %dma_wait3A_147] : memref<2560x128xi32, #tpu.memory_space<hbm>> -> memref<32x128xi32, #tpu.memory_space<hbm>>
        tpu.wait_dma2 semaphore(%run_scoped3A_140 : memref<!tpu.dma_semaphore, #tpu.memory_space<semaphore_mem>>) src(%dma_wait3A_148 : memref<32x128xi32, #tpu.memory_space<hbm>>) dst(%arg9 : memref<32x128xi32, #tpu.memory_space<vmem>>)
        tpu.yield
      }) : () -> ()
      %dma_start3A = arith.constant 0 : i32
      %dma_start3A_79 = arith.constant 0 : i32
      %dma_start3A_80 = arith.constant 0 : i32
      %dma_start3A_81 = arith.constant 0 : i32
      %dma_start3A_82 = tpu.memref_slice %arg10[%dma_start3A_79, %dma_start3A_80, %dma_start3A_81] : memref<2x128x128xf32, #tpu.memory_space<vmem>> -> memref<1x128x128xf32, #tpu.memory_space<vmem>>
      %dma_start3A_83 = tpu.memref_squeeze %dma_start3A_82 : memref<1x128x128xf32, #tpu.memory_space<vmem>> -> memref<128x128xf32, #tpu.memory_space<vmem>>
      %dma_start3A_84 = arith.constant 0 : i32
      %dma_start3A_85 = tpu.memref_slice %arg8[%dma_start3A, %dma_start3A_84] : memref<32x128xi32, #tpu.memory_space<vmem>> -> memref<1x128xi32, #tpu.memory_space<vmem>>
      %dma_start3A_86 = tpu.memref_squeeze %dma_start3A_85 : memref<1x128xi32, #tpu.memory_space<vmem>> -> memref<128xi32, #tpu.memory_space<vmem>>
      %dma_start3A_87 = arith.constant 0 : i32
      %dma_start3A_88 = arith.constant 0 : i32
      %dma_start3A_89 = tpu.memref_slice %arg2[%dma_start3A_87, %dma_start3A_88] : memref<10240x128xf32, #tpu.memory_space<hbm>> -> memref<10240x128xf32, #tpu.memory_space<hbm>>
      tpu.enqueue_indirect_dma source(%dma_start3A_89 : memref<10240x128xf32, #tpu.memory_space<hbm>>) target(%dma_start3A_83 : memref<128x128xf32, #tpu.memory_space<vmem>>) offsets(%dma_start3A_86 : memref<128xi32, #tpu.memory_space<vmem>>) semaphore(%arg14 : memref<!tpu.dma_semaphore, #tpu.memory_space<semaphore_mem>>)
      %while3A = arith.constant 0 : i32
      %while3A_90 = arith.constant 0 : i32
      %while3A_91 = arith.subi %min3A_66, %while3A_90 : i32
      %while3A_92 = arith.addi %while3A_90, %while3A_91 : i32
      %while3A_93 = arith.constant 1 : i32
      %while3A_94 = arith.divsi %while3A_91, %while3A_93 : i32
      %while3A_95 = arith.muli %while3A_94, %while3A_93 : i32
      %while3A_96 = arith.addi %while3A_90, %while3A_95 : i32
      %while3A_97 = arith.constant 1 : i32
      scf.for %while3A_140 = %while3A_90 to %while3A_96 step %while3A_97  : i32 {
        %rem3A_141 = arith.constant 2 : i32
        %rem3A_142 = arith.remsi %while3A_140, %rem3A_141 : i32
        %sub3A_143 = arith.constant 1 : i32
        %sub3A_144 = arith.subi %sub3A_143, %rem3A_142 : i32
        %dma_start3A_145 = arith.constant 0 : i32
        %dma_start3A_146 = tpu.memref_slice %arg11[%while3A_140, %dma_start3A_145] : memref<32x128xf32, #tpu.memory_space<vmem>> -> memref<1x128xf32, #tpu.memory_space<vmem>>
        %dma_start3A_147 = tpu.memref_squeeze %dma_start3A_146 : memref<1x128xf32, #tpu.memory_space<vmem>> -> memref<128xf32, #tpu.memory_space<vmem>>
        %dma_start3A_148 = arith.constant 0 : i32
        %dma_start3A_149 = tpu.memref_slice %arg9[%while3A_140, %dma_start3A_148] : memref<32x128xi32, #tpu.memory_space<vmem>> -> memref<1x128xi32, #tpu.memory_space<vmem>>
        %dma_start3A_150 = tpu.memref_squeeze %dma_start3A_149 : memref<1x128xi32, #tpu.memory_space<vmem>> -> memref<128xi32, #tpu.memory_space<vmem>>
        %dma_start3A_151 = arith.constant 0 : i32
        %dma_start3A_152 = tpu.memref_slice %arg5[%dma_start3A_151] : memref<10240xf32, #tpu.memory_space<hbm>> -> memref<10240xf32, #tpu.memory_space<hbm>>
        tpu.enqueue_indirect_dma source(%dma_start3A_152 : memref<10240xf32, #tpu.memory_space<hbm>>) target(%dma_start3A_147 : memref<128xf32, #tpu.memory_space<vmem>>) offsets(%dma_start3A_150 : memref<128xi32, #tpu.memory_space<vmem>>) semaphore(%arg15 : memref<!tpu.dma_semaphore, #tpu.memory_space<semaphore_mem>>)
        %add3A_153 = arith.constant 1 : i32
        %add3A_154 = arith.addi %while3A_140, %add3A_153 : i32
        %lt3A_155 = arith.cmpi slt, %add3A_154, %min3A_66 : i32
        %convert_element_type3A_156 = arith.extui %lt3A_155 : i1 to i32
        %cond3A_157 = arith.constant 0 : i32
        %cond3A_158 = arith.cmpi ne, %convert_element_type3A_156, %cond3A_157 : i32
        scf.if %cond3A_158 {
          %ge3A_179 = arith.constant 1 : i32
          %ge3A_180 = arith.cmpi sge, %while3A_140, %ge3A_179 : i32
          %convert_element_type3A_181 = arith.extui %ge3A_180 : i1 to i32
          %cond3A_182 = arith.constant 0 : i32
          %cond3A_183 = arith.cmpi ne, %convert_element_type3A_181, %cond3A_182 : i32
          scf.if %cond3A_183 {
            %sub3A_196 = arith.constant 1 : i32
            %sub3A_197 = arith.subi %while3A_140, %sub3A_196 : i32
            %dma_wait3A_198 = arith.constant 0 : i32
            %dma_wait3A_199 = arith.constant 0 : i32
            %dma_wait3A_200 = tpu.memref_slice %arg10[%sub3A_144, %dma_wait3A_198, %dma_wait3A_199] : memref<2x128x128xf32, #tpu.memory_space<vmem>> -> memref<1x128x128xf32, #tpu.memory_space<vmem>>
            %dma_wait3A_201 = tpu.memref_squeeze %dma_wait3A_200 : memref<1x128x128xf32, #tpu.memory_space<vmem>> -> memref<128x128xf32, #tpu.memory_space<vmem>>
            %dma_wait3A_202 = arith.constant 0 : i32
            %dma_wait3A_203 = tpu.memref_slice %arg9[%sub3A_197, %dma_wait3A_202] : memref<32x128xi32, #tpu.memory_space<vmem>> -> memref<1x128xi32, #tpu.memory_space<vmem>>
            %dma_wait3A_204 = tpu.memref_squeeze %dma_wait3A_203 : memref<1x128xi32, #tpu.memory_space<vmem>> -> memref<128xi32, #tpu.memory_space<vmem>>
            %dma_wait3A_205 = arith.constant 0 : i32
            %dma_wait3A_206 = arith.constant 0 : i32
            %dma_wait3A_207 = tpu.memref_slice %arg12[%dma_wait3A_205, %dma_wait3A_206] : memref<10240x128xf32, #tpu.memory_space<vmem_shared>> -> memref<10240x128xf32, #tpu.memory_space<vmem_shared>>
            tpu.wait_indirect_dma semaphore(%arg16 : memref<!tpu.dma_semaphore, #tpu.memory_space<semaphore_mem>>) src(%dma_wait3A_201 : memref<128x128xf32, #tpu.memory_space<vmem>>) dst(%dma_wait3A_207 : memref<10240x128xf32, #tpu.memory_space<vmem_shared>>)
          } else {
          }
          %add3A_184 = arith.constant 1 : i32
          %add3A_185 = arith.addi %while3A_140, %add3A_184 : i32
          %dma_start3A_186 = arith.constant 0 : i32
          %dma_start3A_187 = arith.constant 0 : i32
          %dma_start3A_188 = tpu.memref_slice %arg10[%sub3A_144, %dma_start3A_186, %dma_start3A_187] : memref<2x128x128xf32, #tpu.memory_space<vmem>> -> memref<1x128x128xf32, #tpu.memory_space<vmem>>
          %dma_start3A_189 = tpu.memref_squeeze %dma_start3A_188 : memref<1x128x128xf32, #tpu.memory_space<vmem>> -> memref<128x128xf32, #tpu.memory_space<vmem>>
          %dma_start3A_190 = arith.constant 0 : i32
          %dma_start3A_191 = tpu.memref_slice %arg8[%add3A_185, %dma_start3A_190] : memref<32x128xi32, #tpu.memory_space<vmem>> -> memref<1x128xi32, #tpu.memory_space<vmem>>
          %dma_start3A_192 = tpu.memref_squeeze %dma_start3A_191 : memref<1x128xi32, #tpu.memory_space<vmem>> -> memref<128xi32, #tpu.memory_space<vmem>>
          %dma_start3A_193 = arith.constant 0 : i32
          %dma_start3A_194 = arith.constant 0 : i32
          %dma_start3A_195 = tpu.memref_slice %arg2[%dma_start3A_193, %dma_start3A_194] : memref<10240x128xf32, #tpu.memory_space<hbm>> -> memref<10240x128xf32, #tpu.memory_space<hbm>>
          tpu.enqueue_indirect_dma source(%dma_start3A_195 : memref<10240x128xf32, #tpu.memory_space<hbm>>) target(%dma_start3A_189 : memref<128x128xf32, #tpu.memory_space<vmem>>) offsets(%dma_start3A_192 : memref<128xi32, #tpu.memory_space<vmem>>) semaphore(%arg14 : memref<!tpu.dma_semaphore, #tpu.memory_space<semaphore_mem>>)
        } else {
        }
        %dma_wait3A_159 = arith.constant 0 : i32
        %dma_wait3A_160 = arith.constant 0 : i32
        %dma_wait3A_161 = tpu.memref_slice %arg10[%rem3A_142, %dma_wait3A_159, %dma_wait3A_160] : memref<2x128x128xf32, #tpu.memory_space<vmem>> -> memref<1x128x128xf32, #tpu.memory_space<vmem>>
        %dma_wait3A_162 = tpu.memref_squeeze %dma_wait3A_161 : memref<1x128x128xf32, #tpu.memory_space<vmem>> -> memref<128x128xf32, #tpu.memory_space<vmem>>
        %dma_wait3A_163 = arith.constant 0 : i32
        %dma_wait3A_164 = tpu.memref_slice %arg8[%while3A_140, %dma_wait3A_163] : memref<32x128xi32, #tpu.memory_space<vmem>> -> memref<1x128xi32, #tpu.memory_space<vmem>>
        %dma_wait3A_165 = tpu.memref_squeeze %dma_wait3A_164 : memref<1x128xi32, #tpu.memory_space<vmem>> -> memref<128xi32, #tpu.memory_space<vmem>>
        %dma_wait3A_166 = arith.constant 0 : i32
        %dma_wait3A_167 = arith.constant 0 : i32
        %dma_wait3A_168 = tpu.memref_slice %arg2[%dma_wait3A_166, %dma_wait3A_167] : memref<10240x128xf32, #tpu.memory_space<hbm>> -> memref<10240x128xf32, #tpu.memory_space<hbm>>
        tpu.wait_indirect_dma semaphore(%arg14 : memref<!tpu.dma_semaphore, #tpu.memory_space<semaphore_mem>>) src(%dma_wait3A_168 : memref<10240x128xf32, #tpu.memory_space<hbm>>) dst(%dma_wait3A_162 : memref<128x128xf32, #tpu.memory_space<vmem>>)
        %dma_start3A_169 = arith.constant 0 : i32
        %dma_start3A_170 = arith.constant 0 : i32
        %dma_start3A_171 = tpu.memref_slice %arg10[%rem3A_142, %dma_start3A_169, %dma_start3A_170] : memref<2x128x128xf32, #tpu.memory_space<vmem>> -> memref<1x128x128xf32, #tpu.memory_space<vmem>>
        %dma_start3A_172 = tpu.memref_squeeze %dma_start3A_171 : memref<1x128x128xf32, #tpu.memory_space<vmem>> -> memref<128x128xf32, #tpu.memory_space<vmem>>
        %dma_start3A_173 = arith.constant 0 : i32
        %dma_start3A_174 = tpu.memref_slice %arg9[%while3A_140, %dma_start3A_173] : memref<32x128xi32, #tpu.memory_space<vmem>> -> memref<1x128xi32, #tpu.memory_space<vmem>>
        %dma_start3A_175 = tpu.memref_squeeze %dma_start3A_174 : memref<1x128xi32, #tpu.memory_space<vmem>> -> memref<128xi32, #tpu.memory_space<vmem>>
        %dma_start3A_176 = arith.constant 0 : i32
        %dma_start3A_177 = arith.constant 0 : i32
        %dma_start3A_178 = tpu.memref_slice %arg12[%dma_start3A_176, %dma_start3A_177] : memref<10240x128xf32, #tpu.memory_space<vmem_shared>> -> memref<10240x128xf32, #tpu.memory_space<vmem_shared>>
        tpu.enqueue_indirect_dma source(%dma_start3A_172 : memref<128x128xf32, #tpu.memory_space<vmem>>) target(%dma_start3A_178 : memref<10240x128xf32, #tpu.memory_space<vmem_shared>>) offsets(%dma_start3A_175 : memref<128xi32, #tpu.memory_space<vmem>>) semaphore(%arg16 : memref<!tpu.dma_semaphore, #tpu.memory_space<semaphore_mem>>) {add = true}
      }
      %while3A_98 = arith.constant 1 : i32
      scf.for %while3A_140 = %while3A_96 to %while3A_92 step %while3A_98  : i32 {
        %rem3A_141 = arith.constant 2 : i32
        %rem3A_142 = arith.remsi %while3A_140, %rem3A_141 : i32
        %sub3A_143 = arith.constant 1 : i32
        %sub3A_144 = arith.subi %sub3A_143, %rem3A_142 : i32
        %dma_start3A_145 = arith.constant 0 : i32
        %dma_start3A_146 = tpu.memref_slice %arg11[%while3A_140, %dma_start3A_145] : memref<32x128xf32, #tpu.memory_space<vmem>> -> memref<1x128xf32, #tpu.memory_space<vmem>>
        %dma_start3A_147 = tpu.memref_squeeze %dma_start3A_146 : memref<1x128xf32, #tpu.memory_space<vmem>> -> memref<128xf32, #tpu.memory_space<vmem>>
        %dma_start3A_148 = arith.constant 0 : i32
        %dma_start3A_149 = tpu.memref_slice %arg9[%while3A_140, %dma_start3A_148] : memref<32x128xi32, #tpu.memory_space<vmem>> -> memref<1x128xi32, #tpu.memory_space<vmem>>
        %dma_start3A_150 = tpu.memref_squeeze %dma_start3A_149 : memref<1x128xi32, #tpu.memory_space<vmem>> -> memref<128xi32, #tpu.memory_space<vmem>>
        %dma_start3A_151 = arith.constant 0 : i32
        %dma_start3A_152 = tpu.memref_slice %arg5[%dma_start3A_151] : memref<10240xf32, #tpu.memory_space<hbm>> -> memref<10240xf32, #tpu.memory_space<hbm>>
        tpu.enqueue_indirect_dma source(%dma_start3A_152 : memref<10240xf32, #tpu.memory_space<hbm>>) target(%dma_start3A_147 : memref<128xf32, #tpu.memory_space<vmem>>) offsets(%dma_start3A_150 : memref<128xi32, #tpu.memory_space<vmem>>) semaphore(%arg15 : memref<!tpu.dma_semaphore, #tpu.memory_space<semaphore_mem>>)
        %add3A_153 = arith.constant 1 : i32
        %add3A_154 = arith.addi %while3A_140, %add3A_153 : i32
        %lt3A_155 = arith.cmpi slt, %add3A_154, %min3A_66 : i32
        %convert_element_type3A_156 = arith.extui %lt3A_155 : i1 to i32
        %cond3A_157 = arith.constant 0 : i32
        %cond3A_158 = arith.cmpi ne, %convert_element_type3A_156, %cond3A_157 : i32
        scf.if %cond3A_158 {
          %ge3A_179 = arith.constant 1 : i32
          %ge3A_180 = arith.cmpi sge, %while3A_140, %ge3A_179 : i32
          %convert_element_type3A_181 = arith.extui %ge3A_180 : i1 to i32
          %cond3A_182 = arith.constant 0 : i32
          %cond3A_183 = arith.cmpi ne, %convert_element_type3A_181, %cond3A_182 : i32
          scf.if %cond3A_183 {
            %sub3A_196 = arith.constant 1 : i32
            %sub3A_197 = arith.subi %while3A_140, %sub3A_196 : i32
            %dma_wait3A_198 = arith.constant 0 : i32
            %dma_wait3A_199 = arith.constant 0 : i32
            %dma_wait3A_200 = tpu.memref_slice %arg10[%sub3A_144, %dma_wait3A_198, %dma_wait3A_199] : memref<2x128x128xf32, #tpu.memory_space<vmem>> -> memref<1x128x128xf32, #tpu.memory_space<vmem>>
            %dma_wait3A_201 = tpu.memref_squeeze %dma_wait3A_200 : memref<1x128x128xf32, #tpu.memory_space<vmem>> -> memref<128x128xf32, #tpu.memory_space<vmem>>
            %dma_wait3A_202 = arith.constant 0 : i32
            %dma_wait3A_203 = tpu.memref_slice %arg9[%sub3A_197, %dma_wait3A_202] : memref<32x128xi32, #tpu.memory_space<vmem>> -> memref<1x128xi32, #tpu.memory_space<vmem>>
            %dma_wait3A_204 = tpu.memref_squeeze %dma_wait3A_203 : memref<1x128xi32, #tpu.memory_space<vmem>> -> memref<128xi32, #tpu.memory_space<vmem>>
            %dma_wait3A_205 = arith.constant 0 : i32
            %dma_wait3A_206 = arith.constant 0 : i32
            %dma_wait3A_207 = tpu.memref_slice %arg12[%dma_wait3A_205, %dma_wait3A_206] : memref<10240x128xf32, #tpu.memory_space<vmem_shared>> -> memref<10240x128xf32, #tpu.memory_space<vmem_shared>>
            tpu.wait_indirect_dma semaphore(%arg16 : memref<!tpu.dma_semaphore, #tpu.memory_space<semaphore_mem>>) src(%dma_wait3A_201 : memref<128x128xf32, #tpu.memory_space<vmem>>) dst(%dma_wait3A_207 : memref<10240x128xf32, #tpu.memory_space<vmem_shared>>)
          } else {
          }
          %add3A_184 = arith.constant 1 : i32
          %add3A_185 = arith.addi %while3A_140, %add3A_184 : i32
          %dma_start3A_186 = arith.constant 0 : i32
          %dma_start3A_187 = arith.constant 0 : i32
          %dma_start3A_188 = tpu.memref_slice %arg10[%sub3A_144, %dma_start3A_186, %dma_start3A_187] : memref<2x128x128xf32, #tpu.memory_space<vmem>> -> memref<1x128x128xf32, #tpu.memory_space<vmem>>
          %dma_start3A_189 = tpu.memref_squeeze %dma_start3A_188 : memref<1x128x128xf32, #tpu.memory_space<vmem>> -> memref<128x128xf32, #tpu.memory_space<vmem>>
          %dma_start3A_190 = arith.constant 0 : i32
          %dma_start3A_191 = tpu.memref_slice %arg8[%add3A_185, %dma_start3A_190] : memref<32x128xi32, #tpu.memory_space<vmem>> -> memref<1x128xi32, #tpu.memory_space<vmem>>
          %dma_start3A_192 = tpu.memref_squeeze %dma_start3A_191 : memref<1x128xi32, #tpu.memory_space<vmem>> -> memref<128xi32, #tpu.memory_space<vmem>>
          %dma_start3A_193 = arith.constant 0 : i32
          %dma_start3A_194 = arith.constant 0 : i32
          %dma_start3A_195 = tpu.memref_slice %arg2[%dma_start3A_193, %dma_start3A_194] : memref<10240x128xf32, #tpu.memory_space<hbm>> -> memref<10240x128xf32, #tpu.memory_space<hbm>>
          tpu.enqueue_indirect_dma source(%dma_start3A_195 : memref<10240x128xf32, #tpu.memory_space<hbm>>) target(%dma_start3A_189 : memref<128x128xf32, #tpu.memory_space<vmem>>) offsets(%dma_start3A_192 : memref<128xi32, #tpu.memory_space<vmem>>) semaphore(%arg14 : memref<!tpu.dma_semaphore, #tpu.memory_space<semaphore_mem>>)
        } else {
        }
        %dma_wait3A_159 = arith.constant 0 : i32
        %dma_wait3A_160 = arith.constant 0 : i32
        %dma_wait3A_161 = tpu.memref_slice %arg10[%rem3A_142, %dma_wait3A_159, %dma_wait3A_160] : memref<2x128x128xf32, #tpu.memory_space<vmem>> -> memref<1x128x128xf32, #tpu.memory_space<vmem>>
        %dma_wait3A_162 = tpu.memref_squeeze %dma_wait3A_161 : memref<1x128x128xf32, #tpu.memory_space<vmem>> -> memref<128x128xf32, #tpu.memory_space<vmem>>
        %dma_wait3A_163 = arith.constant 0 : i32
        %dma_wait3A_164 = tpu.memref_slice %arg8[%while3A_140, %dma_wait3A_163] : memref<32x128xi32, #tpu.memory_space<vmem>> -> memref<1x128xi32, #tpu.memory_space<vmem>>
        %dma_wait3A_165 = tpu.memref_squeeze %dma_wait3A_164 : memref<1x128xi32, #tpu.memory_space<vmem>> -> memref<128xi32, #tpu.memory_space<vmem>>
        %dma_wait3A_166 = arith.constant 0 : i32
        %dma_wait3A_167 = arith.constant 0 : i32
        %dma_wait3A_168 = tpu.memref_slice %arg2[%dma_wait3A_166, %dma_wait3A_167] : memref<10240x128xf32, #tpu.memory_space<hbm>> -> memref<10240x128xf32, #tpu.memory_space<hbm>>
        tpu.wait_indirect_dma semaphore(%arg14 : memref<!tpu.dma_semaphore, #tpu.memory_space<semaphore_mem>>) src(%dma_wait3A_168 : memref<10240x128xf32, #tpu.memory_space<hbm>>) dst(%dma_wait3A_162 : memref<128x128xf32, #tpu.memory_space<vmem>>)
        %dma_start3A_169 = arith.constant 0 : i32
        %dma_start3A_170 = arith.constant 0 : i32
        %dma_start3A_171 = tpu.memref_slice %arg10[%rem3A_142, %dma_start3A_169, %dma_start3A_170] : memref<2x128x128xf32, #tpu.memory_space<vmem>> -> memref<1x128x128xf32, #tpu.memory_space<vmem>>
        %dma_start3A_172 = tpu.memref_squeeze %dma_start3A_171 : memref<1x128x128xf32, #tpu.memory_space<vmem>> -> memref<128x128xf32, #tpu.memory_space<vmem>>
        %dma_start3A_173 = arith.constant 0 : i32
        %dma_start3A_174 = tpu.memref_slice %arg9[%while3A_140, %dma_start3A_173] : memref<32x128xi32, #tpu.memory_space<vmem>> -> memref<1x128xi32, #tpu.memory_space<vmem>>
        %dma_start3A_175 = tpu.memref_squeeze %dma_start3A_174 : memref<1x128xi32, #tpu.memory_space<vmem>> -> memref<128xi32, #tpu.memory_space<vmem>>
        %dma_start3A_176 = arith.constant 0 : i32
        %dma_start3A_177 = arith.constant 0 : i32
        %dma_start3A_178 = tpu.memref_slice %arg12[%dma_start3A_176, %dma_start3A_177] : memref<10240x128xf32, #tpu.memory_space<vmem_shared>> -> memref<10240x128xf32, #tpu.memory_space<vmem_shared>>
        tpu.enqueue_indirect_dma source(%dma_start3A_172 : memref<128x128xf32, #tpu.memory_space<vmem>>) target(%dma_start3A_178 : memref<10240x128xf32, #tpu.memory_space<vmem_shared>>) offsets(%dma_start3A_175 : memref<128xi32, #tpu.memory_space<vmem>>) semaphore(%arg16 : memref<!tpu.dma_semaphore, #tpu.memory_space<semaphore_mem>>) {add = true}
      }
      %while3A_99 = arith.constant 0 : i32
      %while3A_100 = arith.constant 0 : i32
      %while3A_101 = arith.subi %min3A_66, %while3A_100 : i32
      %while3A_102 = arith.addi %while3A_100, %while3A_101 : i32
      %while3A_103 = arith.constant 1 : i32
      %while3A_104 = arith.divsi %while3A_101, %while3A_103 : i32
      %while3A_105 = arith.muli %while3A_104, %while3A_103 : i32
      %while3A_106 = arith.addi %while3A_100, %while3A_105 : i32
      %while3A_107 = arith.constant 1 : i32
      scf.for %while3A_140 = %while3A_100 to %while3A_106 step %while3A_107  : i32 {
        %dma_wait3A_141 = arith.constant 0 : i32
        %dma_wait3A_142 = tpu.memref_slice %arg11[%while3A_140, %dma_wait3A_141] : memref<32x128xf32, #tpu.memory_space<vmem>> -> memref<1x128xf32, #tpu.memory_space<vmem>>
        %dma_wait3A_143 = tpu.memref_squeeze %dma_wait3A_142 : memref<1x128xf32, #tpu.memory_space<vmem>> -> memref<128xf32, #tpu.memory_space<vmem>>
        %dma_wait3A_144 = arith.constant 0 : i32
        %dma_wait3A_145 = tpu.memref_slice %arg9[%while3A_140, %dma_wait3A_144] : memref<32x128xi32, #tpu.memory_space<vmem>> -> memref<1x128xi32, #tpu.memory_space<vmem>>
        %dma_wait3A_146 = tpu.memref_squeeze %dma_wait3A_145 : memref<1x128xi32, #tpu.memory_space<vmem>> -> memref<128xi32, #tpu.memory_space<vmem>>
        %dma_wait3A_147 = arith.constant 0 : i32
        %dma_wait3A_148 = tpu.memref_slice %arg5[%dma_wait3A_147] : memref<10240xf32, #tpu.memory_space<hbm>> -> memref<10240xf32, #tpu.memory_space<hbm>>
        tpu.wait_indirect_dma semaphore(%arg15 : memref<!tpu.dma_semaphore, #tpu.memory_space<semaphore_mem>>) src(%dma_wait3A_148 : memref<10240xf32, #tpu.memory_space<hbm>>) dst(%dma_wait3A_143 : memref<128xf32, #tpu.memory_space<vmem>>)
        %dma_start3A_149 = arith.constant 0 : i32
        %dma_start3A_150 = tpu.memref_slice %arg11[%while3A_140, %dma_start3A_149] : memref<32x128xf32, #tpu.memory_space<vmem>> -> memref<1x128xf32, #tpu.memory_space<vmem>>
        %dma_start3A_151 = tpu.memref_squeeze %dma_start3A_150 : memref<1x128xf32, #tpu.memory_space<vmem>> -> memref<128xf32, #tpu.memory_space<vmem>>
        %dma_start3A_152 = arith.constant 0 : i32
        %dma_start3A_153 = tpu.memref_slice %arg8[%while3A_140, %dma_start3A_152] : memref<32x128xi32, #tpu.memory_space<vmem>> -> memref<1x128xi32, #tpu.memory_space<vmem>>
        %dma_start3A_154 = tpu.memref_squeeze %dma_start3A_153 : memref<1x128xi32, #tpu.memory_space<vmem>> -> memref<128xi32, #tpu.memory_space<vmem>>
        %dma_start3A_155 = arith.constant 0 : i32
        %dma_start3A_156 = tpu.memref_slice %arg13[%dma_start3A_155] : memref<10240xf32, #tpu.memory_space<vmem_shared>> -> memref<10240xf32, #tpu.memory_space<vmem_shared>>
        tpu.enqueue_indirect_dma source(%dma_start3A_151 : memref<128xf32, #tpu.memory_space<vmem>>) target(%dma_start3A_156 : memref<10240xf32, #tpu.memory_space<vmem_shared>>) offsets(%dma_start3A_154 : memref<128xi32, #tpu.memory_space<vmem>>) semaphore(%arg17 : memref<!tpu.dma_semaphore, #tpu.memory_space<semaphore_mem>>) {add = true}
        %ge3A_157 = arith.constant 8 : i32
        %ge3A_158 = arith.cmpi sge, %while3A_140, %ge3A_157 : i32
        %convert_element_type3A_159 = arith.extui %ge3A_158 : i1 to i32
        %cond3A_160 = arith.constant 0 : i32
        %cond3A_161 = arith.cmpi ne, %convert_element_type3A_159, %cond3A_160 : i32
        scf.if %cond3A_161 {
          %sub3A_162 = arith.constant 8 : i32
          %sub3A_163 = arith.subi %while3A_140, %sub3A_162 : i32
          %dma_wait3A_164 = arith.constant 0 : i32
          %dma_wait3A_165 = tpu.memref_slice %arg11[%sub3A_163, %dma_wait3A_164] : memref<32x128xf32, #tpu.memory_space<vmem>> -> memref<1x128xf32, #tpu.memory_space<vmem>>
          %dma_wait3A_166 = tpu.memref_squeeze %dma_wait3A_165 : memref<1x128xf32, #tpu.memory_space<vmem>> -> memref<128xf32, #tpu.memory_space<vmem>>
          %dma_wait3A_167 = arith.constant 0 : i32
          %dma_wait3A_168 = tpu.memref_slice %arg8[%sub3A_163, %dma_wait3A_167] : memref<32x128xi32, #tpu.memory_space<vmem>> -> memref<1x128xi32, #tpu.memory_space<vmem>>
          %dma_wait3A_169 = tpu.memref_squeeze %dma_wait3A_168 : memref<1x128xi32, #tpu.memory_space<vmem>> -> memref<128xi32, #tpu.memory_space<vmem>>
          %dma_wait3A_170 = arith.constant 0 : i32
          %dma_wait3A_171 = tpu.memref_slice %arg13[%dma_wait3A_170] : memref<10240xf32, #tpu.memory_space<vmem_shared>> -> memref<10240xf32, #tpu.memory_space<vmem_shared>>
          tpu.wait_indirect_dma semaphore(%arg17 : memref<!tpu.dma_semaphore, #tpu.memory_space<semaphore_mem>>) src(%dma_wait3A_166 : memref<128xf32, #tpu.memory_space<vmem>>) dst(%dma_wait3A_171 : memref<10240xf32, #tpu.memory_space<vmem_shared>>)
        } else {
        }
      }
      %while3A_108 = arith.constant 1 : i32
      scf.for %while3A_140 = %while3A_106 to %while3A_102 step %while3A_108  : i32 {
        %dma_wait3A_141 = arith.constant 0 : i32
        %dma_wait3A_142 = tpu.memref_slice %arg11[%while3A_140, %dma_wait3A_141] : memref<32x128xf32, #tpu.memory_space<vmem>> -> memref<1x128xf32, #tpu.memory_space<vmem>>
        %dma_wait3A_143 = tpu.memref_squeeze %dma_wait3A_142 : memref<1x128xf32, #tpu.memory_space<vmem>> -> memref<128xf32, #tpu.memory_space<vmem>>
        %dma_wait3A_144 = arith.constant 0 : i32
        %dma_wait3A_145 = tpu.memref_slice %arg9[%while3A_140, %dma_wait3A_144] : memref<32x128xi32, #tpu.memory_space<vmem>> -> memref<1x128xi32, #tpu.memory_space<vmem>>
        %dma_wait3A_146 = tpu.memref_squeeze %dma_wait3A_145 : memref<1x128xi32, #tpu.memory_space<vmem>> -> memref<128xi32, #tpu.memory_space<vmem>>
        %dma_wait3A_147 = arith.constant 0 : i32
        %dma_wait3A_148 = tpu.memref_slice %arg5[%dma_wait3A_147] : memref<10240xf32, #tpu.memory_space<hbm>> -> memref<10240xf32, #tpu.memory_space<hbm>>
        tpu.wait_indirect_dma semaphore(%arg15 : memref<!tpu.dma_semaphore, #tpu.memory_space<semaphore_mem>>) src(%dma_wait3A_148 : memref<10240xf32, #tpu.memory_space<hbm>>) dst(%dma_wait3A_143 : memref<128xf32, #tpu.memory_space<vmem>>)
        %dma_start3A_149 = arith.constant 0 : i32
        %dma_start3A_150 = tpu.memref_slice %arg11[%while3A_140, %dma_start3A_149] : memref<32x128xf32, #tpu.memory_space<vmem>> -> memref<1x128xf32, #tpu.memory_space<vmem>>
        %dma_start3A_151 = tpu.memref_squeeze %dma_start3A_150 : memref<1x128xf32, #tpu.memory_space<vmem>> -> memref<128xf32, #tpu.memory_space<vmem>>
        %dma_start3A_152 = arith.constant 0 : i32
        %dma_start3A_153 = tpu.memref_slice %arg8[%while3A_140, %dma_start3A_152] : memref<32x128xi32, #tpu.memory_space<vmem>> -> memref<1x128xi32, #tpu.memory_space<vmem>>
        %dma_start3A_154 = tpu.memref_squeeze %dma_start3A_153 : memref<1x128xi32, #tpu.memory_space<vmem>> -> memref<128xi32, #tpu.memory_space<vmem>>
        %dma_start3A_155 = arith.constant 0 : i32
        %dma_start3A_156 = tpu.memref_slice %arg13[%dma_start3A_155] : memref<10240xf32, #tpu.memory_space<vmem_shared>> -> memref<10240xf32, #tpu.memory_space<vmem_shared>>
        tpu.enqueue_indirect_dma source(%dma_start3A_151 : memref<128xf32, #tpu.memory_space<vmem>>) target(%dma_start3A_156 : memref<10240xf32, #tpu.memory_space<vmem_shared>>) offsets(%dma_start3A_154 : memref<128xi32, #tpu.memory_space<vmem>>) semaphore(%arg17 : memref<!tpu.dma_semaphore, #tpu.memory_space<semaphore_mem>>) {add = true}
        %ge3A_157 = arith.constant 8 : i32
        %ge3A_158 = arith.cmpi sge, %while3A_140, %ge3A_157 : i32
        %convert_element_type3A_159 = arith.extui %ge3A_158 : i1 to i32
        %cond3A_160 = arith.constant 0 : i32
        %cond3A_161 = arith.cmpi ne, %convert_element_type3A_159, %cond3A_160 : i32
        scf.if %cond3A_161 {
          %sub3A_162 = arith.constant 8 : i32
          %sub3A_163 = arith.subi %while3A_140, %sub3A_162 : i32
          %dma_wait3A_164 = arith.constant 0 : i32
          %dma_wait3A_165 = tpu.memref_slice %arg11[%sub3A_163, %dma_wait3A_164] : memref<32x128xf32, #tpu.memory_space<vmem>> -> memref<1x128xf32, #tpu.memory_space<vmem>>
          %dma_wait3A_166 = tpu.memref_squeeze %dma_wait3A_165 : memref<1x128xf32, #tpu.memory_space<vmem>> -> memref<128xf32, #tpu.memory_space<vmem>>
          %dma_wait3A_167 = arith.constant 0 : i32
          %dma_wait3A_168 = tpu.memref_slice %arg8[%sub3A_163, %dma_wait3A_167] : memref<32x128xi32, #tpu.memory_space<vmem>> -> memref<1x128xi32, #tpu.memory_space<vmem>>
          %dma_wait3A_169 = tpu.memref_squeeze %dma_wait3A_168 : memref<1x128xi32, #tpu.memory_space<vmem>> -> memref<128xi32, #tpu.memory_space<vmem>>
          %dma_wait3A_170 = arith.constant 0 : i32
          %dma_wait3A_171 = tpu.memref_slice %arg13[%dma_wait3A_170] : memref<10240xf32, #tpu.memory_space<vmem_shared>> -> memref<10240xf32, #tpu.memory_space<vmem_shared>>
          tpu.wait_indirect_dma semaphore(%arg17 : memref<!tpu.dma_semaphore, #tpu.memory_space<semaphore_mem>>) src(%dma_wait3A_166 : memref<128xf32, #tpu.memory_space<vmem>>) dst(%dma_wait3A_171 : memref<10240xf32, #tpu.memory_space<vmem_shared>>)
        } else {
        }
      }
      %sub3A_109 = arith.constant 8 : i32
      %sub3A_110 = arith.subi %min3A_66, %sub3A_109 : i32
      %max3A_111 = arith.constant 0 : i32
      %max3A_112 = arith.maxsi %sub3A_110, %max3A_111 : i32
      %while3A_113 = arith.constant 0 : i32
      %while3A_114 = arith.subi %min3A_66, %max3A_112 : i32
      %while3A_115 = arith.addi %max3A_112, %while3A_114 : i32
      %while3A_116 = arith.constant 1 : i32
      %while3A_117 = arith.divsi %while3A_114, %while3A_116 : i32
      %while3A_118 = arith.muli %while3A_117, %while3A_116 : i32
      %while3A_119 = arith.addi %max3A_112, %while3A_118 : i32
      %while3A_120 = arith.constant 1 : i32
      scf.for %while3A_140 = %max3A_112 to %while3A_119 step %while3A_120  : i32 {
        %dma_wait3A_141 = arith.constant 0 : i32
        %dma_wait3A_142 = tpu.memref_slice %arg11[%while3A_140, %dma_wait3A_141] : memref<32x128xf32, #tpu.memory_space<vmem>> -> memref<1x128xf32, #tpu.memory_space<vmem>>
        %dma_wait3A_143 = tpu.memref_squeeze %dma_wait3A_142 : memref<1x128xf32, #tpu.memory_space<vmem>> -> memref<128xf32, #tpu.memory_space<vmem>>
        %dma_wait3A_144 = arith.constant 0 : i32
        %dma_wait3A_145 = tpu.memref_slice %arg8[%while3A_140, %dma_wait3A_144] : memref<32x128xi32, #tpu.memory_space<vmem>> -> memref<1x128xi32, #tpu.memory_space<vmem>>
        %dma_wait3A_146 = tpu.memref_squeeze %dma_wait3A_145 : memref<1x128xi32, #tpu.memory_space<vmem>> -> memref<128xi32, #tpu.memory_space<vmem>>
        %dma_wait3A_147 = arith.constant 0 : i32
        %dma_wait3A_148 = tpu.memref_slice %arg13[%dma_wait3A_147] : memref<10240xf32, #tpu.memory_space<vmem_shared>> -> memref<10240xf32, #tpu.memory_space<vmem_shared>>
        tpu.wait_indirect_dma semaphore(%arg17 : memref<!tpu.dma_semaphore, #tpu.memory_space<semaphore_mem>>) src(%dma_wait3A_143 : memref<128xf32, #tpu.memory_space<vmem>>) dst(%dma_wait3A_148 : memref<10240xf32, #tpu.memory_space<vmem_shared>>)
      }
      %while3A_121 = arith.constant 1 : i32
      scf.for %while3A_140 = %while3A_119 to %while3A_115 step %while3A_121  : i32 {
        %dma_wait3A_141 = arith.constant 0 : i32
        %dma_wait3A_142 = tpu.memref_slice %arg11[%while3A_140, %dma_wait3A_141] : memref<32x128xf32, #tpu.memory_space<vmem>> -> memref<1x128xf32, #tpu.memory_space<vmem>>
        %dma_wait3A_143 = tpu.memref_squeeze %dma_wait3A_142 : memref<1x128xf32, #tpu.memory_space<vmem>> -> memref<128xf32, #tpu.memory_space<vmem>>
        %dma_wait3A_144 = arith.constant 0 : i32
        %dma_wait3A_145 = tpu.memref_slice %arg8[%while3A_140, %dma_wait3A_144] : memref<32x128xi32, #tpu.memory_space<vmem>> -> memref<1x128xi32, #tpu.memory_space<vmem>>
        %dma_wait3A_146 = tpu.memref_squeeze %dma_wait3A_145 : memref<1x128xi32, #tpu.memory_space<vmem>> -> memref<128xi32, #tpu.memory_space<vmem>>
        %dma_wait3A_147 = arith.constant 0 : i32
        %dma_wait3A_148 = tpu.memref_slice %arg13[%dma_wait3A_147] : memref<10240xf32, #tpu.memory_space<vmem_shared>> -> memref<10240xf32, #tpu.memory_space<vmem_shared>>
        tpu.wait_indirect_dma semaphore(%arg17 : memref<!tpu.dma_semaphore, #tpu.memory_space<semaphore_mem>>) src(%dma_wait3A_143 : memref<128xf32, #tpu.memory_space<vmem>>) dst(%dma_wait3A_148 : memref<10240xf32, #tpu.memory_space<vmem_shared>>)
      }
      %ge3A = arith.constant 2 : i32
      %ge3A_122 = arith.cmpi sge, %min3A_66, %ge3A : i32
      %convert_element_type3A_123 = arith.extui %ge3A_122 : i1 to i32
      %cond3A_124 = arith.constant 0 : i32
      %cond3A_125 = arith.cmpi ne, %convert_element_type3A_123, %cond3A_124 : i32
      scf.if %cond3A_125 {
        %sub3A_140 = arith.constant 2 : i32
        %sub3A_141 = arith.subi %min3A_66, %sub3A_140 : i32
        %sub3A_142 = arith.constant 2 : i32
        %sub3A_143 = arith.subi %min3A_66, %sub3A_142 : i32
        %rem3A_144 = arith.constant 2 : i32
        %rem3A_145 = arith.remsi %sub3A_143, %rem3A_144 : i32
        %dma_wait3A_146 = arith.constant 0 : i32
        %dma_wait3A_147 = arith.constant 0 : i32
        %dma_wait3A_148 = tpu.memref_slice %arg10[%rem3A_145, %dma_wait3A_146, %dma_wait3A_147] : memref<2x128x128xf32, #tpu.memory_space<vmem>> -> memref<1x128x128xf32, #tpu.memory_space<vmem>>
        %dma_wait3A_149 = tpu.memref_squeeze %dma_wait3A_148 : memref<1x128x128xf32, #tpu.memory_space<vmem>> -> memref<128x128xf32, #tpu.memory_space<vmem>>
        %dma_wait3A_150 = arith.constant 0 : i32
        %dma_wait3A_151 = tpu.memref_slice %arg9[%sub3A_141, %dma_wait3A_150] : memref<32x128xi32, #tpu.memory_space<vmem>> -> memref<1x128xi32, #tpu.memory_space<vmem>>
        %dma_wait3A_152 = tpu.memref_squeeze %dma_wait3A_151 : memref<1x128xi32, #tpu.memory_space<vmem>> -> memref<128xi32, #tpu.memory_space<vmem>>
        %dma_wait3A_153 = arith.constant 0 : i32
        %dma_wait3A_154 = arith.constant 0 : i32
        %dma_wait3A_155 = tpu.memref_slice %arg12[%dma_wait3A_153, %dma_wait3A_154] : memref<10240x128xf32, #tpu.memory_space<vmem_shared>> -> memref<10240x128xf32, #tpu.memory_space<vmem_shared>>
        tpu.wait_indirect_dma semaphore(%arg16 : memref<!tpu.dma_semaphore, #tpu.memory_space<semaphore_mem>>) src(%dma_wait3A_149 : memref<128x128xf32, #tpu.memory_space<vmem>>) dst(%dma_wait3A_155 : memref<10240x128xf32, #tpu.memory_space<vmem_shared>>)
      } else {
      }
      %sub3A_126 = arith.constant 1 : i32
      %sub3A_127 = arith.subi %min3A_66, %sub3A_126 : i32
      %sub3A_128 = arith.constant 1 : i32
      %sub3A_129 = arith.subi %min3A_66, %sub3A_128 : i32
      %rem3A = arith.constant 2 : i32
      %rem3A_130 = arith.remsi %sub3A_129, %rem3A : i32
      %dma_wait3A = arith.constant 0 : i32
      %dma_wait3A_131 = arith.constant 0 : i32
      %dma_wait3A_132 = tpu.memref_slice %arg10[%rem3A_130, %dma_wait3A, %dma_wait3A_131] : memref<2x128x128xf32, #tpu.memory_space<vmem>> -> memref<1x128x128xf32, #tpu.memory_space<vmem>>
      %dma_wait3A_133 = tpu.memref_squeeze %dma_wait3A_132 : memref<1x128x128xf32, #tpu.memory_space<vmem>> -> memref<128x128xf32, #tpu.memory_space<vmem>>
      %dma_wait3A_134 = arith.constant 0 : i32
      %dma_wait3A_135 = tpu.memref_slice %arg9[%sub3A_127, %dma_wait3A_134] : memref<32x128xi32, #tpu.memory_space<vmem>> -> memref<1x128xi32, #tpu.memory_space<vmem>>
      %dma_wait3A_136 = tpu.memref_squeeze %dma_wait3A_135 : memref<1x128xi32, #tpu.memory_space<vmem>> -> memref<128xi32, #tpu.memory_space<vmem>>
      %dma_wait3A_137 = arith.constant 0 : i32
      %dma_wait3A_138 = arith.constant 0 : i32
      %dma_wait3A_139 = tpu.memref_slice %arg12[%dma_wait3A_137, %dma_wait3A_138] : memref<10240x128xf32, #tpu.memory_space<vmem_shared>> -> memref<10240x128xf32, #tpu.memory_space<vmem_shared>>
      tpu.wait_indirect_dma semaphore(%arg16 : memref<!tpu.dma_semaphore, #tpu.memory_space<semaphore_mem>>) src(%dma_wait3A_133 : memref<128x128xf32, #tpu.memory_space<vmem>>) dst(%dma_wait3A_139 : memref<10240x128xf32, #tpu.memory_space<vmem_shared>>)
    } else {
    }
    %barrier3A_72 = arith.constant 0 : index
    tpu.barrier barrier_id(%barrier3A_72)
    %mul3A_73 = arith.constant 640 : i32
    %mul3A_74 = arith.muli %arg1, %mul3A_73 : i32
    "tpu.region"() ({
      %run_scoped3A_75 = tpu.sem_alloc : memref<!tpu.dma_semaphore, #tpu.memory_space<semaphore_mem>>
      %dma_start3A = arith.constant 0 : i32
      %dma_start3A_76 = tpu.memref_slice %arg6[%arg0, %mul3A_74, %dma_start3A] : memref<2x10240x128xf32, #tpu.memory_space<hbm>> -> memref<1x640x128xf32, #tpu.memory_space<hbm>>
      %dma_start3A_77 = tpu.memref_squeeze %dma_start3A_76 : memref<1x640x128xf32, #tpu.memory_space<hbm>> -> memref<640x128xf32, #tpu.memory_space<hbm>>
      %dma_start3A_78 = arith.constant 0 : i32
      %dma_start3A_79 = tpu.memref_slice %arg12[%mul3A_74, %dma_start3A_78] : memref<10240x128xf32, #tpu.memory_space<vmem_shared>> -> memref<640x128xf32, #tpu.memory_space<vmem_shared>>
      tpu.enqueue_dma source(%dma_start3A_79 : memref<640x128xf32, #tpu.memory_space<vmem_shared>>) target(%dma_start3A_77 : memref<640x128xf32, #tpu.memory_space<hbm>>) target_semaphore(%run_scoped3A_75 : memref<!tpu.dma_semaphore, #tpu.memory_space<semaphore_mem>>)
      %dma_wait3A = arith.constant 0 : i32
      %dma_wait3A_80 = tpu.memref_slice %arg6[%arg0, %mul3A_74, %dma_wait3A] : memref<2x10240x128xf32, #tpu.memory_space<hbm>> -> memref<1x640x128xf32, #tpu.memory_space<hbm>>
      %dma_wait3A_81 = tpu.memref_squeeze %dma_wait3A_80 : memref<1x640x128xf32, #tpu.memory_space<hbm>> -> memref<640x128xf32, #tpu.memory_space<hbm>>
      %dma_wait3A_82 = arith.constant 0 : i32
      %dma_wait3A_83 = tpu.memref_slice %arg12[%mul3A_74, %dma_wait3A_82] : memref<10240x128xf32, #tpu.memory_space<vmem_shared>> -> memref<640x128xf32, #tpu.memory_space<vmem_shared>>
      tpu.wait_dma2 semaphore(%run_scoped3A_75 : memref<!tpu.dma_semaphore, #tpu.memory_space<semaphore_mem>>) src(%dma_wait3A_83 : memref<640x128xf32, #tpu.memory_space<vmem_shared>>) dst(%dma_wait3A_81 : memref<640x128xf32, #tpu.memory_space<hbm>>)
      tpu.yield
    }) : () -> ()
    "tpu.region"() ({
      %run_scoped3A_75 = tpu.sem_alloc : memref<!tpu.dma_semaphore, #tpu.memory_space<semaphore_mem>>
      %dma_start3A = tpu.memref_slice %arg7[%arg0, %mul3A_74] : memref<2x10240xf32, #tpu.memory_space<hbm>> -> memref<1x640xf32, #tpu.memory_space<hbm>>
      %dma_start3A_76 = tpu.memref_squeeze %dma_start3A : memref<1x640xf32, #tpu.memory_space<hbm>> -> memref<640xf32, #tpu.memory_space<hbm>>
      %dma_start3A_77 = tpu.memref_slice %arg13[%mul3A_74] : memref<10240xf32, #tpu.memory_space<vmem_shared>> -> memref<640xf32, #tpu.memory_space<vmem_shared>>
      tpu.enqueue_dma source(%dma_start3A_77 : memref<640xf32, #tpu.memory_space<vmem_shared>>) target(%dma_start3A_76 : memref<640xf32, #tpu.memory_space<hbm>>) target_semaphore(%run_scoped3A_75 : memref<!tpu.dma_semaphore, #tpu.memory_space<semaphore_mem>>)
      %dma_wait3A = tpu.memref_slice %arg7[%arg0, %mul3A_74] : memref<2x10240xf32, #tpu.memory_space<hbm>> -> memref<1x640xf32, #tpu.memory_space<hbm>>
      %dma_wait3A_78 = tpu.memref_squeeze %dma_wait3A : memref<1x640xf32, #tpu.memory_space<hbm>> -> memref<640xf32, #tpu.memory_space<hbm>>
      %dma_wait3A_79 = tpu.memref_slice %arg13[%mul3A_74] : memref<10240xf32, #tpu.memory_space<vmem_shared>> -> memref<640xf32, #tpu.memory_space<vmem_shared>>
      tpu.wait_dma2 semaphore(%run_scoped3A_75 : memref<!tpu.dma_semaphore, #tpu.memory_space<semaphore_mem>>) src(%dma_wait3A_79 : memref<640xf32, #tpu.memory_space<vmem_shared>>) dst(%dma_wait3A_78 : memref<640xf32, #tpu.memory_space<hbm>>)
      tpu.yield
    }) : () -> ()
    return
  }
}

module attributes {stable_mosaic.version = 14 : i64} {
  func.func @body(%arg0: i32, %arg1: memref<1024x128xf32, #tpu.memory_space<vmem>>, %arg2: memref<128x128xf32, #tpu.memory_space<vmem>>, %arg3: memref<1024x128xf32, #tpu.memory_space<vmem>>) attributes {dimension_semantics = [#tpu.dimension_semantics<arbitrary>], iteration_bounds = array<i64: 10>, scalar_prefetch = 0 : i64, scratch_operands = 0 : i64, tpu.core_type = #tpu.core_type<tc>, window_params = [{transform_indices = @transform_0, window_bounds = array<i64: 1024, 128>}, {pipeline_mode = #tpu.pipeline_mode<synchronous>, transform_indices = @transform_1, window_bounds = array<i64: 128, 128>}, {transform_indices = @transform_2, window_bounds = array<i64: 1024, 128>}]} {
    %get3A = arith.constant 0 : index
    %get3A_0 = arith.constant 0 : index
    %get3A_1 = vector.load %arg1[%get3A, %get3A_0] : memref<1024x128xf32, #tpu.memory_space<vmem>>, vector<1024x128xf32>
    %get3A_2 = arith.constant 0 : index
    %get3A_3 = arith.constant 0 : index
    %get3A_4 = vector.load %arg2[%get3A_2, %get3A_3] : memref<128x128xf32, #tpu.memory_space<vmem>>, vector<128x128xf32>
    %dot_general3A = arith.constant dense<0.000000e+00> : vector<1024x128xf32>
    %dot_general3A_5 = tpu.matmul %get3A_1, %get3A_4, %dot_general3A {dimension_numbers = #tpu.dot_dimension_numbers<[1], [0], [0], [1], [0, 0, 1, 1], [], []>, precision = #tpu.contract_precision<fp32>, transpose_lhs_hint = false} : vector<1024x128xf32>, vector<128x128xf32>, vector<1024x128xf32> -> vector<1024x128xf32>
    %swap3A = arith.constant 0 : index
    %swap3A_6 = arith.constant 0 : index
    %swap3A_7 = vector.load %arg3[%swap3A, %swap3A_6] : memref<1024x128xf32, #tpu.memory_space<vmem>>, vector<1024x128xf32>
    tpu.vector_store %arg3[%swap3A, %swap3A_6], %dot_general3A_5 {strides = array<i32>} : memref<1024x128xf32, #tpu.memory_space<vmem>>, vector<1024x128xf32>,
    return
  }
  func.func @transform_0(%arg0: i32) -> (i32, i32) {
    %c0_i32 = arith.constant 0 : i32
    %c0_i32_0 = arith.constant 0 : i32
    return %arg0, %c0_i32 : i32, i32
  }
  func.func @transform_1(%arg0: i32) -> (i32, i32) {
    %c0_i32 = arith.constant 0 : i32
    %c0_i32_0 = arith.constant 0 : i32
    %c0_i32_1 = arith.constant 0 : i32
    return %c0_i32, %c0_i32_0 : i32, i32
  }
  func.func @transform_2(%arg0: i32) -> (i32, i32) {
    %c0_i32 = arith.constant 0 : i32
    %c0_i32_0 = arith.constant 0 : i32
    return %arg0, %c0_i32 : i32, i32
  }
}

module attributes {stable_mosaic.version = 14 : i64} {
  func.func @body(%arg0: i32, %arg1: memref<1024x128xf32, #tpu.memory_space<vmem>>, %arg2: memref<1024x4xf32, #tpu.memory_space<vmem>>, %arg3: memref<1024x128xf32, #tpu.memory_space<vmem>>, %arg4: memref<1024x2xf32, #tpu.memory_space<vmem>>) attributes {dimension_semantics = [#tpu.dimension_semantics<arbitrary>], iteration_bounds = array<i64: 10>, scalar_prefetch = 0 : i64, scratch_operands = 0 : i64, tpu.core_type = #tpu.core_type<tc>, window_params = [{transform_indices = @transform_0, window_bounds = array<i64: 1024, 128>}, {transform_indices = @transform_1, window_bounds = array<i64: 1024, 4>}, {transform_indices = @transform_2, window_bounds = array<i64: 1024, 128>}, {transform_indices = @transform_3, window_bounds = array<i64: 1024, 2>}]} {
    %get3A = arith.constant 0 : index
    %get3A_0 = arith.constant 0 : index
    %get3A_1 = vector.load %arg2[%get3A, %get3A_0] : memref<1024x4xf32, #tpu.memory_space<vmem>>, vector<1024x4xf32>
    %slice3A = vector.extract_strided_slice %get3A_1 {offsets = [0, 0], sizes = [1024, 1], strides = [1, 1]} : vector<1024x4xf32> to vector<1024x1xf32>
    %slice3A_2 = vector.extract_strided_slice %get3A_1 {offsets = [0, 2], sizes = [1024, 1], strides = [1, 1]} : vector<1024x4xf32> to vector<1024x1xf32>
    %add3A = arith.addf %slice3A, %slice3A_2 : vector<1024x1xf32>
    %add3A_3 = arith.constant 1.000000e+00 : f32
    %add3A_4 = vector.broadcast %add3A_3 : f32 to vector<1024x1xf32>
    %add3A_5 = arith.addf %add3A, %add3A_4 : vector<1024x1xf32>
    %slice3A_6 = vector.extract_strided_slice %get3A_1 {offsets = [0, 1], sizes = [1024, 1], strides = [1, 1]} : vector<1024x4xf32> to vector<1024x1xf32>
    %slice3A_7 = vector.extract_strided_slice %get3A_1 {offsets = [0, 3], sizes = [1024, 1], strides = [1, 1]} : vector<1024x4xf32> to vector<1024x1xf32>
    %add3A_8 = arith.addf %slice3A_6, %slice3A_7 : vector<1024x1xf32>
    %add3A_9 = arith.constant 1.000000e+00 : f32
    %add3A_10 = vector.broadcast %add3A_9 : f32 to vector<1024x1xf32>
    %add3A_11 = arith.addf %add3A_8, %add3A_10 : vector<1024x1xf32>
    %rsqrt3A = math.rsqrt %add3A_5 : vector<1024x1xf32>
    %rsqrt3A_12 = math.rsqrt %add3A_11 : vector<1024x1xf32>
    %get3A_13 = arith.constant 0 : index
    %get3A_14 = arith.constant 0 : index
    %get3A_15 = vector.load %arg1[%get3A_13, %get3A_14] : memref<1024x128xf32, #tpu.memory_space<vmem>>, vector<1024x128xf32>
    %mul3A = vector.broadcast %rsqrt3A : vector<1024x1xf32> to vector<1024x128xf32>
    %mul3A_16 = arith.mulf %get3A_15, %mul3A : vector<1024x128xf32>
    %swap3A = arith.constant 0 : index
    %swap3A_17 = arith.constant 0 : index
    %swap3A_18 = vector.load %arg3[%swap3A, %swap3A_17] : memref<1024x128xf32, #tpu.memory_space<vmem>>, vector<1024x128xf32>
    tpu.vector_store %arg3[%swap3A, %swap3A_17], %mul3A_16 {strides = array<i32>} : memref<1024x128xf32, #tpu.memory_space<vmem>>, vector<1024x128xf32>,
    %swap3A_19 = arith.constant 0 : index
    %swap3A_20 = arith.constant 0 : index
    %swap3A_21 = vector.load %arg4[%swap3A_19, %swap3A_20] : memref<1024x2xf32, #tpu.memory_space<vmem>>, vector<1024x1xf32>
    tpu.vector_store %arg4[%swap3A_19, %swap3A_20], %rsqrt3A {strides = array<i32>} : memref<1024x2xf32, #tpu.memory_space<vmem>>, vector<1024x1xf32>,
    %swap3A_22 = arith.constant 0 : index
    %swap3A_23 = arith.constant 1 : index
    %swap3A_24 = vector.load %arg4[%swap3A_22, %swap3A_23] : memref<1024x2xf32, #tpu.memory_space<vmem>>, vector<1024x1xf32>
    tpu.vector_store %arg4[%swap3A_22, %swap3A_23], %rsqrt3A_12 {strides = array<i32>} : memref<1024x2xf32, #tpu.memory_space<vmem>>, vector<1024x1xf32>,
    return
  }
  func.func @transform_0(%arg0: i32) -> (i32, i32) {
    %c0_i32 = arith.constant 0 : i32
    %c0_i32_0 = arith.constant 0 : i32
    return %arg0, %c0_i32 : i32, i32
  }
  func.func @transform_1(%arg0: i32) -> (i32, i32) {
    %c0_i32 = arith.constant 0 : i32
    %c0_i32_0 = arith.constant 0 : i32
    return %arg0, %c0_i32 : i32, i32
  }
  func.func @transform_2(%arg0: i32) -> (i32, i32) {
    %c0_i32 = arith.constant 0 : i32
    %c0_i32_0 = arith.constant 0 : i32
    return %arg0, %c0_i32 : i32, i32
  }
  func.func @transform_3(%arg0: i32) -> (i32, i32) {
    %c0_i32 = arith.constant 0 : i32
    %c0_i32_0 = arith.constant 0 : i32
    return %arg0, %c0_i32 : i32, i32
  }
}

module attributes {stable_mosaic.version = 14 : i64} {
  func.func @body(%arg0: i32, %arg1: memref<1x1024x128xf32, #tpu.memory_space<vmem>>, %arg2: memref<1x1024x128xf32, #tpu.memory_space<vmem>>, %arg3: memref<1024x128xf32, #tpu.memory_space<vmem>>, %arg4: memref<2x1024xf32, #tpu.memory_space<vmem>>, %arg5: memref<2x1024xf32, #tpu.memory_space<vmem>>, %arg6: memref<128x128xf32, #tpu.memory_space<vmem>>, %arg7: memref<128x1xf32, #tpu.memory_space<vmem>>, %arg8: memref<1x1xf32, #tpu.memory_space<vmem>>, %arg9: memref<1x128xf32, #tpu.memory_space<vmem>>) attributes {dimension_semantics = [#tpu.dimension_semantics<arbitrary>], iteration_bounds = array<i64: 10>, scalar_prefetch = 0 : i64, scratch_operands = 1 : i64, tpu.core_type = #tpu.core_type<tc>, window_params = [{transform_indices = @transform_0, window_bounds = array<i64: 1, 1024, 128>}, {transform_indices = @transform_1, window_bounds = array<i64: 1, 1024, 128>}, {transform_indices = @transform_2, window_bounds = array<i64: 1024, 128>}, {transform_indices = @transform_3, window_bounds = array<i64: 2, 1024>}, {transform_indices = @transform_4, window_bounds = array<i64: 2, 1024>}, {pipeline_mode = #tpu.pipeline_mode<synchronous>, transform_indices = @transform_5, window_bounds = array<i64: 128, 128>}, {pipeline_mode = #tpu.pipeline_mode<synchronous>, transform_indices = @transform_6, window_bounds = array<i64: 128, 1>}, {pipeline_mode = #tpu.pipeline_mode<synchronous>, transform_indices = @transform_7, window_bounds = array<i64: 1, 1>}]} {
    %get3A = arith.constant 0 : index
    %get3A_0 = arith.constant 0 : index
    %get3A_1 = arith.constant 0 : index
    %get3A_2 = vector.load %arg1[%get3A, %get3A_0, %get3A_1] : memref<1x1024x128xf32, #tpu.memory_space<vmem>>, vector<1x1024x128xf32>
    %get3A_3 = vector.shape_cast %get3A_2 : vector<1x1024x128xf32> to vector<1024x128xf32>
    %get3A_4 = arith.constant 0 : index
    %get3A_5 = arith.constant 0 : index
    %get3A_6 = arith.constant 0 : index
    %get3A_7 = vector.load %arg2[%get3A_4, %get3A_5, %get3A_6] : memref<1x1024x128xf32, #tpu.memory_space<vmem>>, vector<1x1024x128xf32>
    %get3A_8 = vector.shape_cast %get3A_7 : vector<1x1024x128xf32> to vector<1024x128xf32>
    %add3A = arith.addf %get3A_3, %get3A_8 : vector<1024x128xf32>
    %get3A_9 = arith.constant 0 : index
    %get3A_10 = arith.constant 0 : index
    %get3A_11 = vector.load %arg3[%get3A_9, %get3A_10] : memref<1024x128xf32, #tpu.memory_space<vmem>>, vector<1024x128xf32>
    %add3A_12 = arith.addf %add3A, %get3A_11 : vector<1024x128xf32>
    %max3A = arith.constant 0.000000e+00 : f32
    %max3A_13 = vector.broadcast %max3A : f32 to vector<1024x128xf32>
    %max3A_14 = arith.maximumf %add3A_12, %max3A_13 : vector<1024x128xf32>
    %get3A_15 = arith.constant 0 : index
    %get3A_16 = arith.constant 0 : index
    %get3A_17 = vector.load %arg5[%get3A_15, %get3A_16] : memref<2x1024xf32, #tpu.memory_space<vmem>>, vector<1x1024xf32>
    %get3A_18 = arith.constant 1 : index
    %get3A_19 = arith.constant 0 : index
    %get3A_20 = vector.load %arg5[%get3A_18, %get3A_19] : memref<2x1024xf32, #tpu.memory_space<vmem>>, vector<1x1024xf32>
    %get3A_21 = arith.constant 0 : index
    %get3A_22 = arith.constant 0 : index
    %get3A_23 = vector.load %arg4[%get3A_21, %get3A_22] : memref<2x1024xf32, #tpu.memory_space<vmem>>, vector<1x1024xf32>
    %get3A_24 = arith.constant 1 : index
    %get3A_25 = arith.constant 0 : index
    %get3A_26 = vector.load %arg4[%get3A_24, %get3A_25] : memref<2x1024xf32, #tpu.memory_space<vmem>>, vector<1x1024xf32>
    %add3A_27 = arith.addf %get3A_23, %get3A_26 : vector<1x1024xf32>
    %add3A_28 = arith.addf %add3A_27, %get3A_20 : vector<1x1024xf32>
    %mul3A = arith.mulf %get3A_17, %add3A_28 : vector<1x1024xf32>
    %mul3A_29 = arith.mulf %mul3A, %get3A_20 : vector<1x1024xf32>
    %dot_general3A = arith.constant dense<0.000000e+00> : vector<1x128xf32>
    %dot_general3A_30 = tpu.matmul %mul3A_29, %max3A_14, %dot_general3A {dimension_numbers = #tpu.dot_dimension_numbers<[1], [0], [0], [1], [0, 0, 1, 1], [], []>, precision = #tpu.contract_precision<fp32>, transpose_lhs_hint = false} : vector<1x1024xf32>, vector<1024x128xf32>, vector<1x128xf32> -> vector<1x128xf32>
    %eq3A = arith.constant 0 : i32
    %eq3A_31 = arith.cmpi eq, %arg0, %eq3A : i32
    %convert_element_type3A = arith.extui %eq3A_31 : i1 to i32
    %cond3A = arith.constant 0 : i32
    %cond3A_32 = arith.cmpi ne, %convert_element_type3A, %cond3A : i32
    scf.if %cond3A_32 {
      %swap3A = arith.constant 0 : index
      %swap3A_42 = arith.constant 0 : index
      %swap3A_43 = vector.load %arg9[%swap3A, %swap3A_42] : memref<1x128xf32, #tpu.memory_space<vmem>>, vector<1x128xf32>
      tpu.vector_store %arg9[%swap3A, %swap3A_42], %dot_general3A_30 {strides = array<i32>} : memref<1x128xf32, #tpu.memory_space<vmem>>, vector<1x128xf32>,
    } else {
    }
    %gt3A = arith.constant 0 : i32
    %gt3A_33 = arith.cmpi sgt, %arg0, %gt3A : i32
    %convert_element_type3A_34 = arith.extui %gt3A_33 : i1 to i32
    %cond3A_35 = arith.constant 0 : i32
    %cond3A_36 = arith.cmpi ne, %convert_element_type3A_34, %cond3A_35 : i32
    scf.if %cond3A_36 {
      %get3A_42 = arith.constant 0 : index
      %get3A_43 = arith.constant 0 : index
      %get3A_44 = vector.load %arg9[%get3A_42, %get3A_43] : memref<1x128xf32, #tpu.memory_space<vmem>>, vector<1x128xf32>
      %add3A_45 = arith.addf %get3A_44, %dot_general3A_30 : vector<1x128xf32>
      %swap3A = arith.constant 0 : index
      %swap3A_46 = arith.constant 0 : index
      %swap3A_47 = vector.load %arg9[%swap3A, %swap3A_46] : memref<1x128xf32, #tpu.memory_space<vmem>>, vector<1x128xf32>
      tpu.vector_store %arg9[%swap3A, %swap3A_46], %add3A_45 {strides = array<i32>} : memref<1x128xf32, #tpu.memory_space<vmem>>, vector<1x128xf32>,
    } else {
    }
    %eq3A_37 = arith.constant 9 : i32
    %eq3A_38 = arith.cmpi eq, %arg0, %eq3A_37 : i32
    %convert_element_type3A_39 = arith.extui %eq3A_38 : i1 to i32
    %cond3A_40 = arith.constant 0 : i32
    %cond3A_41 = arith.cmpi ne, %convert_element_type3A_39, %cond3A_40 : i32
    scf.if %cond3A_41 {
      %get3A_42 = arith.constant 0 : index
      %get3A_43 = arith.constant 0 : index
      %get3A_44 = vector.load %arg6[%get3A_42, %get3A_43] : memref<128x128xf32, #tpu.memory_space<vmem>>, vector<128x128xf32>
      %get3A_45 = arith.constant 0 : index
      %get3A_46 = arith.constant 0 : index
      %get3A_47 = vector.load %arg7[%get3A_45, %get3A_46] : memref<128x1xf32, #tpu.memory_space<vmem>>, vector<128x1xf32>
      %dot_general3A_48 = arith.constant dense<0.000000e+00> : vector<128x1xf32>
      %dot_general3A_49 = tpu.matmul %get3A_44, %get3A_47, %dot_general3A_48 {dimension_numbers = #tpu.dot_dimension_numbers<[1], [0], [0], [1], [0, 0, 1, 1], [], []>, precision = #tpu.contract_precision<fp32>, transpose_lhs_hint = false} : vector<128x128xf32>, vector<128x1xf32>, vector<128x1xf32> -> vector<128x1xf32>
      %get3A_50 = arith.constant 0 : index
      %get3A_51 = arith.constant 0 : index
      %get3A_52 = vector.load %arg9[%get3A_50, %get3A_51] : memref<1x128xf32, #tpu.memory_space<vmem>>, vector<1x128xf32>
      %dot_general3A_53 = arith.constant dense<0.000000e+00> : vector<1x1xf32>
      %dot_general3A_54 = tpu.matmul %get3A_52, %dot_general3A_49, %dot_general3A_53 {dimension_numbers = #tpu.dot_dimension_numbers<[1], [0], [0], [1], [0, 0, 1, 1], [], []>, precision = #tpu.contract_precision<fp32>, transpose_lhs_hint = false} : vector<1x128xf32>, vector<128x1xf32>, vector<1x1xf32> -> vector<1x1xf32>
      %mul3A_55 = arith.constant 9.99999974E-5 : f32
      %mul3A_56 = vector.broadcast %mul3A_55 : f32 to vector<1x1xf32>
      %mul3A_57 = arith.mulf %dot_general3A_54, %mul3A_56 : vector<1x1xf32>
      %logistic3A = arith.negf %mul3A_57 : vector<1x1xf32>
      %logistic3A_58 = math.exp %logistic3A : vector<1x1xf32>
      %logistic3A_59 = arith.constant 1.000000e+00 : f32
      %logistic3A_60 = vector.broadcast %logistic3A_59 : f32 to vector<1x1xf32>
      %logistic3A_61 = arith.addf %logistic3A_60, %logistic3A_58 : vector<1x1xf32>
      %logistic3A_62 = arith.divf %logistic3A_60, %logistic3A_61 : vector<1x1xf32>
      %swap3A = arith.constant 0 : index
      %swap3A_63 = arith.constant 0 : index
      %swap3A_64 = vector.load %arg8[%swap3A, %swap3A_63] : memref<1x1xf32, #tpu.memory_space<vmem>>, vector<1x1xf32>
      tpu.vector_store %arg8[%swap3A, %swap3A_63], %logistic3A_62 {strides = array<i32>} : memref<1x1xf32, #tpu.memory_space<vmem>>, vector<1x1xf32>,
    } else {
    }
    return
  }
  func.func @transform_0(%arg0: i32) -> (i32, i32, i32) {
    %c0_i32 = arith.constant 0 : i32
    %c0_i32_0 = arith.constant 0 : i32
    %c0_i32_1 = arith.constant 0 : i32
    return %c0_i32, %arg0, %c0_i32_0 : i32, i32, i32
  }
  func.func @transform_1(%arg0: i32) -> (i32, i32, i32) {
    %c1_i32 = arith.constant 1 : i32
    %c0_i32 = arith.constant 0 : i32
    %c0_i32_0 = arith.constant 0 : i32
    return %c1_i32, %arg0, %c0_i32 : i32, i32, i32
  }
  func.func @transform_2(%arg0: i32) -> (i32, i32) {
    %c0_i32 = arith.constant 0 : i32
    %c0_i32_0 = arith.constant 0 : i32
    return %arg0, %c0_i32 : i32, i32
  }
  func.func @transform_3(%arg0: i32) -> (i32, i32) {
    %c0_i32 = arith.constant 0 : i32
    %c0_i32_0 = arith.constant 0 : i32
    return %c0_i32, %arg0 : i32, i32
  }
  func.func @transform_4(%arg0: i32) -> (i32, i32) {
    %c0_i32 = arith.constant 0 : i32
    %c0_i32_0 = arith.constant 0 : i32
    return %c0_i32, %arg0 : i32, i32
  }
  func.func @transform_5(%arg0: i32) -> (i32, i32) {
    %c0_i32 = arith.constant 0 : i32
    %c0_i32_0 = arith.constant 0 : i32
    %c0_i32_1 = arith.constant 0 : i32
    return %c0_i32, %c0_i32_0 : i32, i32
  }
  func.func @transform_6(%arg0: i32) -> (i32, i32) {
    %c0_i32 = arith.constant 0 : i32
    %c0_i32_0 = arith.constant 0 : i32
    %c0_i32_1 = arith.constant 0 : i32
    return %c0_i32, %c0_i32_0 : i32, i32
  }
  func.func @transform_7(%arg0: i32) -> (i32, i32) {
    %c0_i32 = arith.constant 0 : i32
    %c0_i32_0 = arith.constant 0 : i32
    %c0_i32_1 = arith.constant 0 : i32
    return %c0_i32, %c0_i32_0 : i32, i32
  }
}

</mosaic_0001>

<sc_bundles>
// kernel: kernel.10.cloned.1.call-start
scs
__scs_entry_jumppad:
0x0: {  	(pc) =	sbr.rel $0x88, $3  }
0x1: {  	(tag) =	ssettag $0x0;
	lr =	simm.s32 $0x1  }
0x2: {  	[smem:$0x3F9C] =	sst lr;
	_ =	strace $0xD0000000  }
0x3: {  	_ = 	snop  }
0x4: {  	_ = 	snop  }
0x5: {  	_ = 	snop  }
0x6: {  	_ = 	snop  }
0x7: {  	_ = 	snop  }
__scs_overlays_trampoline_lowered:
0x8: {  	[smem:$0x3FAB] =	sst s0  }
0x9: {  	[smem:$0x3FAC] =	sst s1  }
0xa: {  	[smem:$0x3FAD] =	sst s2  }
0xb: {  	[smem:$0x3FAE] =	sst s3  }
0xc: {  	[smem:$0x3FAF] =	sst s4  }
0xd: {  	[smem:$0x3FB0] =	sst s5  }
0xe: {  	[smem:$0x3FB1] =	sst s6  }
0xf: {  	[smem:$0x3FB2] =	sst s7  }
0x10: {  	[smem:$0x3FB3] =	sst s8  }
0x11: {  	[smem:$0x3FB4] =	sst s9;
	s0 =	simm.s32 @!p0 $0x0  }
0x12: {  	s1 =	sld [smem:$0x3F9A];
	s0 =	simm.s32 @p0 $0x1  }
0x13: {  	[smem:$0x3FB5] =	sst s0;
	s0 =	simm.s32 @!p1 $0x0  }
0x14: {  	s2 =	sld [smem:$0x3F99];
	s0 =	simm.s32 @p1 $0x1  }
0x15: {  	[smem:$0x3FB6] =	sst s0;
	s0 =	simm.s32 @!p2 $0x0  }
0x16: {  	s3 =	sld [smem:$0x3FDB];
	s0 =	simm.s32 @p2 $0x1  }
0x17: {  	s4 =	simm.s32 $0x1BF5;
	[smem:$0x3FB8] =	sst s0  }
0x18: {  	s0 =	sld [smem:$0x3F9B];
	_ =	swait.ge [sflag:s4], $0x0  }
0x19: {  	s7 =	sld [smem:$0x3F9C]  }
0x1a: {  	s8 =	sadd.s32 $0xFFFFE003, lr  }
0x1b: {  	s9 =	sadd.s32 $0xFFFFFEF7, lr;
	s5 =	simm.s32 $0xFFFFFFFF;
	p2 =	slt.u32 s8, $0xFFFFF086  }
0x1c: {  	p1 =	slt.u32 s9, $0xF7A;
	s5 =	simm.s32 @!p2 $0x0  }
0x1d: {  	s5 =	simm.s32 @p1 $0x1;
	p0 =	seq.s32 s7, s2  }
0x1e: {  	s7 =	smul.u32 @!p0 $0xF7A, s2;
	p2 =	seq.s32 @!p0 s5, $0x0  }
0x1f: {  	s9 =	smul.u32 $0xF7A, s1;
	s8 =	simm.s32 @!p0 $0x1BF5;
	p2 =	por !p2, p0  }
0x20: {  	[sflag:s8] =	ssyncset.s32 @!p0 $0xFFFFF086;
	s6 =	sadd.s32 @!p0 s3, s7;
	s7 =	simm.s32 @!p0 $0x108  }
0x21: {  	s3 =	sadd.s32 s3, s9;
	s6 =	sadd.s32 @!p0 $0x88, s6;
	s7 =	simm.s32 @p2 $0x1082  }
0x22: {  	[simem:s7], [sflag:s8] =	dma.local @!p0 [hbm:s6], $0xF7A  }
0x23: {  	s9 =	sor.u32 $0xD0000000, s2;
	s6 =	simm.s32 $0x108;
	_ =	swait.ge @!p0 [sflag:s8], $0x0  }
0x24: {  	s3 =	sadd.s32 $0x88, s3;
	s6 =	simm.s32 @!p1 $0x1082;
	[sflag:s4] =	ssyncset.s32 $0xFFFFF086  }
0x25: {  	[simem:s6], [sflag:s4] =	dma.local [hbm:s3], $0xF7A  }
0x26: {  	[smem:$0x3F9C] =	sst s1;
	(tag) =	ssettag s2;
	_ =	strace s9  }
0x27: {  	s1 =	sld [smem:$0x3FAC]  }
0x28: {  	s2 =	sld [smem:$0x3FAD]  }
0x29: {  	s4 =	sld [smem:$0x3FAF]  }
0x2a: {  	p0 =	seq.s32 s5, $0x0;
	s5 =	sld [smem:$0x3FB0]  }
0x2b: {  	s6 =	sld [smem:$0x3FB1]  }
0x2c: {  	s7 =	sld [smem:$0x3FB2]  }
0x2d: {  	s3 =	simm.s32 $0x108;
	s8 =	sld [smem:$0x3FB3]  }
0x2e: {  	s3 =	simm.s32 @!p0 $0x1082;
	s9 =	sld [smem:$0x3FB4]  }
0x2f: {  	lr =	sadd.s32 s0, s3;
	s0 =	sld [smem:$0x3FAB]  }
0x30: {  	s3 =	sld [smem:$0x3FAE]  }
0x31: {  	[smem:$0x3FB7] =	sst s10  }
0x32: {  	s10 =	sld [smem:$0x3FB5];
	_ =	sdelay $0x3  }
0x33: {  	p0 =	seq.s32 s10, $0x1;
	s10 =	sld [smem:$0x3FB7];
	_ =	sdelay $0x3  }
0x34: {  	[smem:$0x3FB7] =	sst s10  }
0x35: {  	s10 =	sld [smem:$0x3FB6];
	_ =	sdelay $0x3  }
0x36: {  	p1 =	seq.s32 s10, $0x1;
	s10 =	sld [smem:$0x3FB7];
	_ =	sdelay $0x3  }
0x37: {  	[smem:$0x3FB7] =	sst s10  }
0x38: {  	s10 =	sld [smem:$0x3FB8]  }
0x39: {  	_ = 	snop;
	(pc) =	sbr.ind lr, $3  }
0x3a: {  	_ = 	snop  }
0x3b: {  	_ = 	snop  }
0x3c: {  	p2 =	seq.s32 s10, $0x1;
	s10 =	sld [smem:$0x3FB7]  }
0x3d: {  	_ =	shalt  }
0x3e: {  	_ =	shalt  }
0x3f: {  	_ =	shalt  }
0x40: {  	_ =	shalt  }
0x41: {  	_ =	shalt  }
0x42: {  	_ =	shalt  }
0x43: {  	_ =	shalt  }
0x44: {  	_ =	shalt  }
0x45: {  	_ =	shalt  }
0x46: {  	_ =	shalt  }
0x47: {  	_ =	shalt  }
0x48: {  	_ =	shalt  }
0x49: {  	_ =	shalt  }
0x4a: {  	_ =	shalt  }
0x4b: {  	_ =	shalt  }
0x4c: {  	_ =	shalt  }
0x4d: {  	_ =	shalt  }
0x4e: {  	_ =	shalt  }
0x4f: {  	_ =	shalt  }
0x50: {  	_ =	shalt  }
0x51: {  	_ =	shalt  }
0x52: {  	_ =	shalt  }
0x53: {  	_ =	shalt  }
0x54: {  	_ =	shalt  }
0x55: {  	_ =	shalt  }
0x56: {  	_ =	shalt  }
0x57: {  	_ =	shalt  }
0x58: {  	_ =	shalt  }
0x59: {  	_ =	shalt  }
0x5a: {  	_ =	shalt  }
0x5b: {  	_ =	shalt  }
0x5c: {  	_ =	shalt  }
0x5d: {  	_ =	shalt  }
0x5e: {  	_ =	shalt  }
0x5f: {  	_ =	shalt  }
0x60: {  	_ =	shalt  }
0x61: {  	_ =	shalt  }
0x62: {  	_ =	shalt  }
0x63: {  	_ =	shalt  }
0x64: {  	_ =	shalt  }
0x65: {  	_ =	shalt  }
0x66: {  	_ =	shalt  }
0x67: {  	_ =	shalt  }
0x68: {  	_ =	shalt  }
0x69: {  	_ =	shalt  }
0x6a: {  	_ =	shalt  }
0x6b: {  	_ =	shalt  }
0x6c: {  	_ =	shalt  }
0x6d: {  	_ =	shalt  }
0x6e: {  	_ =	shalt  }
0x6f: {  	_ =	shalt  }
0x70: {  	_ =	shalt  }
0x71: {  	_ =	shalt  }
0x72: {  	_ =	shalt  }
0x73: {  	_ =	shalt  }
0x74: {  	_ =	shalt  }
0x75: {  	_ =	shalt  }
0x76: {  	_ =	shalt  }
0x77: {  	_ =	shalt  }
0x78: {  	_ =	shalt  }
0x79: {  	_ =	shalt  }
0x7a: {  	_ =	shalt  }
0x7b: {  	_ =	shalt  }
0x7c: {  	_ =	shalt  }
0x7d: {  	_ =	shalt  }
0x7e: {  	_ =	shalt  }
0x7f: {  	_ =	shalt  }
0x80: {  	_ =	shalt  }
0x81: {  	_ =	shalt  }
0x82: {  	_ =	shalt  }
0x83: {  	_ =	shalt  }
0x84: {  	_ =	shalt  }
0x85: {  	_ =	shalt  }
0x86: {  	_ =	shalt  }
0x87: {  	_ =	shalt  }
.Lfunc_end0:
.L_simem_size_0:
called_computation.1_lowered:
.L_overlay_start_0:
0x88: {  	s2 =	sld [smem:$0x3FD9]  }
0x89: {  	s3 =	sld [smem:$0x3FFE];
	_ =	sdelay $0x1  }
0x8a: {  	s1 =	srdreg.scid  }
0x8b: {  	s0 =	sand.u32 $0x1, s1  }
0x8c: {  	s16 =	sshll.u32 s0, $0xA;
	s2 =	sadd.s32 s3, s2  }
0x8d: {  	s2 =	sadd.s32 s2, s16  }
0x8e: {  	[smem:$0x3FC3] =	sst s2  }
0x8f: {  	_ = 	snop  }
0x90: {  	(tm) =	ssettm $0x1  }
0x91: {  	s17 =	sld [smem:$0x3FFB];
	_ =	sdelay $0x3  }
0x92: {  	_ =	strace s17  }
0x93: {  	s2 =	sld [smem:$0x3FFC];
	_ =	sdelay $0x3  }
0x94: {  	_ =	strace s2  }
0x95: {  	s2 =	sld [smem:$0x3FFD];
	_ =	sdelay $0x3  }
0x96: {  	_ =	strace s2  }
0x97: {  	_ =	strace $0x8FFFFFFF  }
0x98: {  	s18 =	sld [smem:$0x3FDB];
	_ =	sdelay $0x1  }
0x99: {  	s19 =	simm.s32 $_scs_section_size  }
0x9a: {  	s4 =	simm.s32 $_size__tile_overlayer_lowered;
	s5 =	simm.s32 $_tile_overlayer_lowered  }
0x9b: {  	s22 =	simm.s32 $0x1BFF;
	s21 =	sshll.u32 s5, $0x1;
	s2 =	sadd.s32 s19, s18  }
0x9c: {  	s6 =	simm.s32 $0x0;
	s20 =	sshll.u32 s4, $0x1;
	s4 =	sadd.s32 s21, s2  }
0x9d: {  	[timem:s6], [sflag:s22] =	dma.local [hbm:s4], s20  }
0x9e: {  	_ =	swait.ge [sflag:s22], s20  }
0x9f: {  	s3 =	ssub.s32 $0x0, s20;
	[sflag:s22] =	ssyncset.done $0x0  }
0xa0: {  	[sflag:s22] =	ssyncadd.s32 s3;
	_ =	sdelay $0x1  }
0xa1: {  	s23 =	simm.s32 $0x1B8B  }
0xa2: {  	_ =	swait.ge [sflag:s23], $0x1  }
0xa3: {  	[sflag:s23] =	ssyncset.done $0x0  }
0xa4: {  	s25 =	simm.s32 $0x1B8E;
	s24 =	sld [smem:$0x3FFE];
	[sflag:s23] =	ssyncadd.s32 $0xFFFFFFFF  }
0xa5: {  	s26 =	simm.s32 $execute0_lowered;
	[smem:$0x3FD2] =	sst s25  }
0xa6: {  	s4 =	sshll.u32 s26, $0x1;
	_ =	strace $0x80000049;
	[dreg:$0x1] =	wrdreg $0xFFFFFFFF  }
0xa7: {  	s28 =	simm.s32 $_size_execute0_lowered;
	s2 =	sadd.s32 s2, s4;
	[dreg:$0x0] =	wrdreg $0x0  }
0xa8: {  	s4 =	sshll.u32 s28, $0x1;
	[dreg:$0x2] =	wrdreg s2  }
0xa9: {  	[dreg:$0x3] =	wrdreg s4  }
0xaa: {  	[dreg:$0x4] =	wrdreg $0xC0  }
0xab: {  	_ =	task [dreg:s6], $0x5FFFF  }
0xac: {  	[dreg:$0x1] =	wrdreg $0xFFFFFFFF  }
0xad: {  	[dreg:$0x0] =	wrdreg $0x60  }
0xae: {  	[dreg:$0x2] =	wrdreg s24  }
0xaf: {  	[dreg:$0x3] =	wrdreg $0xB0000  }
0xb0: {  	[dreg:$0x4] =	wrdreg $0x1F0000  }
0xb1: {  	[dreg:$0x5] =	wrdreg $0x9  }
0xb2: {  	_ =	task.clear_ibuf [dreg:s6], $0x6FFFF;
	_ =	strace $0x90000049  }
0xb3: {  	s29 =	simm.s32 $0x9;
	_ =	strace $0x8000004B  }
0xb4: {  	_ =	swait.ge [sflag:s29], $0x1  }
0xb5: {  	[sflag:s29] =	ssyncadd.s32 $0xFFFFFFFF  }
0xb6: {  	_ =	strace $0x9000004B  }
0xb7: {  	_ =	sfence  }
0xb8: {  	s30 =	sld [smem:$0x0];
	_ =	sdelay $0x2  }
0xb9: {  	s31 =	sshll.u32 s1, $0xD;
	s1 =	sshrl.u32 s1, $0x2  }
0xba: {  	s3 =	sand.u32 $0x4000, s31;
	s1 =	sadd.s32 s1, s30  }
0xbb: {  	s0 =	sor.u32 s3, s0;
	s1 =	sshll.u32 s1, $0x11  }
0xbc: {  	s0 =	sor.u32 s1, s0  }
0xbd: {  	s0 =	sadd.s32 $0x8F2B, s0  }
0xbe: {  	[sflag:s0] =	ssyncadd.remote.s32 $0x1  }
0xbf: {  	_ =	sfence.sel $0xFFFF  }
0xc0: {  	[dreg:$0x0] =	wrdreg $0xFFFFFFFF;
	(pc) =	sbr.abs _section_cstart, $3  }
0xc1: {  	[dreg:$0x1] =	wrdreg $0xFFFFFFFF  }
0xc2: {  	_ =	task.clear_ibuf [dreg:s6], $0x2FFFF;
	_ =	strace $0x9FFFFFFF  }
0xc3: {  	(tm) =	ssettm $0x7FFFFFFF  }
tec
execute0_lowered:
.L_overlay_start_1:
0x0: {  	(tag) =	ssettag $0x1  }
0x1: {  	s0 =	rddreg [dreg:$0x0]  }
0x2: {  	s2 =	rddreg [dreg:$0x1];
	s1 =	srdreg.scid  }
0x3: {  	s3 =	rddreg [dreg:$0x2];
	s13 =	stileid.u32  }
0x4: {  	s4 =	simm.s32 $0x0;
	s14 =	simm.s32 $0x14;
	s7 =	smul.u32 $0x14000, s13  }
0x5: {  	s1 =	sand.u32 $0x1, s1;
	[smem:$0x7FF] =	sst s4;
	s8 =	smul.u32 $0x500, s13  }
0x6: {  	s5 =	sadd.s32 $0x16400, s0;
	s10 =	sadd.s32 $0xC400, s0;
	s12 =	smul.u32 $0x280, s13  }
0x7: {  	s30 =	sadd.s32 $0x2400, s0;
	s6 =	smul.u32 $0x140000, s1;
	_ =	strace $0x8000004A  }
0x8: {  	s9 =	sshll.u32 s1, $0x7;
	s17 =	ssub.s32 $0x2, s1;
	s1 =	sshll.u32 s1, $0x4  }
0x9: {  	s29 =	sor.u32 s9, s8;
	s18 =	sshrl.u32 s17, $0x1;
	s1 =	sor.u32 s13, s1  }
0xa: {  	s13 =	smul.u32 $0x50000, s13;
	s28 =	sadd.s32 $0x80, s12;
	s6 =	sadd.s32 s7, s6  }
0xb: {  	s7 =	sshrl.u32 s29, $0x3;
	p0 =	seq.s32 s1, $0x1F;
	s15 =	smul.u32 $0x2800, s1  }
0xc: {  	s1 =	smul.u32 $0x500, s1;
	s29 =	sshll.u32 s28, $0x7;
	s16 =	sshrl.u32 s6, $0x3  }
0xd: {  	s6 =	sadd.s32 $0x3E400, s0;
	s14 =	simm.s32 @!p0 $0x50;
	s13 =	sshrl.u32 s13, $0x2  }
0xe: {  	s11 =	sadd.s32 s16, s0;
	s0 =	sadd.s32 s7, s0;
	s7 =	ssub.s32 s17, s18  }
0xf: {  	s17 =	smax.u32 s14, $0x20;
	s15 =	sshrl.u32 s15, $0x3;
	s19 =	sadd.s32 s10, s1  }
0x10: {  	s1 =	sadd.s32 s30, s1;
	s23 =	smax.u32 s14, $0x40;
	s24 =	smin.u32 s14, $0x48  }
0x11: {  	s25 =	smin.u32 s14, $0x40;
	s26 =	smax.u32 s14, $0x48;
	[dreg:$0x4] =	wrdreg s19  }
0x12: {  	s13 =	sadd.s32 s13, s2;
	s18 =	smin.u32 s17, $0x40;
	[dreg:$0x5] =	wrdreg s1  }
0x13: {  	s16 =	sadd.s32 $0x200, s15;
	s15 =	sadd.s32 $0x400, s15;
	[dreg:$0xb] =	wrdreg s13  }
0x14: {  	s19 =	sadd.s32 $0x180, s12;
	s0 =	sadd.s32 $0x8EA00, s0;
	s9 =	sadd.s32 $0xFFFFFFE0, s18  }
0x15: {  	s20 =	sadd.s32 s10, s16;
	s21 =	sadd.s32 s30, s16;
	[dreg:$0x15] =	wrdreg s0  }
0x16: {  	s22 =	smax.u32 s18, $0x28;
	s10 =	sadd.s32 s10, s15;
	[dreg:$0x6] =	wrdreg s20  }
0x17: {  	s8 =	sadd.s32 s30, s15;
	s15 =	sadd.s32 $0xFFFFFFC0, s23;
	[dreg:$0x7] =	wrdreg s21  }
0x18: {  	s30 =	sadd.s32 $0x100, s12;
	s31 =	sadd.s32 $0xFFFFFFDF, s18;
	[dreg:$0x8] =	wrdreg s10  }
0x19: {  	s18 =	simm.s32 $0x4;
	s1 =	sadd.s32 $0xFFFFFFD8, s22;
	[dreg:$0x9] =	wrdreg s8  }
0x1a: {  	s8 =	ssub.s32 s24, s25;
	s13 =	sshll.u32 s30, $0x7;
	s20 =	sadd.s32 s12, s3  }
0x1b: {  	s21 =	sadd.s32 $0x200, s12;
	s22 =	sshll.u32 s19, $0x7;
	s10 =	sadd.s32 s30, s3  }
0x1c: {  	s30 =	smin.u32 s17, $0x28;
	p3 =	seq.s32 s9, $0x0;
	s12 =	simm.s32 $0x2000  }
0x1d: {  	s17 =	simm.s32 $0x2;
	[dreg:$0xa] =	wrdreg s8;
	p1 =	sge.u32 s1, s9  }
0x1e: {  	s8 =	sadd.s32 $0xFFFFFFB8, s26;
	s1 =	sadd.s32 s28, s3;
	s16 =	sadd.s32 s13, s2  }
0x1f: {  	[dreg:$0xf] =	wrdreg s10;
	s23 =	sadd.s32 s22, s2;
	s24 =	sshll.u32 s21, $0x7  }
0x20: {  	s26 =	sadd.s32 s21, s3;
	s28 =	sadd.s32 $0x3EA00, s11;
	[dreg:$0xd] =	wrdreg s1  }
0x21: {  	s0 =	sadd.s32 $0xFFFFFFE0, s30;
	s10 =	smax.u32 s9, $0x1;
	[dreg:$0xe] =	wrdreg s16  }
0x22: {  	s11 =	smax.u32 s15, $0x1;
	s13 =	simm.s32 $0x5;
	[dreg:$0x10] =	wrdreg s23  }
0x23: {  	p2 =	sge.u32 s8, s15;
	s8 =	sadd.s32 s29, s2;
	[dreg:$0x13] =	wrdreg s26  }
0x24: {  	s1 =	sadd.s32 s19, s3;
	s25 =	sadd.s32 s24, s2;
	[dreg:$0x14] =	wrdreg s28  }
.Ltmp0:
0x25: {  	s26 =	smin.u32 s14, $0x20;
	[dreg:$0x17] =	wrdreg s0;
	(pc) =	sbr.rel .LBB2_1-.Ltmp0, $4  }
0x26: {  	s29 =	smax.u32 s7, $0x1;
	p4 =	seq.s32 s10, $0x1;
	[dreg:$0xc] =	wrdreg s8  }
0x27: {  	s14 =	simm.s32 $0xA000;
	s0 =	simm.s32 $0x1000;
	[dreg:$0x11] =	wrdreg s1  }
0x28: {  	s7 =	simm.s32 $0x1;
	s19 =	simm.s32 $0x0;
	[dreg:$0x12] =	wrdreg s25  }
0x29: {  	v0 =	vimm.f32 $0.0e+00;
	[dreg:$0x16] =	wrdreg s29;
	s1 =	simm.s32 $0x80;
	s8 =	simm.s32 $0x3  }
.LBB2_25:
0x2a: {  	[sflag:s18] =	ssyncadd.s32 $0xFFFFFF80  }
.LBB2_26:
0x2b: {  	_ =	swait.ge [sflag:s8], $0x4000  }
0x2c: {  	[sflag:s8] =	ssyncset.done $0x0  }
0x2d: {  	[sflag:s8] =	ssyncadd.s32 $0xFFFFC000  }
0x2e: {  	_ =	swait.ge [sflag:s8], $0x4000  }
0x2f: {  	[sflag:s8] =	ssyncset.done $0x0  }
0x30: {  	[sflag:s8] =	ssyncadd.s32 $0xFFFFC000  }
.LBB2_27:
0x31: {  	s16 =	stileid.u32;
	[bflag:$0x0] =	sbarrier.arrive $0xFFFF  }
0x32: {  	s16 =	sshll.u32 s16, $0x6;
	s21 =	rddreg [dreg:$0xb]  }
0x33: {  	s22 =	rddreg [dreg:$0x14];
	s16 =	sor.u32 $0x1C05, s16;
	s21 =	sshrl.u32 s21, $0x3  }
0x34: {  	[hbm:s22], [sflag:s16] =	dma.local [spmem:s21], $0x2800  }
0x35: {  	_ =	swait.ge [sflag:s13], $0x2800  }
0x36: {  	s28 =	sshrl.u32 s20, $0x3;
	s23 =	simm.s32 $0x20;
	[sflag:s13] =	ssyncset.done $0x0  }
0x37: {  	s24 =	simm.s32 $0x10;
	s29 =	rddreg [dreg:$0x15];
	[sflag:s13] =	ssyncadd.s32 $0xFFFFD800  }
0x38: {  	[hbm:s29@s23], [sflag:s16] =	dma.strided [spmem:s28@s24], $0x50, s7, $0x10   }
0x39: {  	_ =	swait.ge [sflag:s13], $0x50  }
0x3a: {  	s19 =	sadd.s32 $0x1, s19;
	s30 =	rddreg [dreg:$0x16]  }
0x3b: {  	p5 =	sne.s32 s19, s30  }
.Ltmp1:
0x3c: {  	_ = 	snop;
	(pc) =	sbr.rel @!p5 .LBB2_28-.Ltmp1, $3  }
0x3d: {  	_ =	sdelay $0x1  }
0x3e: {  	[sflag:s13] =	ssyncset.done $0x0  }
0x3f: {  	[sflag:s13] =	ssyncadd.s32 $0xFFFFFFB0  }
.LBB2_1:
0x40: {  	s21 =	sand.u32 $0xFE00, s4  }
0x41: {  	s22 =	sand.u32 $0x70, s4;
	s23 =	sshrl.u32 s21, $0x2  }
0x42: {  	s21 =	simm.s32 $0x40;
	s23 =	sor.u32 s22, s23;
	s22 =	simm.s32 $0x0  }
.LBB2_2:
0x43: {  	p5 =	sne.s32 s21, $0xFFC0  }
0x44: {  	[tilespmem:s23+$0x2000] =	vst v0;
	s22 =	sadd.s32 $0x10, s22;
	s23 =	smov.u32 s21;
	s21 =	sadd.s32 $0x40, s21  }
.Ltmp2:
0x45: {  	(pc) =	sbr.rel @p5 .LBB2_2-.Ltmp2, $4  }
0x46: {  	_ = 	snop  }
0x47: {  	s23 =	sand.u32 $0xFE00, s23  }
0x48: {  	s24 =	sand.u32 $0x70, s22;
	s23 =	sshrl.u32 s23, $0x2  }
0x49: {  	s23 =	sor.u32 s24, s23  }
0x4a: {  	[tilespmem:s23+$0x2000] =	vst v0  }
0x4b: {  	[tilespmem:$0xA000] =	vst v0  }
0x4c: {  	[tilespmem:$0xA010] =	vst v0  }
0x4d: {  	[tilespmem:$0xA020] =	vst v0  }
0x4e: {  	[tilespmem:$0xA030] =	vst v0  }
0x4f: {  	[tilespmem:$0xA040] =	vst v0  }
0x50: {  	[tilespmem:$0xA050] =	vst v0  }
0x51: {  	[tilespmem:$0xA060] =	vst v0  }
0x52: {  	s16 =	rddreg [dreg:$0xb];
	[tilespmem:$0xA070] =	vst v0  }
0x53: {  	[spmem:s16] =	stream.linear.scatter [tilespmem:s12], [sflag:$0x5], $0x4000, $0x38;
	[tilespmem:$0x1F280] =	vst v63  }
0x54: {  	_ =	swait.ge [sflag:s13], $0x4000  }
0x55: {  	[sflag:s13] =	ssyncset.done $0x0  }
0x56: {  	[sflag:s13] =	ssyncadd.s32 $0xFFFFC000  }
0x57: {  	[spmem:s20] =	stream.linear.scatter [tilespmem:s14], [sflag:$0x5], $0x80, $0x38;
	[tilespmem:$0x1F280] =	vst v63  }
0x58: {  	_ =	swait.ge [sflag:s13], $0x80  }
0x59: {  	[sflag:s13] =	ssyncset.done $0x0  }
0x5a: {  	s25 =	rddreg [dreg:$0xc];
	[sflag:s13] =	ssyncadd.s32 $0xFFFFFF80  }
0x5b: {  	[spmem:s25] =	stream.linear.scatter [tilespmem:s12], [sflag:$0x5], $0x4000, $0x38;
	[tilespmem:$0x1F280] =	vst v63  }
0x5c: {  	_ =	swait.ge [sflag:s13], $0x4000  }
0x5d: {  	[sflag:s13] =	ssyncset.done $0x0  }
0x5e: {  	s30 =	rddreg [dreg:$0xd];
	[sflag:s13] =	ssyncadd.s32 $0xFFFFC000  }
0x5f: {  	[spmem:s30] =	stream.linear.scatter [tilespmem:s14], [sflag:$0x5], $0x80, $0x38;
	[tilespmem:$0x1F280] =	vst v63  }
0x60: {  	_ =	swait.ge [sflag:s13], $0x80  }
0x61: {  	[sflag:s13] =	ssyncset.done $0x0  }
0x62: {  	s21 =	rddreg [dreg:$0xe];
	[sflag:s13] =	ssyncadd.s32 $0xFFFFFF80  }
0x63: {  	[spmem:s21] =	stream.linear.scatter [tilespmem:s12], [sflag:$0x5], $0x4000, $0x38;
	[tilespmem:$0x1F280] =	vst v63  }
0x64: {  	_ =	swait.ge [sflag:s13], $0x4000  }
0x65: {  	[sflag:s13] =	ssyncset.done $0x0  }
0x66: {  	s22 =	rddreg [dreg:$0xf];
	[sflag:s13] =	ssyncadd.s32 $0xFFFFC000  }
0x67: {  	[spmem:s22] =	stream.linear.scatter [tilespmem:s14], [sflag:$0x5], $0x80, $0x38;
	[tilespmem:$0x1F280] =	vst v63  }
0x68: {  	_ =	swait.ge [sflag:s13], $0x80  }
0x69: {  	[sflag:s13] =	ssyncset.done $0x0  }
0x6a: {  	s23 =	rddreg [dreg:$0x10];
	[sflag:s13] =	ssyncadd.s32 $0xFFFFFF80  }
0x6b: {  	[spmem:s23] =	stream.linear.scatter [tilespmem:s12], [sflag:$0x5], $0x4000, $0x38;
	[tilespmem:$0x1F280] =	vst v63  }
0x6c: {  	_ =	swait.ge [sflag:s13], $0x4000  }
0x6d: {  	[sflag:s13] =	ssyncset.done $0x0  }
0x6e: {  	s24 =	rddreg [dreg:$0x11];
	[sflag:s13] =	ssyncadd.s32 $0xFFFFC000  }
0x6f: {  	[spmem:s24] =	stream.linear.scatter [tilespmem:s14], [sflag:$0x5], $0x80, $0x38;
	[tilespmem:$0x1F280] =	vst v63  }
0x70: {  	_ =	swait.ge [sflag:s13], $0x80  }
0x71: {  	[sflag:s13] =	ssyncset.done $0x0  }
0x72: {  	s25 =	rddreg [dreg:$0x12];
	[sflag:s13] =	ssyncadd.s32 $0xFFFFFF80  }
0x73: {  	[spmem:s25] =	stream.linear.scatter [tilespmem:s12], [sflag:$0x5], $0x4000, $0x38;
	[tilespmem:$0x1F280] =	vst v63  }
0x74: {  	_ =	swait.ge [sflag:s13], $0x4000  }
0x75: {  	[sflag:s13] =	ssyncset.done $0x0  }
0x76: {  	s30 =	rddreg [dreg:$0x13];
	[sflag:s13] =	ssyncadd.s32 $0xFFFFC000  }
0x77: {  	[spmem:s30] =	stream.linear.scatter [tilespmem:s14], [sflag:$0x5], $0x80, $0x38;
	[tilespmem:$0x1F280] =	vst v63  }
0x78: {  	_ =	swait.ge [sflag:s13], $0x80  }
0x79: {  	[sflag:s13] =	ssyncset.done $0x0  }
0x7a: {  	[sflag:s13] =	ssyncadd.s32 $0xFFFFFF80  }
0x7b: {  	[bflag:$0x0] =	sbarrier.arrive $0xFFFF  }
0x7c: {  	s21 =	rddreg [dreg:$0x4]  }
0x7d: {  	[tilespmem:s4], [sflag:$0x5] =	stream.linear.gather [hbm4b:s21+s4], $0x1000, $0x38;
	[tilespmem:$0x1F280] =	vst v63  }
0x7e: {  	_ =	swait.ge [sflag:s13], $0x1000  }
0x7f: {  	[sflag:s13] =	ssyncset.done $0x0  }
0x80: {  	s22 =	rddreg [dreg:$0x5];
	[sflag:s13] =	ssyncadd.s32 $0xFFFFF000  }
0x81: {  	[tilespmem:s0], [sflag:$0x5] =	stream.linear.gather [hbm4b:s22+s4], $0x1000, $0x38;
	[tilespmem:$0x1F280] =	vst v63  }
0x82: {  	_ =	swait.ge [sflag:s13], $0x1000  }
0x83: {  	[sflag:s13] =	ssyncset.done $0x0  }
0x84: {  	[sflag:s13] =	ssyncadd.s32 $0xFFFFF000  }
0x85: {  	[tilespmem:s12], [sflag:$0x1] =	stream.indirect.gather [hbm4b:s5+s1], $0x80, s4, s1, $0xb8;
	[tilespmem:$0x1F280] =	vst v63  }
0x86: {  	_ = 	snop  }
0x87: {  	[tilespmem:s14], [sflag:$0x2] =	stream.indirect.gather [hbm4b:s6+s1], $0x1, s0, s1, $0xb8;
	[tilespmem:$0x1F280] =	vst v63  }
0x88: {  	s23 =	simm.s32 $0x6000  }
0x89: {  	[tilespmem:s23], [sflag:$0x1] =	stream.indirect.gather [hbm4b:s5+s1], $0x80, s1, s1, $0xb8;
	[tilespmem:$0x1F280] =	vst v63  }
0x8a: {  	_ =	swait.ge [sflag:s7], $0x4000  }
0x8b: {  	[sflag:s7] =	ssyncset.done $0x0  }
0x8c: {  	s24 =	simm.s32 $0x1;
	[sflag:s7] =	ssyncadd.s32 $0xFFFFC000  }
0x8d: {  	[spmem:s2] =	stream.indirect.scatter.add.f32 [tilespmem:s12], [sflag:$0x3], $0x80, s0, s1, $0xb8;
	[tilespmem:$0x1F280] =	vst v63  }
0x8e: {  	s25 =	sand.u32 $0x1, s24;
	s21 =	simm.s32 $0x1080;
	s22 =	simm.s32 $0xA080  }
0x8f: {  	[tilespmem:s22], [sflag:$0x2] =	stream.indirect.gather [hbm4b:s6+s1], $0x1, s21, s1, $0xb8;
	[tilespmem:$0x1F280] =	vst v63  }
0x90: {  	s28 =	sshll.u32 s25, $0xE;
	_ =	swait.ge [sflag:s8], $0x4000  }
0x91: {  	p5 =	sne.s32 s26, $0x3;
	s24 =	sxor.u32 $0x6000, s28;
	[sflag:s8] =	ssyncset.done $0x0  }
.Ltmp3:
0x92: {  	s30 =	simm.s32 $0x100;
	[sflag:s8] =	ssyncadd.s32 $0xFFFFC000;
	(pc) =	sbr.rel @!p5 .LBB2_5-.Ltmp3, $4  }
0x93: {  	[tilespmem:s24], [sflag:$0x1] =	stream.indirect.gather [hbm4b:s5+s1], $0x80, s30, s1, $0xb8;
	[tilespmem:$0x1F280] =	vst v63  }
0x94: {  	s25 =	simm.s32 $0xA100;
	s29 =	sor.u32 $0x2000, s28;
	_ =	swait.ge [sflag:s7], $0x4000  }
0x95: {  	s28 =	simm.s32 $0x180;
	s23 =	simm.s32 $0x1100;
	[sflag:s7] =	ssyncset.done $0x0  }
0x96: {  	s22 =	simm.s32 $0x2;
	s24 =	simm.s32 $0x3;
	[sflag:s7] =	ssyncadd.s32 $0xFFFFC000  }
.LBB2_4:
0x97: {  	s22 =	smov.u32 s24  }
0x98: {  	[spmem:s2] =	stream.indirect.scatter.add.f32 [tilespmem:s29], [sflag:$0x3], $0x80, s21, s1, $0xb8;
	[tilespmem:$0x1F280] =	vst v63  }
0x99: {  	s29 =	sadd.s32 $0xFFFFFFFF, s24;
	s24 =	sadd.s32 $0x1, s24;
	s21 =	smov.u32 s23  }
0x9a: {  	[tilespmem:s25], [sflag:$0x2] =	stream.indirect.gather [hbm4b:s6+s1], $0x1, s23, s1, $0xb8;
	[tilespmem:$0x1F280] =	vst v63  }
0x9b: {  	s29 =	sand.u32 $0x1, s29;
	p5 =	sne.s32 s26, s24;
	_ =	swait.ge [sflag:s8], $0x4000  }
0x9c: {  	s29 =	sshll.u32 s29, $0xE;
	[sflag:s8] =	ssyncset.done $0x0  }
.Ltmp4:
0x9d: {  	s30 =	sxor.u32 $0x6000, s29;
	[sflag:s8] =	ssyncadd.s32 $0xFFFFC000;
	(pc) =	sbr.rel @p5 .LBB2_4-.Ltmp4, $4  }
0x9e: {  	[tilespmem:s30], [sflag:$0x1] =	stream.indirect.gather [hbm4b:s5+s1], $0x80, s28, s1, $0xb8;
	[tilespmem:$0x1F280] =	vst v63  }
0x9f: {  	_ =	swait.ge [sflag:s7], $0x4000  }
0xa0: {  	s23 =	sadd.s32 $0x80, s23;
	s25 =	sadd.s32 $0x80, s25;
	[sflag:s7] =	ssyncset.done $0x0  }
0xa1: {  	s29 =	sor.u32 $0x2000, s29;
	s28 =	sadd.s32 $0x80, s28;
	[sflag:s7] =	ssyncadd.s32 $0xFFFFC000  }
.LBB2_5:
0xa2: {  	[spmem:s2] =	stream.indirect.scatter.add.f32 [tilespmem:s29], [sflag:$0x3], $0x80, s21, s1, $0xb8;
	[tilespmem:$0x1F280] =	vst v63  }
0xa3: {  	_ = 	snop  }
0xa4: {  	[tilespmem:s25], [sflag:$0x2] =	stream.indirect.gather [hbm4b:s6+s1], $0x1, s23, s1, $0xb8;
	[tilespmem:$0x1F280] =	vst v63  }
0xa5: {  	s29 =	sand.u32 $0x1, s22;
	_ =	swait.ge [sflag:s7], $0x4000  }
0xa6: {  	s21 =	sshll.u32 s29, $0xE;
	[sflag:s7] =	ssyncset.done $0x0  }
0xa7: {  	p6 =	sne.s32 s26, $0x1;
	s21 =	sor.u32 $0x2000, s21;
	[sflag:s7] =	ssyncadd.s32 $0xFFFFC000  }
0xa8: {  	[spmem:s2] =	stream.indirect.scatter.add.f32 [tilespmem:s21], [sflag:$0x3], $0x80, s23, s1, $0xb8;
	[tilespmem:$0x1F280] =	vst v63  }
.Ltmp5:
0xa9: {  	_ =	swait.ge [sflag:s17], $0x80;
	(pc) =	sbr.rel @!p6 .LBB2_7-.Ltmp5, $4  }
0xaa: {  	s30 =	simm.s32 $0x0;
	p5 =	por $0x1, $0x1;
	[sflag:s17] =	ssyncset.done $0x0  }
0xab: {  	s24 =	simm.s32 @!p5 $0x4;
	s21 =	simm.s32 $0xA000;
	[sflag:s17] =	ssyncadd.s32 $0xFFFFFF80  }
0xac: {  	[spmem:s3] =	stream.indirect.scatter.add.f32 [tilespmem:s21], [sflag:$0x4], $0x1, s30, s1, $0xb8;
	[tilespmem:$0x1F280] =	vst v63  }
0xad: {  	s22 =	simm.s32 $0x1;
	s23 =	simm.s32 $0x80;
	_ =	swait.ge @!p5 [sflag:s24], $0x80  }
.LBB2_6:
0xae: {  	[sflag:s24] =	ssyncset.done @!p5 $0x0  }
0xaf: {  	s21 =	sadd.s32 $0x80, s21;
	s25 =	smov.u32 s22;
	s22 =	sadd.s32 $0x1, s22  }
0xb0: {  	p6 =	sne.s32 s26, s22;
	[sflag:s24] =	ssyncadd.s32 @!p5 $0xFFFFFF80  }
.Ltmp6:
0xb1: {  	_ =	swait.ge [sflag:s17], $0x80;
	(pc) =	sbr.rel @p6 .LBB2_6-.Ltmp6, $4  }
0xb2: {  	p5 =	slt.u32 s25, $0x8;
	[sflag:s17] =	ssyncset.done $0x0  }
0xb3: {  	s24 =	simm.s32 @!p5 $0x4;
	[sflag:s17] =	ssyncadd.s32 $0xFFFFFF80  }
0xb4: {  	[spmem:s3] =	stream.indirect.scatter.add.f32 [tilespmem:s21], [sflag:$0x4], $0x1, s23, s1, $0xb8;
	[tilespmem:$0x1F280] =	vst v63  }
0xb5: {  	s23 =	sadd.s32 $0x80, s23;
	_ =	swait.ge @!p5 [sflag:s24], $0x80  }
.LBB2_7:
0xb6: {  	[sflag:s24] =	ssyncset.done @!p5 $0x0  }
0xb7: {  	[sflag:s24] =	ssyncadd.s32 @!p5 $0xFFFFFF80  }
0xb8: {  	_ =	swait.ge [sflag:s18], $0x80  }
0xb9: {  	[sflag:s18] =	ssyncset.done $0x0  }
0xba: {  	[sflag:s18] =	ssyncadd.s32 $0xFFFFFF80  }
0xbb: {  	_ =	swait.ge [sflag:s18], $0x80  }
0xbc: {  	[sflag:s18] =	ssyncset.done $0x0  }
0xbd: {  	[sflag:s18] =	ssyncadd.s32 $0xFFFFFF80  }
0xbe: {  	_ =	swait.ge [sflag:s18], $0x80  }
0xbf: {  	[sflag:s18] =	ssyncset.done $0x0  }
0xc0: {  	[sflag:s18] =	ssyncadd.s32 $0xFFFFFF80  }
0xc1: {  	_ =	swait.ge [sflag:s18], $0x80  }
0xc2: {  	[sflag:s18] =	ssyncset.done $0x0  }
0xc3: {  	[sflag:s18] =	ssyncadd.s32 $0xFFFFFF80  }
0xc4: {  	_ =	swait.ge [sflag:s18], $0x80  }
0xc5: {  	[sflag:s18] =	ssyncset.done $0x0  }
0xc6: {  	[sflag:s18] =	ssyncadd.s32 $0xFFFFFF80  }
0xc7: {  	_ =	swait.ge [sflag:s18], $0x80  }
0xc8: {  	[sflag:s18] =	ssyncset.done $0x0  }
0xc9: {  	[sflag:s18] =	ssyncadd.s32 $0xFFFFFF80  }
0xca: {  	_ =	swait.ge [sflag:s18], $0x80  }
0xcb: {  	[sflag:s18] =	ssyncset.done $0x0  }
0xcc: {  	[sflag:s18] =	ssyncadd.s32 $0xFFFFFF80  }
0xcd: {  	_ =	swait.ge [sflag:s18], $0x80  }
0xce: {  	[sflag:s18] =	ssyncset.done $0x0  }
0xcf: {  	[sflag:s18] =	ssyncadd.s32 $0xFFFFFF80  }
0xd0: {  	_ =	swait.ge [sflag:s8], $0x4000  }
.Ltmp7:
0xd1: {  	[sflag:s8] =	ssyncset.done $0x0;
	(pc) =	sbr.rel @p0 .LBB2_27-.Ltmp7, $4  }
0xd2: {  	[sflag:s8] =	ssyncadd.s32 $0xFFFFC000  }
0xd3: {  	_ =	swait.ge [sflag:s8], $0x4000  }
0xd4: {  	[sflag:s8] =	ssyncset.done $0x0  }
0xd5: {  	[sflag:s8] =	ssyncadd.s32 $0xFFFFC000  }
0xd6: {  	s16 =	rddreg [dreg:$0x6]  }
0xd7: {  	[tilespmem:s4], [sflag:$0x5] =	stream.linear.gather [hbm4b:s16+s4], $0x1000, $0x38;
	[tilespmem:$0x1F280] =	vst v63  }
0xd8: {  	_ =	swait.ge [sflag:s13], $0x1000  }
0xd9: {  	[sflag:s13] =	ssyncset.done $0x0  }
0xda: {  	s30 =	rddreg [dreg:$0x7];
	[sflag:s13] =	ssyncadd.s32 $0xFFFFF000  }
0xdb: {  	[tilespmem:s0], [sflag:$0x5] =	stream.linear.gather [hbm4b:s30+s4], $0x1000, $0x38;
	[tilespmem:$0x1F280] =	vst v63  }
0xdc: {  	_ =	swait.ge [sflag:s13], $0x1000  }
0xdd: {  	[sflag:s13] =	ssyncset.done $0x0  }
0xde: {  	[sflag:s13] =	ssyncadd.s32 $0xFFFFF000  }
0xdf: {  	[tilespmem:s12], [sflag:$0x1] =	stream.indirect.gather [hbm4b:s5+s1], $0x80, s4, s1, $0xb8;
	[tilespmem:$0x1F280] =	vst v63  }
0xe0: {  	_ = 	snop  }
0xe1: {  	[tilespmem:s14], [sflag:$0x2] =	stream.indirect.gather [hbm4b:s6+s1], $0x1, s0, s1, $0xb8;
	[tilespmem:$0x1F280] =	vst v63  }
0xe2: {  	s21 =	simm.s32 @!p3 $0x80;
	s22 =	simm.s32 @!p3 $0x6000  }
0xe3: {  	[tilespmem:s22], [sflag:$0x1] =	stream.indirect.gather @!p3 [hbm4b:s5+s21], $0x80, s21, s21, $0xb8;
	[tilespmem:$0x1F280] =	vst v63  }
.Ltmp8:
0xe4: {  	_ = 	snop;
	(pc) =	sbr.rel @p4 .LBB2_12-.Ltmp8, $4  }
0xe5: {  	_ =	swait.ge [sflag:s7], $0x4000  }
0xe6: {  	[sflag:s7] =	ssyncset.done $0x0  }
0xe7: {  	[sflag:s7] =	ssyncadd.s32 $0xFFFFC000  }
0xe8: {  	[spmem:s2] =	stream.indirect.scatter.add.f32 [tilespmem:s12], [sflag:$0x3], $0x80, s0, s1, $0xb8;
	[tilespmem:$0x1F280] =	vst v63  }
0xe9: {  	s23 =	simm.s32 $0x0;
	s24 =	simm.s32 $0x100;
	s21 =	simm.s32 $0xA080  }
0xea: {  	s22 =	simm.s32 $0x1080;
	p6 =	sle.u32 s9, $0x2;
	p5 =	sne.s32 s31, $0x1  }
0xeb: {  	[tilespmem:s21], [sflag:$0x2] =	stream.indirect.gather [hbm4b:s6+s1], $0x1, s22, s1, $0xb8;
	[tilespmem:$0x1F280] =	vst v63  }
0xec: {  	s21 =	simm.s32 $0x1;
	s23 =	sxor.u32 $0xFFFFFFFF, s23;
	s25 =	simm.s32 @!p6 $0x3  }
0xed: {  	s29 =	simm.s32 @!p6 $0x80;
	s23 =	sand.u32 $0x1, s23;
	_ =	swait.ge @!p6 [sflag:s25], $0x4000  }
.Ltmp9:
0xee: {  	s28 =	sshll.u32 @!p6 s23, $0xE;
	[sflag:s25] =	ssyncset.done @!p6 $0x0;
	(pc) =	sbr.rel @!p5 .LBB2_11-.Ltmp9, $4  }
0xef: {  	s30 =	sshll.u32 s23, $0xE;
	s28 =	sxor.u32 @!p6 $0x6000, s28;
	[sflag:s25] =	ssyncadd.s32 @!p6 $0xFFFFC000  }
0xf0: {  	[tilespmem:s28], [sflag:$0x1] =	stream.indirect.gather @!p6 [hbm4b:s5+s29], $0x80, s24, s29, $0xb8;
	[tilespmem:$0x1F280] =	vst v63  }
0xf1: {  	s23 =	simm.s32 $0xA100;
	s25 =	simm.s32 $0x180;
	_ =	swait.ge [sflag:s7], $0x4000  }
0xf2: {  	s24 =	simm.s32 $0x1100;
	s28 =	sor.u32 $0x2000, s30;
	[sflag:s7] =	ssyncset.done $0x0  }
.LBB2_10:
0xf3: {  	s29 =	sadd.s32 $0x2, s21  }
0xf4: {  	[sflag:s7] =	ssyncadd.s32 $0xFFFFC000;
	s30 =	smov.u32 s21;
	s21 =	sadd.s32 $0x1, s21  }
0xf5: {  	[spmem:s2] =	stream.indirect.scatter.add.f32 [tilespmem:s28], [sflag:$0x3], $0x80, s22, s1, $0xb8;
	[tilespmem:$0x1F280] =	vst v63  }
0xf6: {  	s22 =	sxor.u32 $0xFFFFFFFF, s30;
	p6 =	sge.u32 s29, s9;
	p5 =	sne.s32 s31, s21  }
0xf7: {  	[tilespmem:s23], [sflag:$0x2] =	stream.indirect.gather [hbm4b:s6+s1], $0x1, s24, s1, $0xb8;
	[tilespmem:$0x1F280] =	vst v63  }
0xf8: {  	s28 =	sand.u32 $0x1, s22;
	s29 =	simm.s32 @!p6 $0x3;
	s22 =	smov.u32 s24  }
0xf9: {  	s16 =	simm.s32 @!p6 $0x80;
	s30 =	sshll.u32 @!p6 s28, $0xE;
	_ =	swait.ge @!p6 [sflag:s29], $0x4000  }
.Ltmp10:
0xfa: {  	s30 =	sxor.u32 @!p6 $0x6000, s30;
	[sflag:s29] =	ssyncset.done @!p6 $0x0;
	(pc) =	sbr.rel @p5 .LBB2_10-.Ltmp10, $4  }
0xfb: {  	s28 =	sshll.u32 s28, $0xE;
	[sflag:s29] =	ssyncadd.s32 @!p6 $0xFFFFC000  }
0xfc: {  	[tilespmem:s30], [sflag:$0x1] =	stream.indirect.gather @!p6 [hbm4b:s5+s16], $0x80, s25, s16, $0xb8;
	[tilespmem:$0x1F280] =	vst v63  }
0xfd: {  	s23 =	sadd.s32 $0x80, s23;
	s24 =	sadd.s32 $0x80, s24;
	_ =	swait.ge [sflag:s7], $0x4000  }
0xfe: {  	s28 =	sor.u32 $0x2000, s28;
	s25 =	sadd.s32 $0x80, s25;
	[sflag:s7] =	ssyncset.done $0x0  }
.LBB2_11:
0xff: {  	[sflag:s7] =	ssyncadd.s32 $0xFFFFC000  }
0x100: {  	[spmem:s2] =	stream.indirect.scatter.add.f32 [tilespmem:s28], [sflag:$0x3], $0x80, s22, s1, $0xb8;
	[tilespmem:$0x1F280] =	vst v63  }
.LBB2_12:
0x101: {  	p6 =	sne.s32 s10, $0x1  }
.Ltmp11:
0x102: {  	_ =	swait.ge [sflag:s17], $0x80;
	(pc) =	sbr.rel @!p6 .LBB2_14-.Ltmp11, $4  }
0x103: {  	s16 =	simm.s32 $0x0;
	p5 =	por $0x1, $0x1;
	[sflag:s17] =	ssyncset.done $0x0  }
0x104: {  	s21 =	simm.s32 $0xA000;
	s24 =	simm.s32 @!p5 $0x4;
	[sflag:s17] =	ssyncadd.s32 $0xFFFFFF80  }
0x105: {  	[spmem:s3] =	stream.indirect.scatter.add.f32 [tilespmem:s21], [sflag:$0x4], $0x1, s16, s1, $0xb8;
	[tilespmem:$0x1F280] =	vst v63  }
0x106: {  	s22 =	simm.s32 $0x1;
	s23 =	simm.s32 $0x80;
	_ =	swait.ge @!p5 [sflag:s24], $0x80  }
.LBB2_13:
0x107: {  	[sflag:s24] =	ssyncset.done @!p5 $0x0  }
0x108: {  	s21 =	sadd.s32 $0x80, s21;
	s16 =	smov.u32 s22;
	s22 =	sadd.s32 $0x1, s22  }
0x109: {  	p6 =	sne.s32 s10, s22;
	[sflag:s24] =	ssyncadd.s32 @!p5 $0xFFFFFF80  }
.Ltmp12:
0x10a: {  	_ =	swait.ge [sflag:s17], $0x80;
	(pc) =	sbr.rel @p6 .LBB2_13-.Ltmp12, $4  }
0x10b: {  	p5 =	slt.u32 s16, $0x8;
	[sflag:s17] =	ssyncset.done $0x0  }
0x10c: {  	s24 =	simm.s32 @!p5 $0x4;
	[sflag:s17] =	ssyncadd.s32 $0xFFFFFF80  }
0x10d: {  	[spmem:s3] =	stream.indirect.scatter.add.f32 [tilespmem:s21], [sflag:$0x4], $0x1, s23, s1, $0xb8;
	[tilespmem:$0x1F280] =	vst v63  }
0x10e: {  	s23 =	sadd.s32 $0x80, s23;
	_ =	swait.ge @!p5 [sflag:s24], $0x80  }
.LBB2_14:
.Ltmp13:
0x10f: {  	(pc) =	sbr.rel @p1 .LBB2_18-.Ltmp13, $3  }
0x110: {  	_ =	sdelay $0x1  }
0x111: {  	[sflag:s24] =	ssyncset.done @!p5 $0x0  }
0x112: {  	[sflag:s24] =	ssyncadd.s32 @!p5 $0xFFFFFF80  }
0x113: {  	s16 =	rddreg [dreg:$0x17]  }
0x114: {  	p5 =	sne.s32 s16, $0x1  }
.Ltmp14:
0x115: {  	_ = 	snop;
	(pc) =	sbr.rel @!p5 .LBB2_17-.Ltmp14, $3  }
0x116: {  	_ =	sdelay $0x1  }
0x117: {  	_ =	swait.ge [sflag:s18], $0x80  }
0x118: {  	s21 =	sadd.s32 $0xFFFFFFFF, s16;
	[sflag:s18] =	ssyncset.done $0x0  }
.LBB2_16:
0x119: {  	p5 =	sne.s32 s21, $0x1;
	s21 =	sadd.s32 $0xFFFFFFFF, s21;
	[sflag:s18] =	ssyncadd.s32 $0xFFFFFF80  }
.Ltmp15:
0x11a: {  	(pc) =	sbr.rel @p5 .LBB2_16-.Ltmp15, $3  }
0x11b: {  	_ =	sdelay $0x1  }
0x11c: {  	_ =	swait.ge [sflag:s18], $0x80  }
0x11d: {  	[sflag:s18] =	ssyncset.done $0x0  }
.LBB2_17:
0x11e: {  	[sflag:s18] =	ssyncadd.s32 $0xFFFFFF80  }
.LBB2_18:
0x11f: {  	_ =	swait.ge [sflag:s8], $0x4000  }
0x120: {  	[sflag:s8] =	ssyncset.done $0x0  }
0x121: {  	[sflag:s8] =	ssyncadd.s32 $0xFFFFC000  }
0x122: {  	_ =	swait.ge [sflag:s8], $0x4000  }
0x123: {  	[sflag:s8] =	ssyncset.done $0x0  }
0x124: {  	s16 =	rddreg [dreg:$0x8];
	[sflag:s8] =	ssyncadd.s32 $0xFFFFC000  }
0x125: {  	[tilespmem:s4], [sflag:$0x5] =	stream.linear.gather [hbm4b:s16+s4], $0x1000, $0x38;
	[tilespmem:$0x1F280] =	vst v63  }
0x126: {  	_ =	swait.ge [sflag:s13], $0x1000  }
0x127: {  	[sflag:s13] =	ssyncset.done $0x0  }
0x128: {  	s23 =	rddreg [dreg:$0x9];
	[sflag:s13] =	ssyncadd.s32 $0xFFFFF000  }
0x129: {  	[tilespmem:s0], [sflag:$0x5] =	stream.linear.gather [hbm4b:s23+s4], $0x1000, $0x38;
	[tilespmem:$0x1F280] =	vst v63  }
0x12a: {  	_ =	swait.ge [sflag:s13], $0x1000  }
0x12b: {  	[sflag:s13] =	ssyncset.done $0x0  }
0x12c: {  	[sflag:s13] =	ssyncadd.s32 $0xFFFFF000  }
0x12d: {  	[tilespmem:s12], [sflag:$0x1] =	stream.indirect.gather [hbm4b:s5+s1], $0x80, s4, s1, $0xb8;
	[tilespmem:$0x1F280] =	vst v63  }
0x12e: {  	_ = 	snop  }
0x12f: {  	[tilespmem:s14], [sflag:$0x2] =	stream.indirect.gather [hbm4b:s6+s1], $0x1, s0, s1, $0xb8;
	[tilespmem:$0x1F280] =	vst v63  }
0x130: {  	s24 =	simm.s32 $0x6000;
	s25 =	simm.s32 $0x1  }
0x131: {  	[tilespmem:s24], [sflag:$0x1] =	stream.indirect.gather [hbm4b:s5+s1], $0x80, s1, s1, $0xb8;
	[tilespmem:$0x1F280] =	vst v63  }
0x132: {  	s21 =	simm.s32 $0x100;
	_ =	swait.ge [sflag:s25], $0x4000  }
0x133: {  	s22 =	simm.s32 $0xA080;
	p5 =	sle.u32 s15, $0x2;
	[sflag:s25] =	ssyncset.done $0x0  }
0x134: {  	p6 =	sne.s32 s15, $0x2;
	s16 =	sand.u32 $0x1, s25;
	[sflag:s25] =	ssyncadd.s32 $0xFFFFC000  }
0x135: {  	[spmem:s2] =	stream.indirect.scatter.add.f32 [tilespmem:s12], [sflag:$0x3], $0x80, s0, s1, $0xb8;
	[tilespmem:$0x1F280] =	vst v63  }
.Ltmp16:
0x136: {  	s24 =	simm.s32 $0x1080;
	s25 =	simm.s32 @!p5 $0x3;
	(pc) =	sbr.rel @!p6 .LBB2_20-.Ltmp16, $4  }
0x137: {  	[tilespmem:s22], [sflag:$0x2] =	stream.indirect.gather [hbm4b:s6+s1], $0x1, s24, s1, $0xb8;
	[tilespmem:$0x1F280] =	vst v63  }
0x138: {  	s30 =	simm.s32 @!p5 $0x80;
	s28 =	sshll.u32 @!p5 s16, $0xE;
	_ =	swait.ge @!p5 [sflag:s25], $0x4000  }
0x139: {  	s29 =	sxor.u32 @!p5 $0x6000, s28;
	s28 =	sshll.u32 s16, $0xE;
	[sflag:s25] =	ssyncset.done @!p5 $0x0  }
0x13a: {  	s23 =	simm.s32 $0x2;
	[sflag:s25] =	ssyncadd.s32 @!p5 $0xFFFFC000;
	s25 =	simm.s32 $0x1100  }
.LBB2_19:
0x13b: {  	[tilespmem:s29], [sflag:$0x1] =	stream.indirect.gather @!p5 [hbm4b:s5+s30], $0x80, s21, s30, $0xb8;
	[tilespmem:$0x1F280] =	vst v63  }
0x13c: {  	s16 =	smov.u32 s23;
	s23 =	sadd.s32 $0x1, s23  }
0x13d: {  	s22 =	sadd.s32 $0x80, s22;
	s28 =	sor.u32 $0x2000, s28;
	_ =	swait.ge [sflag:s7], $0x4000  }
0x13e: {  	s21 =	sadd.s32 $0x80, s21;
	s16 =	sand.u32 $0x1, s16;
	[sflag:s7] =	ssyncset.done $0x0  }
0x13f: {  	p5 =	sge.u32 s23, s15;
	p6 =	sne.s32 s15, s23;
	[sflag:s7] =	ssyncadd.s32 $0xFFFFC000  }
0x140: {  	[spmem:s2] =	stream.indirect.scatter.add.f32 [tilespmem:s28], [sflag:$0x3], $0x80, s24, s1, $0xb8;
	[tilespmem:$0x1F280] =	vst v63  }
.Ltmp17:
0x141: {  	s30 =	simm.s32 @!p5 $0x3;
	s24 =	sshll.u32 @!p5 s16, $0xE;
	(pc) =	sbr.rel @p6 .LBB2_19-.Ltmp17, $4  }
0x142: {  	[tilespmem:s22], [sflag:$0x2] =	stream.indirect.gather [hbm4b:s6+s1], $0x1, s25, s1, $0xb8;
	[tilespmem:$0x1F280] =	vst v63  }
0x143: {  	s29 =	sxor.u32 @!p5 $0x6000, s24;
	_ =	swait.ge @!p5 [sflag:s30], $0x4000  }
0x144: {  	s28 =	sshll.u32 s16, $0xE;
	s24 =	smov.u32 s25;
	[sflag:s30] =	ssyncset.done @!p5 $0x0  }
0x145: {  	s25 =	sadd.s32 $0x80, s25;
	[sflag:s30] =	ssyncadd.s32 @!p5 $0xFFFFC000;
	s30 =	simm.s32 @!p5 $0x80  }
.LBB2_20:
0x146: {  	[tilespmem:s29], [sflag:$0x1] =	stream.indirect.gather @!p5 [hbm4b:s5+s30], $0x80, s21, s30, $0xb8;
	[tilespmem:$0x1F280] =	vst v63  }
0x147: {  	_ =	swait.ge [sflag:s7], $0x4000  }
0x148: {  	[sflag:s7] =	ssyncset.done $0x0  }
0x149: {  	s16 =	sor.u32 $0x2000, s28;
	p6 =	sne.s32 s11, $0x1;
	[sflag:s7] =	ssyncadd.s32 $0xFFFFC000  }
0x14a: {  	[spmem:s2] =	stream.indirect.scatter.add.f32 [tilespmem:s16], [sflag:$0x3], $0x80, s24, s1, $0xb8;
	[tilespmem:$0x1F280] =	vst v63  }
.Ltmp18:
0x14b: {  	_ =	swait.ge [sflag:s17], $0x80;
	(pc) =	sbr.rel @!p6 .LBB2_22-.Ltmp18, $4  }
0x14c: {  	s30 =	simm.s32 $0x0;
	p5 =	por $0x1, $0x1;
	[sflag:s17] =	ssyncset.done $0x0  }
0x14d: {  	s21 =	simm.s32 $0xA000;
	s24 =	simm.s32 @!p5 $0x4;
	[sflag:s17] =	ssyncadd.s32 $0xFFFFFF80  }
0x14e: {  	[spmem:s3] =	stream.indirect.scatter.add.f32 [tilespmem:s21], [sflag:$0x4], $0x1, s30, s1, $0xb8;
	[tilespmem:$0x1F280] =	vst v63  }
0x14f: {  	s22 =	simm.s32 $0x1;
	s23 =	simm.s32 $0x80;
	_ =	swait.ge @!p5 [sflag:s24], $0x80  }
.LBB2_21:
0x150: {  	[sflag:s24] =	ssyncset.done @!p5 $0x0  }
0x151: {  	s21 =	sadd.s32 $0x80, s21;
	s16 =	smov.u32 s22;
	s22 =	sadd.s32 $0x1, s22  }
0x152: {  	p6 =	sne.s32 s11, s22;
	[sflag:s24] =	ssyncadd.s32 @!p5 $0xFFFFFF80  }
.Ltmp19:
0x153: {  	_ =	swait.ge [sflag:s17], $0x80;
	(pc) =	sbr.rel @p6 .LBB2_21-.Ltmp19, $4  }
0x154: {  	p5 =	slt.u32 s16, $0x8;
	[sflag:s17] =	ssyncset.done $0x0  }
0x155: {  	s24 =	simm.s32 @!p5 $0x4;
	[sflag:s17] =	ssyncadd.s32 $0xFFFFFF80  }
0x156: {  	[spmem:s3] =	stream.indirect.scatter.add.f32 [tilespmem:s21], [sflag:$0x4], $0x1, s23, s1, $0xb8;
	[tilespmem:$0x1F280] =	vst v63  }
0x157: {  	s23 =	sadd.s32 $0x80, s23;
	_ =	swait.ge @!p5 [sflag:s24], $0x80  }
.LBB2_22:
.Ltmp20:
0x158: {  	(pc) =	sbr.rel @p2 .LBB2_26-.Ltmp20, $3  }
0x159: {  	_ =	sdelay $0x1  }
0x15a: {  	[sflag:s24] =	ssyncset.done @!p5 $0x0  }
0x15b: {  	[sflag:s24] =	ssyncadd.s32 @!p5 $0xFFFFFF80  }
0x15c: {  	s16 =	rddreg [dreg:$0xa]  }
0x15d: {  	p5 =	sne.s32 s16, $0x1  }
.Ltmp21:
0x15e: {  	_ = 	snop;
	(pc) =	sbr.rel @!p5 .LBB2_25-.Ltmp21, $3  }
0x15f: {  	_ =	sdelay $0x1  }
0x160: {  	_ =	swait.ge [sflag:s18], $0x80  }
0x161: {  	s21 =	sadd.s32 $0xFFFFFFFF, s16;
	[sflag:s18] =	ssyncset.done $0x0  }
.LBB2_24:
0x162: {  	p5 =	sne.s32 s21, $0x1;
	s21 =	sadd.s32 $0xFFFFFFFF, s21;
	[sflag:s18] =	ssyncadd.s32 $0xFFFFFF80  }
.Ltmp22:
0x163: {  	(pc) =	sbr.rel @p5 .LBB2_24-.Ltmp22, $3  }
0x164: {  	_ =	sdelay $0x1  }
0x165: {  	_ =	swait.ge [sflag:s18], $0x80  }
0x166: {  	[sflag:s18] =	ssyncset.done $0x0  }
.Ltmp23:
0x167: {  	_ = 	snop;
	(pc) =	sbr.rel .LBB2_25-.Ltmp23, $1  }
0x168: {  	_ =	sdelay $0x3  }
.LBB2_28:
0x169: {  	_ =	sfence.sel $0x180000  }
0x16a: {  	[bflag:$0x0] =	sbarrier.arrive $0xFFFF  }
0x16b: {  	_ =	strace $0x9000004A  }
0x16c: {  	s0 =	stileid.u32;
	[bflag:$0x2] =	sbarrier.arrive $0xFFFF  }
0x16d: {  	p0 =	sne.s32 s0, $0x0;
	s0 =	rddreg [dreg:$0x3]  }
0x16e: {  	s0 =	sadd.s32 @!p0 $0x100000, s0  }
0x16f: {  	[sflag:s0] =	ssyncadd.tile.s32 @!p0 $0x1;
	_ =	shalt  }
.Lfunc_end2:
_tile_overlayer_lowered:
.L_overlay_start_2:
0x170: {  	(tag) =	ssettag $0x2  }
0x171: {  	s0 =	rddreg [dreg:$0x0];
	s2 =	stileid.u32  }
0x172: {  	s1 =	rddreg [dreg:$0x1];
	p0 =	sne.s32 s2, $0x0  }
0x173: {  	s3 =	rddreg [dreg:$0x2];
	[bflag:$0x3] =	sbarrier.arrive $0xFFFF;
	s2 =	simm.s32 @!p0 $0x1C05  }
0x174: {  	[timem:s3], [sflag:s2] =	dma.local @!p0 [hbm:s0], s1  }
0x175: {  	s0 =	simm.s32 @!p0 $0x5  }
0x176: {  	_ =	swait.ge @!p0 [sflag:s0], s1  }
0x177: {  	s1 =	ssub.s32 @!p0 $0x0, s1;
	[sflag:s0] =	ssyncset.done @!p0 $0x0  }
0x178: {  	[sflag:s0] =	ssyncadd.s32 @!p0 s1  }
0x179: {  	[bflag:$0x3] =	sbarrier.arrive $0xFFFF  }
0x17a: {  	_ =	shalt  }

// kernel: kernel.7.cloned.1.call-start
scs
__scs_entry_jumppad:
0x0: {  	(pc) =	sbr.rel $0x88, $3  }
0x1: {  	(tag) =	ssettag $0x0;
	lr =	simm.s32 $0x1  }
0x2: {  	[smem:$0x3F9C] =	sst lr;
	_ =	strace $0xD0000000  }
0x3: {  	_ = 	snop  }
0x4: {  	_ = 	snop  }
0x5: {  	_ = 	snop  }
0x6: {  	_ = 	snop  }
0x7: {  	_ = 	snop  }
__scs_overlays_trampoline_lowered:
0x8: {  	[smem:$0x3FAB] =	sst s0  }
0x9: {  	[smem:$0x3FAC] =	sst s1  }
0xa: {  	[smem:$0x3FAD] =	sst s2  }
0xb: {  	[smem:$0x3FAE] =	sst s3  }
0xc: {  	[smem:$0x3FAF] =	sst s4  }
0xd: {  	[smem:$0x3FB0] =	sst s5  }
0xe: {  	[smem:$0x3FB1] =	sst s6  }
0xf: {  	[smem:$0x3FB2] =	sst s7  }
0x10: {  	[smem:$0x3FB3] =	sst s8  }
0x11: {  	[smem:$0x3FB4] =	sst s9;
	s0 =	simm.s32 @!p0 $0x0  }
0x12: {  	s1 =	sld [smem:$0x3F9A];
	s0 =	simm.s32 @p0 $0x1  }
0x13: {  	[smem:$0x3FB5] =	sst s0;
	s0 =	simm.s32 @!p1 $0x0  }
0x14: {  	s2 =	sld [smem:$0x3F99];
	s0 =	simm.s32 @p1 $0x1  }
0x15: {  	[smem:$0x3FB6] =	sst s0;
	s0 =	simm.s32 @!p2 $0x0  }
0x16: {  	s3 =	sld [smem:$0x3FDB];
	s0 =	simm.s32 @p2 $0x1  }
0x17: {  	s4 =	simm.s32 $0x1BF5;
	[smem:$0x3FB8] =	sst s0  }
0x18: {  	s0 =	sld [smem:$0x3F9B];
	_ =	swait.ge [sflag:s4], $0x0  }
0x19: {  	s7 =	sld [smem:$0x3F9C]  }
0x1a: {  	s8 =	sadd.s32 $0xFFFFE003, lr  }
0x1b: {  	s9 =	sadd.s32 $0xFFFFFEF7, lr;
	s5 =	simm.s32 $0xFFFFFFFF;
	p2 =	slt.u32 s8, $0xFFFFF086  }
0x1c: {  	p1 =	slt.u32 s9, $0xF7A;
	s5 =	simm.s32 @!p2 $0x0  }
0x1d: {  	s5 =	simm.s32 @p1 $0x1;
	p0 =	seq.s32 s7, s2  }
0x1e: {  	s7 =	smul.u32 @!p0 $0xF7A, s2;
	p2 =	seq.s32 @!p0 s5, $0x0  }
0x1f: {  	s9 =	smul.u32 $0xF7A, s1;
	s8 =	simm.s32 @!p0 $0x1BF5;
	p2 =	por !p2, p0  }
0x20: {  	[sflag:s8] =	ssyncset.s32 @!p0 $0xFFFFF086;
	s6 =	sadd.s32 @!p0 s3, s7;
	s7 =	simm.s32 @!p0 $0x108  }
0x21: {  	s3 =	sadd.s32 s3, s9;
	s6 =	sadd.s32 @!p0 $0x88, s6;
	s7 =	simm.s32 @p2 $0x1082  }
0x22: {  	[simem:s7], [sflag:s8] =	dma.local @!p0 [hbm:s6], $0xF7A  }
0x23: {  	s9 =	sor.u32 $0xD0000000, s2;
	s6 =	simm.s32 $0x108;
	_ =	swait.ge @!p0 [sflag:s8], $0x0  }
0x24: {  	s3 =	sadd.s32 $0x88, s3;
	s6 =	simm.s32 @!p1 $0x1082;
	[sflag:s4] =	ssyncset.s32 $0xFFFFF086  }
0x25: {  	[simem:s6], [sflag:s4] =	dma.local [hbm:s3], $0xF7A  }
0x26: {  	[smem:$0x3F9C] =	sst s1;
	(tag) =	ssettag s2;
	_ =	strace s9  }
0x27: {  	s1 =	sld [smem:$0x3FAC]  }
0x28: {  	s2 =	sld [smem:$0x3FAD]  }
0x29: {  	s4 =	sld [smem:$0x3FAF]  }
0x2a: {  	p0 =	seq.s32 s5, $0x0;
	s5 =	sld [smem:$0x3FB0]  }
0x2b: {  	s6 =	sld [smem:$0x3FB1]  }
0x2c: {  	s7 =	sld [smem:$0x3FB2]  }
0x2d: {  	s3 =	simm.s32 $0x108;
	s8 =	sld [smem:$0x3FB3]  }
0x2e: {  	s3 =	simm.s32 @!p0 $0x1082;
	s9 =	sld [smem:$0x3FB4]  }
0x2f: {  	lr =	sadd.s32 s0, s3;
	s0 =	sld [smem:$0x3FAB]  }
0x30: {  	s3 =	sld [smem:$0x3FAE]  }
0x31: {  	[smem:$0x3FB7] =	sst s10  }
0x32: {  	s10 =	sld [smem:$0x3FB5];
	_ =	sdelay $0x3  }
0x33: {  	p0 =	seq.s32 s10, $0x1;
	s10 =	sld [smem:$0x3FB7];
	_ =	sdelay $0x3  }
0x34: {  	[smem:$0x3FB7] =	sst s10  }
0x35: {  	s10 =	sld [smem:$0x3FB6];
	_ =	sdelay $0x3  }
0x36: {  	p1 =	seq.s32 s10, $0x1;
	s10 =	sld [smem:$0x3FB7];
	_ =	sdelay $0x3  }
0x37: {  	[smem:$0x3FB7] =	sst s10  }
0x38: {  	s10 =	sld [smem:$0x3FB8]  }
0x39: {  	_ = 	snop;
	(pc) =	sbr.ind lr, $3  }
0x3a: {  	_ = 	snop  }
0x3b: {  	_ = 	snop  }
0x3c: {  	p2 =	seq.s32 s10, $0x1;
	s10 =	sld [smem:$0x3FB7]  }
0x3d: {  	_ =	shalt  }
0x3e: {  	_ =	shalt  }
0x3f: {  	_ =	shalt  }
0x40: {  	_ =	shalt  }
0x41: {  	_ =	shalt  }
0x42: {  	_ =	shalt  }
0x43: {  	_ =	shalt  }
0x44: {  	_ =	shalt  }
0x45: {  	_ =	shalt  }
0x46: {  	_ =	shalt  }
0x47: {  	_ =	shalt  }
0x48: {  	_ =	shalt  }
0x49: {  	_ =	shalt  }
0x4a: {  	_ =	shalt  }
0x4b: {  	_ =	shalt  }
0x4c: {  	_ =	shalt  }
0x4d: {  	_ =	shalt  }
0x4e: {  	_ =	shalt  }
0x4f: {  	_ =	shalt  }
0x50: {  	_ =	shalt  }
0x51: {  	_ =	shalt  }
0x52: {  	_ =	shalt  }
0x53: {  	_ =	shalt  }
0x54: {  	_ =	shalt  }
0x55: {  	_ =	shalt  }
0x56: {  	_ =	shalt  }
0x57: {  	_ =	shalt  }
0x58: {  	_ =	shalt  }
0x59: {  	_ =	shalt  }
0x5a: {  	_ =	shalt  }
0x5b: {  	_ =	shalt  }
0x5c: {  	_ =	shalt  }
0x5d: {  	_ =	shalt  }
0x5e: {  	_ =	shalt  }
0x5f: {  	_ =	shalt  }
0x60: {  	_ =	shalt  }
0x61: {  	_ =	shalt  }
0x62: {  	_ =	shalt  }
0x63: {  	_ =	shalt  }
0x64: {  	_ =	shalt  }
0x65: {  	_ =	shalt  }
0x66: {  	_ =	shalt  }
0x67: {  	_ =	shalt  }
0x68: {  	_ =	shalt  }
0x69: {  	_ =	shalt  }
0x6a: {  	_ =	shalt  }
0x6b: {  	_ =	shalt  }
0x6c: {  	_ =	shalt  }
0x6d: {  	_ =	shalt  }
0x6e: {  	_ =	shalt  }
0x6f: {  	_ =	shalt  }
0x70: {  	_ =	shalt  }
0x71: {  	_ =	shalt  }
0x72: {  	_ =	shalt  }
0x73: {  	_ =	shalt  }
0x74: {  	_ =	shalt  }
0x75: {  	_ =	shalt  }
0x76: {  	_ =	shalt  }
0x77: {  	_ =	shalt  }
0x78: {  	_ =	shalt  }
0x79: {  	_ =	shalt  }
0x7a: {  	_ =	shalt  }
0x7b: {  	_ =	shalt  }
0x7c: {  	_ =	shalt  }
0x7d: {  	_ =	shalt  }
0x7e: {  	_ =	shalt  }
0x7f: {  	_ =	shalt  }
0x80: {  	_ =	shalt  }
0x81: {  	_ =	shalt  }
0x82: {  	_ =	shalt  }
0x83: {  	_ =	shalt  }
0x84: {  	_ =	shalt  }
0x85: {  	_ =	shalt  }
0x86: {  	_ =	shalt  }
0x87: {  	_ =	shalt  }
.Lfunc_end0:
.L_simem_size_0:
called_computation_lowered:
.L_overlay_start_0:
0x88: {  	s2 =	sld [smem:$0x3FD9]  }
0x89: {  	s3 =	sld [smem:$0x3FFE];
	_ =	sdelay $0x1  }
0x8a: {  	s1 =	srdreg.scid  }
0x8b: {  	s0 =	sand.u32 $0x1, s1  }
0x8c: {  	s16 =	sshll.u32 s0, $0xA;
	s2 =	sadd.s32 s3, s2  }
0x8d: {  	s2 =	sadd.s32 s2, s16  }
0x8e: {  	[smem:$0x3FC3] =	sst s2  }
0x8f: {  	_ = 	snop  }
0x90: {  	(tm) =	ssettm $0x1  }
0x91: {  	s17 =	sld [smem:$0x3FFB];
	_ =	sdelay $0x3  }
0x92: {  	_ =	strace s17  }
0x93: {  	s2 =	sld [smem:$0x3FFC];
	_ =	sdelay $0x3  }
0x94: {  	_ =	strace s2  }
0x95: {  	s2 =	sld [smem:$0x3FFD];
	_ =	sdelay $0x3  }
0x96: {  	_ =	strace s2  }
0x97: {  	_ =	strace $0x8FFFFFFF  }
0x98: {  	s18 =	sld [smem:$0x3FDB];
	_ =	sdelay $0x1  }
0x99: {  	s19 =	simm.s32 $_scs_section_size  }
0x9a: {  	s4 =	simm.s32 $_size__tile_overlayer_lowered;
	s5 =	simm.s32 $_tile_overlayer_lowered  }
0x9b: {  	s22 =	simm.s32 $0x1BFF;
	s21 =	sshll.u32 s5, $0x1;
	s2 =	sadd.s32 s19, s18  }
0x9c: {  	s6 =	simm.s32 $0x0;
	s20 =	sshll.u32 s4, $0x1;
	s4 =	sadd.s32 s21, s2  }
0x9d: {  	[timem:s6], [sflag:s22] =	dma.local [hbm:s4], s20  }
0x9e: {  	_ =	swait.ge [sflag:s22], s20  }
0x9f: {  	s3 =	ssub.s32 $0x0, s20;
	[sflag:s22] =	ssyncset.done $0x0  }
0xa0: {  	[sflag:s22] =	ssyncadd.s32 s3;
	_ =	sdelay $0x1  }
0xa1: {  	s23 =	simm.s32 $0x1B8B  }
0xa2: {  	_ =	swait.ge [sflag:s23], $0x1  }
0xa3: {  	[sflag:s23] =	ssyncset.done $0x0  }
0xa4: {  	s25 =	simm.s32 $0x1B8E;
	s24 =	sld [smem:$0x3FFE];
	[sflag:s23] =	ssyncadd.s32 $0xFFFFFFFF  }
0xa5: {  	s26 =	simm.s32 $execute0_lowered;
	[smem:$0x3FD2] =	sst s25  }
0xa6: {  	s4 =	sshll.u32 s26, $0x1;
	_ =	strace $0x80000046;
	[dreg:$0x1] =	wrdreg $0xFFFFFFFF  }
0xa7: {  	s28 =	simm.s32 $_size_execute0_lowered;
	s2 =	sadd.s32 s2, s4;
	[dreg:$0x0] =	wrdreg $0x0  }
0xa8: {  	s4 =	sshll.u32 s28, $0x1;
	[dreg:$0x2] =	wrdreg s2  }
0xa9: {  	[dreg:$0x3] =	wrdreg s4  }
0xaa: {  	[dreg:$0x4] =	wrdreg $0xC0  }
0xab: {  	_ =	task [dreg:s6], $0x5FFFF  }
0xac: {  	[dreg:$0x1] =	wrdreg $0xFFFFFFFF  }
0xad: {  	[dreg:$0x0] =	wrdreg $0x60  }
0xae: {  	[dreg:$0x2] =	wrdreg s24  }
0xaf: {  	[dreg:$0x3] =	wrdreg $0x53000  }
0xb0: {  	[dreg:$0x4] =	wrdreg $0x55800  }
0xb1: {  	[dreg:$0x5] =	wrdreg $0x9  }
0xb2: {  	_ =	task.clear_ibuf [dreg:s6], $0x6FFFF;
	_ =	strace $0x90000046  }
0xb3: {  	s29 =	simm.s32 $0x9;
	_ =	strace $0x80000048  }
0xb4: {  	_ =	swait.ge [sflag:s29], $0x1  }
0xb5: {  	[sflag:s29] =	ssyncadd.s32 $0xFFFFFFFF  }
0xb6: {  	_ =	strace $0x90000048  }
0xb7: {  	_ =	sfence  }
0xb8: {  	s30 =	sld [smem:$0x0];
	_ =	sdelay $0x2  }
0xb9: {  	s31 =	sshll.u32 s1, $0xD;
	s1 =	sshrl.u32 s1, $0x2  }
0xba: {  	s3 =	sand.u32 $0x4000, s31;
	s1 =	sadd.s32 s1, s30  }
0xbb: {  	s0 =	sor.u32 s3, s0;
	s1 =	sshll.u32 s1, $0x11  }
0xbc: {  	s0 =	sor.u32 s1, s0  }
0xbd: {  	s0 =	sadd.s32 $0x8F2B, s0  }
0xbe: {  	[sflag:s0] =	ssyncadd.remote.s32 $0x1  }
0xbf: {  	_ =	sfence.sel $0xFFFF  }
0xc0: {  	[dreg:$0x0] =	wrdreg $0xFFFFFFFF;
	(pc) =	sbr.abs _section_cstart, $3  }
0xc1: {  	[dreg:$0x1] =	wrdreg $0xFFFFFFFF  }
0xc2: {  	_ =	task.clear_ibuf [dreg:s6], $0x2FFFF;
	_ =	strace $0x9FFFFFFF  }
0xc3: {  	(tm) =	ssettm $0x7FFFFFFF  }
tec
execute0_lowered:
.L_overlay_start_1:
0x0: {  	(tag) =	ssettag $0x1  }
0x1: {  	s5 =	rddreg [dreg:$0x0]  }
0x2: {  	s0 =	srdreg.scid;
	s1 =	rddreg [dreg:$0x1]  }
0x3: {  	s3 =	rddreg [dreg:$0x2];
	s4 =	simm.s32 $0x0;
	s13 =	simm.s32 $0x5080  }
0x4: {  	s14 =	simm.s32 $0x3;
	s15 =	simm.s32 $0x80;
	s16 =	simm.s32 $0x5000  }
0x5: {  	s17 =	simm.s32 $0x1;
	s18 =	simm.s32 $0x2;
	s19 =	simm.s32 $0x20  }
0x6: {  	s20 =	simm.s32 $0x10;
	s6 =	sand.u32 $0x1, s0;
	s0 =	stileid.u32  }
0x7: {  	s21 =	simm.s32 $0x0;
	[smem:$0x7FF] =	sst s4;
	s7 =	smul.u32 $0x5000, s6  }
0x8: {  	s2 =	sshll.u32 s6, $0x4;
	s9 =	smul.u32 $0x500, s0;
	s6 =	ssub.s32 $0x2, s6  }
0x9: {  	s30 =	smul.u32 $0x280, s0;
	s8 =	sor.u32 s0, s2;
	s2 =	rddreg [dreg:$0x3]  }
0xa: {  	_ =	strace $0x80000047;
	s31 =	sshrl.u32 s6, $0x1;
	s10 =	smul.u32 $0x500, s8  }
0xb: {  	s7 =	sadd.s32 s9, s7;
	p0 =	seq.s32 s8, $0x1F;
	s12 =	ssub.s32 s6, s31  }
0xc: {  	s6 =	sadd.s32 s30, s1;
	s7 =	sshrl.u32 s7, $0x3;
	s12 =	smax.u32 s12, $0x1  }
0xd: {  	s29 =	sadd.s32 s10, s5;
	s11 =	sadd.s32 s7, s5;
	s5 =	simm.s32 $0x14  }
0xe: {  	s7 =	sadd.s32 s30, s3;
	s5 =	simm.s32 @!p0 $0x50;
	s8 =	sadd.s32 $0xC400, s29  }
0xf: {  	v0 =	vimm.f32 $1.000000000e+00;
	v1 =	vimm.f32 $0.0e+00;
	s9 =	sadd.s32 $0x2400, s29;
	s10 =	sadd.s32 $0x16400, s11;
	s11 =	sadd.s32 $0x16410, s11  }
.LBB2_1:
0x10: {  	[tilespmem:$0x5000] =	vst v0  }
0x11: {  	[tilespmem:$0x5010] =	vst v0  }
0x12: {  	[tilespmem:$0x5020] =	vst v0  }
0x13: {  	[tilespmem:$0x5030] =	vst v0  }
0x14: {  	[tilespmem:$0x5040] =	vst v0  }
0x15: {  	[tilespmem:$0x5050] =	vst v0  }
0x16: {  	[tilespmem:$0x5060] =	vst v0  }
0x17: {  	[tilespmem:$0x5070] =	vst v0  }
0x18: {  	[tilespmem:$0x5080] =	vst v1  }
0x19: {  	[tilespmem:$0x5090] =	vst v1  }
0x1a: {  	[tilespmem:$0x50A0] =	vst v1  }
0x1b: {  	[tilespmem:$0x50B0] =	vst v1  }
0x1c: {  	[tilespmem:$0x50C0] =	vst v1  }
0x1d: {  	[tilespmem:$0x50D0] =	vst v1  }
0x1e: {  	[tilespmem:$0x50E0] =	vst v1  }
0x1f: {  	[tilespmem:$0x50F0] =	vst v1  }
0x20: {  	[tilespmem:$0x5100] =	vst v1  }
0x21: {  	[tilespmem:$0x5110] =	vst v1  }
0x22: {  	[tilespmem:$0x5120] =	vst v1  }
0x23: {  	[tilespmem:$0x5130] =	vst v1  }
0x24: {  	[tilespmem:$0x5140] =	vst v1  }
0x25: {  	[tilespmem:$0x5150] =	vst v1  }
0x26: {  	[tilespmem:$0x5160] =	vst v1  }
0x27: {  	[tilespmem:$0x5170] =	vst v1  }
0x28: {  	[tilespmem:$0x5180] =	vst v1  }
0x29: {  	[tilespmem:$0x5190] =	vst v1  }
0x2a: {  	[tilespmem:$0x51A0] =	vst v1  }
0x2b: {  	[tilespmem:$0x51B0] =	vst v1  }
0x2c: {  	[tilespmem:$0x51C0] =	vst v1  }
0x2d: {  	[tilespmem:$0x51D0] =	vst v1  }
0x2e: {  	[tilespmem:$0x51E0] =	vst v1  }
0x2f: {  	[tilespmem:$0x51F0] =	vst v1  }
0x30: {  	[tilespmem:$0x5200] =	vst v1  }
0x31: {  	[tilespmem:$0x5210] =	vst v1  }
0x32: {  	[tilespmem:$0x5220] =	vst v1  }
0x33: {  	[tilespmem:$0x5230] =	vst v1  }
0x34: {  	[tilespmem:$0x5240] =	vst v1  }
0x35: {  	[tilespmem:$0x5250] =	vst v1  }
0x36: {  	[tilespmem:$0x5260] =	vst v1  }
0x37: {  	[tilespmem:$0x5270] =	vst v1  }
0x38: {  	[tilespmem:$0x5280] =	vst v1  }
0x39: {  	[tilespmem:$0x5290] =	vst v1  }
0x3a: {  	[tilespmem:$0x52A0] =	vst v1  }
0x3b: {  	[tilespmem:$0x52B0] =	vst v1  }
0x3c: {  	[tilespmem:$0x52C0] =	vst v1  }
0x3d: {  	[tilespmem:$0x52D0] =	vst v1  }
0x3e: {  	[tilespmem:$0x52E0] =	vst v1  }
0x3f: {  	[tilespmem:$0x52F0] =	vst v1  }
0x40: {  	[spmem:s6] =	stream.linear.scatter [tilespmem:s13], [sflag:$0x3], $0x280, $0x38;
	[tilespmem:$0x5800] =	vst v63  }
0x41: {  	_ =	swait.ge [sflag:s14], $0x280  }
0x42: {  	[sflag:s14] =	ssyncset.done $0x0  }
0x43: {  	[sflag:s14] =	ssyncadd.s32 $0xFFFFFD80  }
0x44: {  	[spmem:s7] =	stream.linear.scatter [tilespmem:s13], [sflag:$0x3], $0x280, $0x38;
	[tilespmem:$0x5800] =	vst v63  }
0x45: {  	_ =	swait.ge [sflag:s14], $0x280  }
0x46: {  	[sflag:s14] =	ssyncset.done $0x0  }
0x47: {  	[sflag:s14] =	ssyncadd.s32 $0xFFFFFD80  }
0x48: {  	[tilespmem:s4], [sflag:$0x3] =	stream.linear.gather [hbm4b:s8+s4], $0x2800, $0x38;
	[tilespmem:$0x5800] =	vst v63  }
0x49: {  	_ =	swait.ge [sflag:s14], $0x2800  }
0x4a: {  	[sflag:s14] =	ssyncset.done $0x0  }
0x4b: {  	s22 =	simm.s32 $0x2800;
	[sflag:s14] =	ssyncadd.s32 $0xFFFFD800  }
0x4c: {  	[tilespmem:s22], [sflag:$0x3] =	stream.linear.gather [hbm4b:s9+s4], $0x2800, $0x38;
	[tilespmem:$0x5800] =	vst v63  }
0x4d: {  	_ =	swait.ge [sflag:s14], $0x2800  }
0x4e: {  	[sflag:s14] =	ssyncset.done $0x0  }
0x4f: {  	[sflag:s14] =	ssyncadd.s32 $0xFFFFD800  }
0x50: {  	[bflag:$0x0] =	sbarrier.arrive $0xFFFF  }
0x51: {  	[spmem:s1] =	stream.indirect.scatter.add.f32 [tilespmem:s16], [sflag:$0x1], $0x1, s4, s15, $0xb8;
	[tilespmem:$0x5800] =	vst v63  }
0x52: {  	p0 =	por $0x1, $0x1;
	p1 =	sne.s32 s5, $0x1  }
0x53: {  	[spmem:s3] =	stream.indirect.scatter.add.f32 [tilespmem:s16], [sflag:$0x2], $0x1, s22, s15, $0xb8;
	[tilespmem:$0x5800] =	vst v63  }
.Ltmp0:
0x54: {  	s23 =	simm.s32 @!p0 $0x1;
	(pc) =	sbr.rel @!p1 .LBB2_3-.Ltmp0, $4  }
0x55: {  	_ =	swait.ge @!p0 [sflag:s23], $0x80  }
0x56: {  	[sflag:s23] =	ssyncset.done @!p0 $0x0  }
0x57: {  	s24 =	simm.s32 $0x0;
	s25 =	simm.s32 @!p0 $0x2;
	[sflag:s23] =	ssyncadd.s32 @!p0 $0xFFFFFF80  }
0x58: {  	s22 =	simm.s32 $0x1;
	s23 =	simm.s32 $0x2880;
	_ =	swait.ge @!p0 [sflag:s25], $0x80  }
.LBB2_2:
0x59: {  	[sflag:s25] =	ssyncset.done @!p0 $0x0  }
0x5a: {  	s24 =	sadd.s32 $0x80, s24;
	s26 =	smov.u32 s22;
	s22 =	sadd.s32 $0x1, s22  }
0x5b: {  	p1 =	sne.s32 s5, s22;
	[sflag:s25] =	ssyncadd.s32 @!p0 $0xFFFFFF80  }
0x5c: {  	[spmem:s1] =	stream.indirect.scatter.add.f32 [tilespmem:s16], [sflag:$0x1], $0x1, s24, s15, $0xb8;
	[tilespmem:$0x5800] =	vst v63  }
0x5d: {  	p0 =	slt.u32 s26, $0x8  }
0x5e: {  	[spmem:s3] =	stream.indirect.scatter.add.f32 [tilespmem:s16], [sflag:$0x2], $0x1, s23, s15, $0xb8;
	[tilespmem:$0x5800] =	vst v63  }
.Ltmp1:
0x5f: {  	s26 =	simm.s32 @!p0 $0x1;
	(pc) =	sbr.rel @p1 .LBB2_2-.Ltmp1, $4  }
0x60: {  	_ =	swait.ge @!p0 [sflag:s26], $0x80  }
0x61: {  	s25 =	simm.s32 @!p0 $0x2;
	[sflag:s26] =	ssyncset.done @!p0 $0x0  }
0x62: {  	[sflag:s26] =	ssyncadd.s32 @!p0 $0xFFFFFF80  }
0x63: {  	s23 =	sadd.s32 $0x80, s23;
	_ =	swait.ge @!p0 [sflag:s25], $0x80  }
.LBB2_3:
0x64: {  	[sflag:s25] =	ssyncset.done @!p0 $0x0  }
0x65: {  	[sflag:s25] =	ssyncadd.s32 @!p0 $0xFFFFFF80  }
0x66: {  	_ =	swait.ge [sflag:s17], $0x80  }
0x67: {  	[sflag:s17] =	ssyncset.done $0x0  }
0x68: {  	[sflag:s17] =	ssyncadd.s32 $0xFFFFFF80  }
0x69: {  	_ =	swait.ge [sflag:s18], $0x80  }
0x6a: {  	[sflag:s18] =	ssyncset.done $0x0  }
0x6b: {  	[sflag:s18] =	ssyncadd.s32 $0xFFFFFF80  }
0x6c: {  	_ =	swait.ge [sflag:s17], $0x80  }
0x6d: {  	[sflag:s17] =	ssyncset.done $0x0  }
0x6e: {  	[sflag:s17] =	ssyncadd.s32 $0xFFFFFF80  }
0x6f: {  	_ =	swait.ge [sflag:s18], $0x80  }
0x70: {  	[sflag:s18] =	ssyncset.done $0x0  }
0x71: {  	[sflag:s18] =	ssyncadd.s32 $0xFFFFFF80  }
0x72: {  	_ =	swait.ge [sflag:s17], $0x80  }
0x73: {  	[sflag:s17] =	ssyncset.done $0x0  }
0x74: {  	[sflag:s17] =	ssyncadd.s32 $0xFFFFFF80  }
0x75: {  	_ =	swait.ge [sflag:s18], $0x80  }
0x76: {  	[sflag:s18] =	ssyncset.done $0x0  }
0x77: {  	[sflag:s18] =	ssyncadd.s32 $0xFFFFFF80  }
0x78: {  	_ =	swait.ge [sflag:s17], $0x80  }
0x79: {  	[sflag:s17] =	ssyncset.done $0x0  }
0x7a: {  	[sflag:s17] =	ssyncadd.s32 $0xFFFFFF80  }
0x7b: {  	_ =	swait.ge [sflag:s18], $0x80  }
0x7c: {  	[sflag:s18] =	ssyncset.done $0x0  }
0x7d: {  	[sflag:s18] =	ssyncadd.s32 $0xFFFFFF80  }
0x7e: {  	_ =	swait.ge [sflag:s17], $0x80  }
0x7f: {  	[sflag:s17] =	ssyncset.done $0x0  }
0x80: {  	[sflag:s17] =	ssyncadd.s32 $0xFFFFFF80  }
0x81: {  	_ =	swait.ge [sflag:s18], $0x80  }
0x82: {  	[sflag:s18] =	ssyncset.done $0x0  }
0x83: {  	[sflag:s18] =	ssyncadd.s32 $0xFFFFFF80  }
0x84: {  	_ =	swait.ge [sflag:s17], $0x80  }
0x85: {  	[sflag:s17] =	ssyncset.done $0x0  }
0x86: {  	[sflag:s17] =	ssyncadd.s32 $0xFFFFFF80  }
0x87: {  	_ =	swait.ge [sflag:s18], $0x80  }
0x88: {  	[sflag:s18] =	ssyncset.done $0x0  }
0x89: {  	[sflag:s18] =	ssyncadd.s32 $0xFFFFFF80  }
0x8a: {  	_ =	swait.ge [sflag:s17], $0x80  }
0x8b: {  	[sflag:s17] =	ssyncset.done $0x0  }
0x8c: {  	[sflag:s17] =	ssyncadd.s32 $0xFFFFFF80  }
0x8d: {  	_ =	swait.ge [sflag:s18], $0x80  }
0x8e: {  	[sflag:s18] =	ssyncset.done $0x0  }
0x8f: {  	[sflag:s18] =	ssyncadd.s32 $0xFFFFFF80  }
0x90: {  	_ =	swait.ge [sflag:s17], $0x80  }
0x91: {  	[sflag:s17] =	ssyncset.done $0x0  }
0x92: {  	[sflag:s17] =	ssyncadd.s32 $0xFFFFFF80  }
0x93: {  	_ =	swait.ge [sflag:s18], $0x80  }
0x94: {  	[sflag:s18] =	ssyncset.done $0x0  }
0x95: {  	s22 =	sshll.u32 s0, $0x6;
	[sflag:s18] =	ssyncadd.s32 $0xFFFFFF80  }
0x96: {  	s23 =	sshrl.u32 s6, $0x3;
	s22 =	sor.u32 $0x1C03, s22;
	[bflag:$0x0] =	sbarrier.arrive $0xFFFF  }
0x97: {  	[hbm:s10@s19], [sflag:s22] =	dma.strided [spmem:s23@s20], $0x50, s17, $0x10   }
0x98: {  	s21 =	sadd.s32 $0x1, s21;
	_ =	swait.ge [sflag:s14], $0x50  }
0x99: {  	p0 =	sne.s32 s21, s12;
	[sflag:s14] =	ssyncset.done $0x0  }
.Ltmp2:
0x9a: {  	s31 =	sshrl.u32 s7, $0x3;
	[sflag:s14] =	ssyncadd.s32 $0xFFFFFFB0;
	(pc) =	sbr.rel @p0 .LBB2_1-.Ltmp2, $4  }
0x9b: {  	[hbm:s11@s19], [sflag:s22] =	dma.strided [spmem:s31@s20], $0x50, s17, $0x10   }
0x9c: {  	_ =	swait.ge [sflag:s14], $0x50  }
0x9d: {  	[sflag:s14] =	ssyncset.done $0x0  }
0x9e: {  	[sflag:s14] =	ssyncadd.s32 $0xFFFFFFB0  }
0x9f: {  	_ =	sfence.sel $0x180000  }
0xa0: {  	[bflag:$0x0] =	sbarrier.arrive $0xFFFF  }
0xa1: {  	p0 =	sne.s32 s0, $0x0;
	_ =	strace $0x90000047  }
0xa2: {  	s0 =	sadd.s32 @!p0 $0x100000, s2;
	[bflag:$0x2] =	sbarrier.arrive $0xFFFF  }
0xa3: {  	[sflag:s0] =	ssyncadd.tile.s32 @!p0 $0x1;
	_ =	shalt  }
.Lfunc_end2:
_tile_overlayer_lowered:
.L_overlay_start_2:
0xa4: {  	(tag) =	ssettag $0x2  }
0xa5: {  	s0 =	rddreg [dreg:$0x0];
	s2 =	stileid.u32  }
0xa6: {  	s1 =	rddreg [dreg:$0x1];
	p0 =	sne.s32 s2, $0x0  }
0xa7: {  	s3 =	rddreg [dreg:$0x2];
	[bflag:$0x3] =	sbarrier.arrive $0xFFFF;
	s2 =	simm.s32 @!p0 $0x1C03  }
0xa8: {  	[timem:s3], [sflag:s2] =	dma.local @!p0 [hbm:s0], s1  }
0xa9: {  	s0 =	simm.s32 @!p0 $0x3  }
0xaa: {  	_ =	swait.ge @!p0 [sflag:s0], s1  }
0xab: {  	s1 =	ssub.s32 @!p0 $0x0, s1;
	[sflag:s0] =	ssyncset.done @!p0 $0x0  }
0xac: {  	[sflag:s0] =	ssyncadd.s32 @!p0 s1  }
0xad: {  	[bflag:$0x3] =	sbarrier.arrive $0xFFFF  }
0xae: {  	_ =	shalt  }

</sc_bundles>
